<compile_context>
chip_gen: v7x
topology: tpu7x:2x2x1
jax: 0.10.2.dev20260603
libtpu: 0.0.44.dev20260713+nightly
codegen_flags: <defaults>
</compile_context>

<pallas_src>
import functools

import jax
import jax.numpy as jnp
import numpy as np
from jax import lax
from jax.experimental import pallas as pl
from jax.experimental.pallas import tpu as pltpu
from jax.experimental.pallas import tpu_sc as plsc

_N_USER = 10000
_N_ITEM = 40000
_N_NODES = _N_USER + _N_ITEM
_D = 64
_H = 32
_HP = 16
_E = 800000
_B = 4096
_NB = 2 * _B

_N_TILES = 16
_CHUNK = 128
_E_PAD = 819200
_EDGES_PER_TILE = _E_PAD // _N_TILES
_N_CHUNKS = _EDGES_PER_TILE // _CHUNK
_ACC_ROWS = 50176
_ACC_PER_TILE = _ACC_ROWS // _N_TILES
_B_PER_TILE = _NB // _N_TILES
_B_CHUNKS = _B_PER_TILE // _CHUNK

_INV_PERM = np.array(
    [32 * (k // 32) + 16 * (k % 2) + (k % 32) // 2 for k in range(64)],
    dtype=np.int32)


def _sc_side_kernel():
    mesh = plsc.VectorSubcoreMesh(core_axis_name="c", subcore_axis_name="s")

    @functools.partial(
        pl.kernel,
        mesh=mesh,
        out_type=[
            jax.ShapeDtypeStruct((_NB, _H), jnp.float32),
            jax.ShapeDtypeStruct((_NB, _H), jnp.float32),
            jax.ShapeDtypeStruct((_NB, _D), jnp.float32),
        ],
        compiler_params=pltpu.CompilerParams(
            use_tc_tiling_on_sc=False, needs_layout_passes=False),
        scratch_types=[
            pltpu.VMEM_SHARED((_ACC_ROWS, _H), jnp.float32),
            [pltpu.VMEM((_CHUNK,), jnp.int32)] * 2,
            [pltpu.VMEM((_CHUNK,), jnp.int32)] * 2,
            [pltpu.VMEM((_CHUNK,), jnp.float32)] * 2,
            [pltpu.VMEM((_CHUNK, _H), jnp.bfloat16)] * 2,
            [pltpu.VMEM((_CHUNK, _H), jnp.float32)] * 2,
            pltpu.VMEM((_CHUNK,), jnp.int32),
            pltpu.VMEM((_CHUNK, _H), jnp.float32),
            pltpu.VMEM((_CHUNK, _D), jnp.float32),
            [pltpu.SemaphoreType.DMA] * 2,
            [pltpu.SemaphoreType.DMA] * 2,
            [pltpu.SemaphoreType.DMA] * 2,
            [pltpu.SemaphoreType.DMA] * 2,
            pltpu.SemaphoreType.DMA,
        ],
    )
    def sc(emb16_lo, emb16_hi, src_h, dst_h, val_h, zeros_h, bidx_h,
           users_h, items_h, uemb_h, iemb_h,
           side_lo, side_hi, embg,
           acc, src2, dst2, val2, xi2, frows2,
           bidxv, gbuf, gbuf64, sv2, sd2, sg2, ss2, sem):
        cid = lax.axis_index("c")
        sid = lax.axis_index("s")

        pltpu.sync_copy(zeros_h.at[pl.ds(sid * _ACC_PER_TILE, _ACC_PER_TILE)],
                        acc.at[pl.ds(sid * _ACC_PER_TILE, _ACC_PER_TILE)])
        plsc.subcore_barrier()

        def edge_pass(emb_h):
            ebase = sid * _EDGES_PER_TILE

            def _off(i):
                return ebase + jnp.minimum(i, _N_CHUNKS - 1) * _CHUNK

            def sv_start(i, b):
                off = _off(i)
                pltpu.async_copy(src_h.at[pl.ds(off, _CHUNK)], src2[b],
                                 sv2[b])
                pltpu.async_copy(val_h.at[pl.ds(off, _CHUNK)], val2[b],
                                 sv2[b])

            def sv_wait(b):
                pltpu.make_async_copy(src_h.at[pl.ds(0, _CHUNK)], src2[b],
                                      sv2[b]).wait()
                pltpu.make_async_copy(val_h.at[pl.ds(0, _CHUNK)], val2[b],
                                      sv2[b]).wait()

            def dst_start(i, b):
                pltpu.async_copy(dst_h.at[pl.ds(_off(i), _CHUNK)], dst2[b],
                                 sd2[b])

            def dst_wait(b):
                pltpu.make_async_copy(dst_h.at[pl.ds(0, _CHUNK)], dst2[b],
                                      sd2[b]).wait()

            def gat_start(b):
                pltpu.async_copy(emb_h.at[src2[b]], xi2[b], sg2[b])

            def gat_wait(b):
                pltpu.make_async_copy(emb_h.at[src2[b]], xi2[b],
                                      sg2[b]).wait()

            def scatter_wait(b):
                pltpu.make_async_copy(frows2[b], acc.at[dst2[b]],
                                      ss2[b]).wait()

            def scale(b):
                valX = val2[b]
                xiX = xi2[b]
                frowsX = frows2[b]

                @plsc.parallel_loop(0, _CHUNK, unroll=16)
                def _(e):
                    base16 = (e // 16) * 16
                    vv = valX[pl.ds(base16, 16)]
                    v16 = vv.at[jnp.full((16,), e - base16,
                                         dtype=jnp.int32)].get(
                                             mode="promise_in_bounds")
                    xb = xiX[e, pl.ds(0, _H)]
                    ev, od = plsc.unpack(
                        xb, format=plsc.PackFormat.INTERLEAVED)
                    frowsX[e, pl.ds(0, 16)] = ev * v16
                    frowsX[e, pl.ds(16, 16)] = od * v16

            def phase(i, t, o):
                sv_wait(o)
                scatter_wait(o)
                dst_start(i + 1, o)
                gat_start(o)
                gat_wait(t)
                scale(t)
                dst_wait(t)
                pltpu.async_copy(frows2[t], acc.at[dst2[t]], ss2[t],
                                 add=True)
                sv_start(i + 2, t)

            sv_start(0, 0)
            dst_start(0, 0)
            sv_wait(0)
            gat_start(0)
            sv_start(1, 1)
            pltpu.async_copy(zeros_h.at[pl.ds(0, _CHUNK)], frows2[1], ss2[1])

            def chunk_body(k, carry):
                i = 2 * k
                phase(i, 0, 1)
                phase(i + 1, 1, 0)
                return carry

            lax.fori_loop(0, _N_CHUNKS // 2, chunk_body, 0)
            scatter_wait(1)
            gat_wait(0)
            sv_wait(1)
            dst_wait(0)

        def side_epilogue(side_o):
            base = sid * _B_PER_TILE

            def g_body(j, carry):
                off = base + j * _CHUNK
                pltpu.sync_copy(bidx_h.at[pl.ds(off, _CHUNK)], bidxv)
                pltpu.sync_copy(acc.at[bidxv], gbuf)
                pltpu.sync_copy(gbuf, side_o.at[pl.ds(off, _CHUNK)])
                return carry

            lax.fori_loop(0, _B_CHUNKS, g_body, 0)

        def ego_epilogue(tab_h, idx_h, out_base):
            def g_body(j, carry):
                off = sid * (_B // 8) + j * _CHUNK
                pltpu.sync_copy(idx_h.at[pl.ds(off, _CHUNK)], bidxv)
                pltpu.async_copy(tab_h.at[bidxv], gbuf64, sem).wait()
                pltpu.sync_copy(gbuf64,
                                embg.at[pl.ds(out_base + off, _CHUNK)])
                return carry

            lax.fori_loop(0, (_B // 8) // _CHUNK, g_body, 0)

        @pl.when(cid == 0)
        def _():
            edge_pass(emb16_lo)

        @pl.when(cid == 1)
        def _():
            edge_pass(emb16_hi)

        plsc.subcore_barrier()

        @pl.when(cid == 0)
        def _():
            side_epilogue(side_lo)

        @pl.when(cid == 1)
        def _():
            side_epilogue(side_hi)

        @pl.when(jnp.logical_and(cid == 0, sid < 8))
        def _():
            ego_epilogue(uemb_h, users_h, 0)

        @pl.when(jnp.logical_and(cid == 1, sid < 8))
        def _():
            ego_epilogue(iemb_h, items_h, _B)

    return sc


def _tc_epilogue(eu_ref, ei_ref, su_ref, si_ref,
                 wg0, bg0, wb0, bb0, wg1, bg1, wb1, bb1, out_ref):
    eu = eu_ref[...]
    ei = ei_ref[...]
    su = su_ref[...]
    si = si_ref[...]
    g = jnp.sum(eu * ei, axis=1)
    for (wg, bg, wb, bb) in ((wg0, bg0, wb0, bb0), (wg1, bg1, wb1, bb1)):
        Wg = wg[...]
        Wb = wb[...]
        zu = (jnp.dot(su, Wg, preferred_element_type=jnp.float32) + bg[...]
              + jnp.dot(eu * su, Wb, preferred_element_type=jnp.float32)
              + bb[...])
        zi = (jnp.dot(si, Wg, preferred_element_type=jnp.float32) + bg[...]
              + jnp.dot(ei * si, Wb, preferred_element_type=jnp.float32)
              + bb[...])
        au = jnp.where(zu >= 0, zu, 0.2 * zu)
        ai = jnp.where(zi >= 0, zi, 0.2 * zi)
        nu = au / jnp.maximum(
            jnp.sqrt(jnp.sum(au * au, axis=1, keepdims=True)), 1e-12)
        ni = ai / jnp.maximum(
            jnp.sqrt(jnp.sum(ai * ai, axis=1, keepdims=True)), 1e-12)
        g = g + jnp.sum(nu * ni, axis=1)
    out_ref[...] = g


def _pack_half(u_half, i_half):
    return jnp.concatenate([u_half, i_half], axis=0).astype(jnp.bfloat16)


def kernel(adj_indices, adj_values, users, items, user_emb, item_emb,
           W_gc_0, b_gc_0, W_bi_0, b_bi_0, W_gc_1, b_gc_1, W_bi_1, b_bi_1):
    rate = 0.2
    drop_key = jax.random.key(12345)
    rt = (1.0 - rate) + jax.random.uniform(
        drop_key, (adj_values.shape[0],), dtype=jnp.float32)
    vals = adj_values * jnp.floor(rt) * (1.0 / (1.0 - rate))

    dst = adj_indices[0]
    src = adj_indices[1]
    pad = _E_PAD - _E
    srcp = jnp.concatenate([src, jnp.zeros((pad,), jnp.int32)])
    dstp = jnp.concatenate([dst, jnp.zeros((pad,), jnp.int32)])
    valp = jnp.concatenate([vals, jnp.zeros((pad,), jnp.float32)])

    emb16_lo = _pack_half(user_emb[:, :_H], item_emb[:, :_H])
    emb16_hi = _pack_half(user_emb[:, _H:], item_emb[:, _H:])
    zeros_h = jnp.zeros((_ACC_ROWS, _H), jnp.float32)
    bidx = jnp.concatenate([users, items + _N_USER])

    side_lo, side_hi, emb_g = _sc_side_kernel()(
        emb16_lo, emb16_hi, srcp, dstp, valp, zeros_h, bidx,
        users, items, user_emb, item_emb)

    side_g = jnp.concatenate([side_lo, side_hi], axis=1)[:, _INV_PERM]
    su, si = side_g[:_B], side_g[_B:]
    eu, ei = emb_g[:_B], emb_g[_B:]

    gamma = pl.pallas_call(
        _tc_epilogue,
        out_shape=jax.ShapeDtypeStruct((_B,), jnp.float32),
    )(eu, ei, su, si, W_gc_0, b_gc_0, W_bi_0, b_bi_0,
      W_gc_1, b_gc_1, W_bi_1, b_bi_1)
    return gamma

# --- scband reference (transcript-rebuilt; emitter-appended) ---
"""Pipeline reference for scband-ngcf-55319178772881 (READ-ONLY COPY).

The authoritative reference and input builder live on the scoring server;
editing this copy changes nothing except your own understanding.
"""

import jax, jax.numpy as jnp
import numpy as np

N_USER = 10000
N_ITEM = 40000
N_NODES = N_USER + N_ITEM
D = 64
N_LAYERS = 2
E = 800000
B = 4096


def _xavier(key, shape):
    fan_in, fan_out = shape[0], shape[1]
    bound = float(np.sqrt(6.0 / (fan_in + fan_out)))
    return jax.random.uniform(key, shape, minval=-bound, maxval=bound, dtype=jnp.float32)


def setup_inputs(seed: int = 0):
    key = jax.random.key(seed)
    ks = jax.random.split(key, 20)
    inp = {}
    inp['adj_indices'] = jax.random.randint(ks[0], (2, E), 0, N_NODES, dtype=jnp.int32)
    inp['adj_values'] = jax.random.uniform(ks[1], (E,), dtype=jnp.float32)
    inp['users'] = jax.random.randint(ks[2], (B,), 0, N_USER, dtype=jnp.int32)
    inp['items'] = jax.random.randint(ks[3], (B,), 0, N_ITEM, dtype=jnp.int32)
    inp['user_emb'] = _xavier(ks[4], (N_USER, D))
    inp['item_emb'] = _xavier(ks[5], (N_ITEM, D))
    for k in range(N_LAYERS):
        inp['W_gc_%d' % k] = _xavier(ks[6 + 4 * k], (D, D))
        inp['b_gc_%d' % k] = _xavier(ks[7 + 4 * k], (1, D))
        inp['W_bi_%d' % k] = _xavier(ks[8 + 4 * k], (D, D))
        inp['b_bi_%d' % k] = _xavier(ks[9 + 4 * k], (1, D))
    return inp


def _normalize(x):
    n = jnp.linalg.norm(x, ord=2, axis=1, keepdims=True)
    return x / jnp.maximum(n, 1e-12)


def _computer(adj_indices, adj_values, user_emb, item_emb, Ws):
    # sparse_dropout(adj, 0.2, nnz): keep prob 0.8, rescale by 1/0.8.
    # Dropped edges contribute exactly zero to the spmm, so masking values
    # is mathematically identical to removing the entries.
    rate = 0.2
    drop_key = jax.random.key(12345)
    random_tensor = (1.0 - rate) + jax.random.uniform(drop_key, (adj_values.shape[0],), dtype=jnp.float32)
    mask = jnp.floor(random_tensor)
    vals = adj_values * mask * (1.0 / (1.0 - rate))

    all_emb = jnp.concatenate([user_emb, item_emb], axis=0)
    dst = adj_indices[0]
    src = adj_indices[1]
    all_embedding = [all_emb]
    # NOTE: faithful to the original torch code, all_emb is NOT updated
    # inside the loop; every layer propagates the ego embeddings.
    for (W_gc, b_gc, W_bi, b_bi) in Ws:
        msgs = vals[:, None] * jnp.take(all_emb, src, axis=0)
        side = jax.ops.segment_sum(msgs, dst, num_segments=N_NODES)
        sum_emb = side @ W_gc + b_gc
        bi = (all_emb * side) @ W_bi + b_bi
        ego = jax.nn.leaky_relu(sum_emb + bi, negative_slope=0.2)
        norm_emb = _normalize(ego)
        all_embedding.append(norm_emb)
    all_cat = jnp.concatenate(all_embedding, axis=1)
    return all_cat[:N_USER], all_cat[N_USER:]


def reference(adj_indices, adj_values, users, items, user_emb, item_emb,
              W_gc_0, b_gc_0, W_bi_0, b_bi_0, W_gc_1, b_gc_1, W_bi_1, b_bi_1):
    Ws = [(W_gc_0, b_gc_0, W_bi_0, b_bi_0), (W_gc_1, b_gc_1, W_bi_1, b_bi_1)]
    all_users, all_items = _computer(adj_indices, adj_values, user_emb, item_emb, Ws)
    users_emb = jnp.take(all_users, users, axis=0)
    items_emb = jnp.take(all_items, items, axis=0)
    gamma = jnp.sum(users_emb * items_emb, axis=1)
    return gamma

if __name__ == "__main__":
    import jax
    _d = setup_inputs()
    print(jax.jit(kernel)(*tuple(_d.values())))

</pallas_src>

<mosaic_0001>
#map = affine_map<(d0, d1) -> (0, 0)>
#map1 = affine_map<(d0, d1) -> (0)>
module attributes {stable_mosaic.version = 14 : i64} {
  func.func @sc(%arg0: i32, %arg1: i32, %arg2: memref<50000x32xbf16, #tpu.memory_space<hbm>>, %arg3: memref<50000x32xbf16, #tpu.memory_space<hbm>>, %arg4: memref<819200xi32, #tpu.memory_space<hbm>>, %arg5: memref<819200xi32, #tpu.memory_space<hbm>>, %arg6: memref<819200xf32, #tpu.memory_space<hbm>>, %arg7: memref<50176x32xf32, #tpu.memory_space<hbm>>, %arg8: memref<8192xi32, #tpu.memory_space<hbm>>, %arg9: memref<4096xi32, #tpu.memory_space<hbm>>, %arg10: memref<4096xi32, #tpu.memory_space<hbm>>, %arg11: memref<10000x64xf32, #tpu.memory_space<hbm>>, %arg12: memref<40000x64xf32, #tpu.memory_space<hbm>>, %arg13: memref<8192x32xf32, #tpu.memory_space<hbm>>, %arg14: memref<8192x32xf32, #tpu.memory_space<hbm>>, %arg15: memref<8192x64xf32, #tpu.memory_space<hbm>>, %arg16: memref<50176x32xf32, #tpu.memory_space<vmem_shared>>, %arg17: memref<128xi32, #tpu.memory_space<vmem>>, %arg18: memref<128xi32, #tpu.memory_space<vmem>>, %arg19: memref<128xi32, #tpu.memory_space<vmem>>, %arg20: memref<128xi32, #tpu.memory_space<vmem>>, %arg21: memref<128xf32, #tpu.memory_space<vmem>>, %arg22: memref<128xf32, #tpu.memory_space<vmem>>, %arg23: memref<128x32xbf16, #tpu.memory_space<vmem>>, %arg24: memref<128x32xbf16, #tpu.memory_space<vmem>>, %arg25: memref<128x32xf32, #tpu.memory_space<vmem>>, %arg26: memref<128x32xf32, #tpu.memory_space<vmem>>, %arg27: memref<128xi32, #tpu.memory_space<vmem>>, %arg28: memref<128x32xf32, #tpu.memory_space<vmem>>, %arg29: memref<128x64xf32, #tpu.memory_space<vmem>>, %arg30: memref<!tpu.dma_semaphore, #tpu.memory_space<semaphore_mem>>, %arg31: memref<!tpu.dma_semaphore, #tpu.memory_space<semaphore_mem>>, %arg32: memref<!tpu.dma_semaphore, #tpu.memory_space<semaphore_mem>>, %arg33: memref<!tpu.dma_semaphore, #tpu.memory_space<semaphore_mem>>, %arg34: memref<!tpu.dma_semaphore, #tpu.memory_space<semaphore_mem>>, %arg35: memref<!tpu.dma_semaphore, #tpu.memory_space<semaphore_mem>>, %arg36: memref<!tpu.dma_semaphore, #tpu.memory_space<semaphore_mem>>, %arg37: memref<!tpu.dma_semaphore, #tpu.memory_space<semaphore_mem>>, %arg38: memref<!tpu.dma_semaphore, #tpu.memory_space<semaphore_mem>>) attributes {dimension_semantics = [#tpu.dimension_semantics<core_parallel>, #tpu.dimension_semantics<subcore_parallel>], iteration_bounds = array<i64: 2, 16>, scalar_prefetch = 0 : i64, scratch_operands = 23 : i64, tpu.core_type = #tpu.core_type<sc_vector_subcore>, window_params = [{transform_indices = #map}, {transform_indices = #map}, {transform_indices = #map1}, {transform_indices = #map1}, {transform_indices = #map1}, {transform_indices = #map}, {transform_indices = #map1}, {transform_indices = #map1}, {transform_indices = #map1}, {transform_indices = #map}, {transform_indices = #map}, {transform_indices = #map}, {transform_indices = #map}, {transform_indices = #map}]} {
    %mul3A = arith.constant 3136 : i32
    %mul3A_0 = arith.muli %arg1, %mul3A : i32
    %mul3A_1 = arith.constant 3136 : i32
    %mul3A_2 = arith.muli %arg1, %mul3A_1 : i32
    "tpu.region"() ({
      %run_scoped3A = tpu.sem_alloc : memref<!tpu.dma_semaphore, #tpu.memory_space<semaphore_mem>>
      %dma_start3A = arith.constant 0 : i32
      %dma_start3A_35 = tpu.memref_slice %arg16[%mul3A_2, %dma_start3A] : memref<50176x32xf32, #tpu.memory_space<vmem_shared>> -> memref<3136x32xf32, #tpu.memory_space<vmem_shared>>
      %dma_start3A_36 = arith.constant 0 : i32
      %dma_start3A_37 = tpu.memref_slice %arg7[%mul3A_0, %dma_start3A_36] : memref<50176x32xf32, #tpu.memory_space<hbm>> -> memref<3136x32xf32, #tpu.memory_space<hbm>>
      tpu.enqueue_dma source(%dma_start3A_37 : memref<3136x32xf32, #tpu.memory_space<hbm>>) target(%dma_start3A_35 : memref<3136x32xf32, #tpu.memory_space<vmem_shared>>) target_semaphore(%run_scoped3A : memref<!tpu.dma_semaphore, #tpu.memory_space<semaphore_mem>>)
      %dma_wait3A = arith.constant 0 : i32
      %dma_wait3A_38 = tpu.memref_slice %arg16[%mul3A_2, %dma_wait3A] : memref<50176x32xf32, #tpu.memory_space<vmem_shared>> -> memref<3136x32xf32, #tpu.memory_space<vmem_shared>>
      %dma_wait3A_39 = arith.constant 0 : i32
      %dma_wait3A_40 = tpu.memref_slice %arg7[%mul3A_0, %dma_wait3A_39] : memref<50176x32xf32, #tpu.memory_space<hbm>> -> memref<3136x32xf32, #tpu.memory_space<hbm>>
      tpu.wait_dma2 semaphore(%run_scoped3A : memref<!tpu.dma_semaphore, #tpu.memory_space<semaphore_mem>>) src(%dma_wait3A_40 : memref<3136x32xf32, #tpu.memory_space<hbm>>) dst(%dma_wait3A_38 : memref<3136x32xf32, #tpu.memory_space<vmem_shared>>)
      tpu.yield
    }) : () -> ()
    %barrier3A = arith.constant 0 : index
    tpu.barrier barrier_id(%barrier3A)
    %eq3A = arith.constant 0 : i32
    %eq3A_3 = arith.cmpi eq, %arg0, %eq3A : i32
    %convert_element_type3A = arith.extui %eq3A_3 : i1 to i32
    %cond3A = arith.constant 0 : i32
    %cond3A_4 = arith.cmpi ne, %convert_element_type3A, %cond3A : i32
    scf.if %cond3A_4 {
      %mul3A_35 = arith.constant 51200 : i32
      %mul3A_36 = arith.muli %arg1, %mul3A_35 : i32
      %min3A = arith.constant 0 : i32
      %min3A_37 = arith.constant 399 : i32
      %min3A_38 = arith.minsi %min3A, %min3A_37 : i32
      %mul3A_39 = arith.constant 128 : i32
      %mul3A_40 = arith.muli %min3A_38, %mul3A_39 : i32
      %add3A = arith.addi %mul3A_36, %mul3A_40 : i32
      %dma_start3A = tpu.memref_slice %arg4[%add3A] : memref<819200xi32, #tpu.memory_space<hbm>> -> memref<128xi32, #tpu.memory_space<hbm>>
      %dma_start3A_41 = tpu.memref_slice %arg4[%add3A] : memref<819200xi32, #tpu.memory_space<hbm>> -> memref<128xi32, #tpu.memory_space<hbm>>
      tpu.enqueue_dma source(%dma_start3A_41 : memref<128xi32, #tpu.memory_space<hbm>>) target(%arg17 : memref<128xi32, #tpu.memory_space<vmem>>) target_semaphore(%arg30 : memref<!tpu.dma_semaphore, #tpu.memory_space<semaphore_mem>>)
      %dma_start3A_42 = tpu.memref_slice %arg6[%add3A] : memref<819200xf32, #tpu.memory_space<hbm>> -> memref<128xf32, #tpu.memory_space<hbm>>
      %dma_start3A_43 = tpu.memref_slice %arg6[%add3A] : memref<819200xf32, #tpu.memory_space<hbm>> -> memref<128xf32, #tpu.memory_space<hbm>>
      tpu.enqueue_dma source(%dma_start3A_43 : memref<128xf32, #tpu.memory_space<hbm>>) target(%arg21 : memref<128xf32, #tpu.memory_space<vmem>>) target_semaphore(%arg30 : memref<!tpu.dma_semaphore, #tpu.memory_space<semaphore_mem>>)
      %min3A_44 = arith.constant 0 : i32
      %min3A_45 = arith.constant 399 : i32
      %min3A_46 = arith.minsi %min3A_44, %min3A_45 : i32
      %mul3A_47 = arith.constant 128 : i32
      %mul3A_48 = arith.muli %min3A_46, %mul3A_47 : i32
      %add3A_49 = arith.addi %mul3A_36, %mul3A_48 : i32
      %dma_start3A_50 = tpu.memref_slice %arg5[%add3A_49] : memref<819200xi32, #tpu.memory_space<hbm>> -> memref<128xi32, #tpu.memory_space<hbm>>
      %dma_start3A_51 = tpu.memref_slice %arg5[%add3A_49] : memref<819200xi32, #tpu.memory_space<hbm>> -> memref<128xi32, #tpu.memory_space<hbm>>
      tpu.enqueue_dma source(%dma_start3A_51 : memref<128xi32, #tpu.memory_space<hbm>>) target(%arg19 : memref<128xi32, #tpu.memory_space<vmem>>) target_semaphore(%arg32 : memref<!tpu.dma_semaphore, #tpu.memory_space<semaphore_mem>>)
      %dma_wait3A = arith.constant 0 : i32
      %dma_wait3A_52 = tpu.memref_slice %arg4[%dma_wait3A] : memref<819200xi32, #tpu.memory_space<hbm>> -> memref<128xi32, #tpu.memory_space<hbm>>
      %dma_wait3A_53 = arith.constant 0 : i32
      %dma_wait3A_54 = tpu.memref_slice %arg4[%dma_wait3A_53] : memref<819200xi32, #tpu.memory_space<hbm>> -> memref<128xi32, #tpu.memory_space<hbm>>
      tpu.wait_dma2 semaphore(%arg30 : memref<!tpu.dma_semaphore, #tpu.memory_space<semaphore_mem>>) src(%dma_wait3A_54 : memref<128xi32, #tpu.memory_space<hbm>>) dst(%arg17 : memref<128xi32, #tpu.memory_space<vmem>>)
      %dma_wait3A_55 = arith.constant 0 : i32
      %dma_wait3A_56 = tpu.memref_slice %arg6[%dma_wait3A_55] : memref<819200xf32, #tpu.memory_space<hbm>> -> memref<128xf32, #tpu.memory_space<hbm>>
      %dma_wait3A_57 = arith.constant 0 : i32
      %dma_wait3A_58 = tpu.memref_slice %arg6[%dma_wait3A_57] : memref<819200xf32, #tpu.memory_space<hbm>> -> memref<128xf32, #tpu.memory_space<hbm>>
      tpu.wait_dma2 semaphore(%arg30 : memref<!tpu.dma_semaphore, #tpu.memory_space<semaphore_mem>>) src(%dma_wait3A_58 : memref<128xf32, #tpu.memory_space<hbm>>) dst(%arg21 : memref<128xf32, #tpu.memory_space<vmem>>)
      %dma_start3A_59 = arith.constant 0 : i32
      %dma_start3A_60 = arith.constant 0 : i32
      %dma_start3A_61 = tpu.memref_slice %arg2[%dma_start3A_59, %dma_start3A_60] : memref<50000x32xbf16, #tpu.memory_space<hbm>> -> memref<50000x32xbf16, #tpu.memory_space<hbm>>
      tpu.enqueue_indirect_dma source(%dma_start3A_61 : memref<50000x32xbf16, #tpu.memory_space<hbm>>) target(%arg23 : memref<128x32xbf16, #tpu.memory_space<vmem>>) offsets(%arg17 : memref<128xi32, #tpu.memory_space<vmem>>) semaphore(%arg34 : memref<!tpu.dma_semaphore, #tpu.memory_space<semaphore_mem>>)
      %min3A_62 = arith.constant 1 : i32
      %min3A_63 = arith.constant 399 : i32
      %min3A_64 = arith.minsi %min3A_62, %min3A_63 : i32
      %mul3A_65 = arith.constant 128 : i32
      %mul3A_66 = arith.muli %min3A_64, %mul3A_65 : i32
      %add3A_67 = arith.addi %mul3A_36, %mul3A_66 : i32
      %dma_start3A_68 = tpu.memref_slice %arg4[%add3A_67] : memref<819200xi32, #tpu.memory_space<hbm>> -> memref<128xi32, #tpu.memory_space<hbm>>
      %dma_start3A_69 = tpu.memref_slice %arg4[%add3A_67] : memref<819200xi32, #tpu.memory_space<hbm>> -> memref<128xi32, #tpu.memory_space<hbm>>
      tpu.enqueue_dma source(%dma_start3A_69 : memref<128xi32, #tpu.memory_space<hbm>>) target(%arg18 : memref<128xi32, #tpu.memory_space<vmem>>) target_semaphore(%arg31 : memref<!tpu.dma_semaphore, #tpu.memory_space<semaphore_mem>>)
      %dma_start3A_70 = tpu.memref_slice %arg6[%add3A_67] : memref<819200xf32, #tpu.memory_space<hbm>> -> memref<128xf32, #tpu.memory_space<hbm>>
      %dma_start3A_71 = tpu.memref_slice %arg6[%add3A_67] : memref<819200xf32, #tpu.memory_space<hbm>> -> memref<128xf32, #tpu.memory_space<hbm>>
      tpu.enqueue_dma source(%dma_start3A_71 : memref<128xf32, #tpu.memory_space<hbm>>) target(%arg22 : memref<128xf32, #tpu.memory_space<vmem>>) target_semaphore(%arg31 : memref<!tpu.dma_semaphore, #tpu.memory_space<semaphore_mem>>)
      %dma_start3A_72 = arith.constant 0 : i32
      %dma_start3A_73 = arith.constant 0 : i32
      %dma_start3A_74 = tpu.memref_slice %arg7[%dma_start3A_72, %dma_start3A_73] : memref<50176x32xf32, #tpu.memory_space<hbm>> -> memref<128x32xf32, #tpu.memory_space<hbm>>
      %dma_start3A_75 = arith.constant 0 : i32
      %dma_start3A_76 = arith.constant 0 : i32
      %dma_start3A_77 = tpu.memref_slice %arg7[%dma_start3A_75, %dma_start3A_76] : memref<50176x32xf32, #tpu.memory_space<hbm>> -> memref<128x32xf32, #tpu.memory_space<hbm>>
      tpu.enqueue_dma source(%dma_start3A_77 : memref<128x32xf32, #tpu.memory_space<hbm>>) target(%arg26 : memref<128x32xf32, #tpu.memory_space<vmem>>) target_semaphore(%arg37 : memref<!tpu.dma_semaphore, #tpu.memory_space<semaphore_mem>>)
      %scan3A = arith.constant 0 : i32
      %scan3A_78 = arith.constant 0 : i32
      %scan3A_79 = arith.constant 200 : i32
      %scan3A_80 = arith.addi %scan3A_78, %scan3A_79 : i32
      %scan3A_81 = arith.constant 1 : i32
      scf.for %scan3A_101 = %scan3A_78 to %scan3A_80 step %scan3A_81  : i32 {
        %mul3A_102 = arith.constant 2 : i32
        %mul3A_103 = arith.muli %mul3A_102, %scan3A_101 : i32
        %dma_wait3A_104 = arith.constant 0 : i32
        %dma_wait3A_105 = tpu.memref_slice %arg4[%dma_wait3A_104] : memref<819200xi32, #tpu.memory_space<hbm>> -> memref<128xi32, #tpu.memory_space<hbm>>
        %dma_wait3A_106 = arith.constant 0 : i32
        %dma_wait3A_107 = tpu.memref_slice %arg4[%dma_wait3A_106] : memref<819200xi32, #tpu.memory_space<hbm>> -> memref<128xi32, #tpu.memory_space<hbm>>
        tpu.wait_dma2 semaphore(%arg31 : memref<!tpu.dma_semaphore, #tpu.memory_space<semaphore_mem>>) src(%dma_wait3A_107 : memref<128xi32, #tpu.memory_space<hbm>>) dst(%arg18 : memref<128xi32, #tpu.memory_space<vmem>>)
        %dma_wait3A_108 = arith.constant 0 : i32
        %dma_wait3A_109 = tpu.memref_slice %arg6[%dma_wait3A_108] : memref<819200xf32, #tpu.memory_space<hbm>> -> memref<128xf32, #tpu.memory_space<hbm>>
        %dma_wait3A_110 = arith.constant 0 : i32
        %dma_wait3A_111 = tpu.memref_slice %arg6[%dma_wait3A_110] : memref<819200xf32, #tpu.memory_space<hbm>> -> memref<128xf32, #tpu.memory_space<hbm>>
        tpu.wait_dma2 semaphore(%arg31 : memref<!tpu.dma_semaphore, #tpu.memory_space<semaphore_mem>>) src(%dma_wait3A_111 : memref<128xf32, #tpu.memory_space<hbm>>) dst(%arg22 : memref<128xf32, #tpu.memory_space<vmem>>)
        %dma_wait3A_112 = arith.constant 0 : i32
        %dma_wait3A_113 = arith.constant 0 : i32
        %dma_wait3A_114 = tpu.memref_slice %arg16[%dma_wait3A_112, %dma_wait3A_113] : memref<50176x32xf32, #tpu.memory_space<vmem_shared>> -> memref<50176x32xf32, #tpu.memory_space<vmem_shared>>
        tpu.wait_indirect_dma semaphore(%arg37 : memref<!tpu.dma_semaphore, #tpu.memory_space<semaphore_mem>>) src(%arg26 : memref<128x32xf32, #tpu.memory_space<vmem>>) dst(%dma_wait3A_114 : memref<50176x32xf32, #tpu.memory_space<vmem_shared>>)
        %add3A_115 = arith.constant 1 : i32
        %add3A_116 = arith.addi %mul3A_103, %add3A_115 : i32
        %min3A_117 = arith.constant 399 : i32
        %min3A_118 = arith.minsi %add3A_116, %min3A_117 : i32
        %mul3A_119 = arith.constant 128 : i32
        %mul3A_120 = arith.muli %min3A_118, %mul3A_119 : i32
        %add3A_121 = arith.addi %mul3A_36, %mul3A_120 : i32
        %dma_start3A_122 = tpu.memref_slice %arg5[%add3A_121] : memref<819200xi32, #tpu.memory_space<hbm>> -> memref<128xi32, #tpu.memory_space<hbm>>
        %dma_start3A_123 = tpu.memref_slice %arg5[%add3A_121] : memref<819200xi32, #tpu.memory_space<hbm>> -> memref<128xi32, #tpu.memory_space<hbm>>
        tpu.enqueue_dma source(%dma_start3A_123 : memref<128xi32, #tpu.memory_space<hbm>>) target(%arg20 : memref<128xi32, #tpu.memory_space<vmem>>) target_semaphore(%arg33 : memref<!tpu.dma_semaphore, #tpu.memory_space<semaphore_mem>>)
        %dma_start3A_124 = arith.constant 0 : i32
        %dma_start3A_125 = arith.constant 0 : i32
        %dma_start3A_126 = tpu.memref_slice %arg2[%dma_start3A_124, %dma_start3A_125] : memref<50000x32xbf16, #tpu.memory_space<hbm>> -> memref<50000x32xbf16, #tpu.memory_space<hbm>>
        tpu.enqueue_indirect_dma source(%dma_start3A_126 : memref<50000x32xbf16, #tpu.memory_space<hbm>>) target(%arg24 : memref<128x32xbf16, #tpu.memory_space<vmem>>) offsets(%arg18 : memref<128xi32, #tpu.memory_space<vmem>>) semaphore(%arg35 : memref<!tpu.dma_semaphore, #tpu.memory_space<semaphore_mem>>)
        %dma_wait3A_127 = arith.constant 0 : i32
        %dma_wait3A_128 = arith.constant 0 : i32
        %dma_wait3A_129 = tpu.memref_slice %arg2[%dma_wait3A_127, %dma_wait3A_128] : memref<50000x32xbf16, #tpu.memory_space<hbm>> -> memref<50000x32xbf16, #tpu.memory_space<hbm>>
        tpu.wait_indirect_dma semaphore(%arg34 : memref<!tpu.dma_semaphore, #tpu.memory_space<semaphore_mem>>) src(%dma_wait3A_129 : memref<50000x32xbf16, #tpu.memory_space<hbm>>) dst(%arg23 : memref<128x32xbf16, #tpu.memory_space<vmem>>)
        %parallel_loop3A = arith.constant 0 : i32
        %parallel_loop3A_130 = arith.constant 128 : i32
        %parallel_loop3A_131 = arith.constant 1 : i32
        scf.for %parallel_loop3A_199 = %parallel_loop3A to %parallel_loop3A_130 step %parallel_loop3A_131  : i32 {
          %parallel_loop3A_200 = arith.constant 16 : i32
          %parallel_loop3A_201 = arith.divsi %parallel_loop3A_199, %parallel_loop3A_200 : i32
          %parallel_loop3A_202 = arith.constant 0 : i32
          %parallel_loop3A_203 = arith.cmpi sgt, %parallel_loop3A_199, %parallel_loop3A_202 : i32
          %parallel_loop3A_204 = arith.extui %parallel_loop3A_203 : i1 to i32
          %parallel_loop3A_205 = arith.constant 0 : i32
          %parallel_loop3A_206 = arith.cmpi slt, %parallel_loop3A_199, %parallel_loop3A_205 : i32
          %parallel_loop3A_207 = arith.extui %parallel_loop3A_206 : i1 to i32
          %parallel_loop3A_208 = arith.subi %parallel_loop3A_204, %parallel_loop3A_207 : i32
          %parallel_loop3A_209 = arith.constant 0 : i32
          %parallel_loop3A_210 = arith.cmpi sgt, %parallel_loop3A_200, %parallel_loop3A_209 : i32
          %parallel_loop3A_211 = arith.extui %parallel_loop3A_210 : i1 to i32
          %parallel_loop3A_212 = arith.constant 0 : i32
          %parallel_loop3A_213 = arith.cmpi slt, %parallel_loop3A_200, %parallel_loop3A_212 : i32
          %parallel_loop3A_214 = arith.extui %parallel_loop3A_213 : i1 to i32
          %parallel_loop3A_215 = arith.subi %parallel_loop3A_211, %parallel_loop3A_214 : i32
          %parallel_loop3A_216 = arith.cmpi ne, %parallel_loop3A_208, %parallel_loop3A_215 : i32
          %parallel_loop3A_217 = arith.remsi %parallel_loop3A_199, %parallel_loop3A_200 : i32
          %parallel_loop3A_218 = arith.constant 0 : i32
          %parallel_loop3A_219 = arith.cmpi ne, %parallel_loop3A_217, %parallel_loop3A_218 : i32
          %parallel_loop3A_220 = arith.andi %parallel_loop3A_216, %parallel_loop3A_219 : i1
          %parallel_loop3A_221 = arith.constant 1 : i32
          %parallel_loop3A_222 = arith.subi %parallel_loop3A_201, %parallel_loop3A_221 : i32
          %parallel_loop3A_223 = arith.select %parallel_loop3A_220, %parallel_loop3A_222, %parallel_loop3A_201 : i32
          %parallel_loop3A_224 = arith.constant 16 : i32
          %parallel_loop3A_225 = arith.muli %parallel_loop3A_223, %parallel_loop3A_224 : i32
          %parallel_loop3A_226 = arith.index_cast %parallel_loop3A_225 : i32 to index
          %parallel_loop3A_227 = tpu.vector_load %arg21[%parallel_loop3A_226] {strides = array<i32>} : memref<128xf32, #tpu.memory_space<vmem>>, vector<16xf32>,
          %parallel_loop3A_228 = arith.subi %parallel_loop3A_199, %parallel_loop3A_225 : i32
          %parallel_loop3A_229 = vector.broadcast %parallel_loop3A_228 : i32 to vector<16xi32>
          %parallel_loop3A_230 = arith.constant 0 : i32
          %parallel_loop3A_231 = vector.broadcast %parallel_loop3A_230 : i32 to vector<16xi32>
          %parallel_loop3A_232 = arith.cmpi slt, %parallel_loop3A_229, %parallel_loop3A_231 : vector<16xi32>
          %parallel_loop3A_233 = arith.constant 16 : i32
          %parallel_loop3A_234 = vector.broadcast %parallel_loop3A_233 : i32 to vector<16xi32>
          %parallel_loop3A_235 = arith.addi %parallel_loop3A_229, %parallel_loop3A_234 : vector<16xi32>
          %parallel_loop3A_236 = arith.select %parallel_loop3A_232, %parallel_loop3A_235, %parallel_loop3A_229 : vector<16xi1>, vector<16xi32>
          %parallel_loop3A_237 = vector.shape_cast %parallel_loop3A_236 : vector<16xi32> to vector<16x1xi32>
          %parallel_loop3A_238 = vector.shape_cast %parallel_loop3A_237 : vector<16x1xi32> to vector<16xi32>
          %parallel_loop3A_239 = tpu.dynamic_gather %parallel_loop3A_227[%parallel_loop3A_238] in [0] : vector<16xf32>, vector<16xi32> -> vector<16xf32>
          %parallel_loop3A_240 = arith.index_cast %parallel_loop3A_199 : i32 to index
          %parallel_loop3A_241 = arith.constant 0 : index
          %parallel_loop3A_242 = tpu.vector_load %arg23[%parallel_loop3A_240, %parallel_loop3A_241] {strides = array<i32>} : memref<128x32xbf16, #tpu.memory_space<vmem>>, vector<32xbf16>,
          %parallel_loop3A_243 = tpu.unpack_subelements %parallel_loop3A_242, 0 {pack_format = #tpu.pack_format<interleaved>} : vector<32xbf16> -> vector<16xf32>
          %parallel_loop3A_244 = tpu.unpack_subelements %parallel_loop3A_242, 1 {pack_format = #tpu.pack_format<interleaved>} : vector<32xbf16> -> vector<16xf32>
          %parallel_loop3A_245 = arith.mulf %parallel_loop3A_243, %parallel_loop3A_239 : vector<16xf32>
          %parallel_loop3A_246 = arith.index_cast %parallel_loop3A_199 : i32 to index
          %parallel_loop3A_247 = arith.constant 0 : index
          %parallel_loop3A_248 = tpu.vector_load %arg25[%parallel_loop3A_246, %parallel_loop3A_247] {strides = array<i32>} : memref<128x32xf32, #tpu.memory_space<vmem>>, vector<16xf32>,
          tpu.vector_store %arg25[%parallel_loop3A_246, %parallel_loop3A_247], %parallel_loop3A_245 {strides = array<i32>} : memref<128x32xf32, #tpu.memory_space<vmem>>, vector<16xf32>,
          %parallel_loop3A_249 = arith.mulf %parallel_loop3A_244, %parallel_loop3A_239 : vector<16xf32>
          %parallel_loop3A_250 = arith.index_cast %parallel_loop3A_199 : i32 to index
          %parallel_loop3A_251 = arith.constant 16 : index
          %parallel_loop3A_252 = tpu.vector_load %arg25[%parallel_loop3A_250, %parallel_loop3A_251] {strides = array<i32>} : memref<128x32xf32, #tpu.memory_space<vmem>>, vector<16xf32>,
          tpu.vector_store %arg25[%parallel_loop3A_250, %parallel_loop3A_251], %parallel_loop3A_249 {strides = array<i32>} : memref<128x32xf32, #tpu.memory_space<vmem>>, vector<16xf32>,
        } {sc.loop_unroll_factor = 16 : i64, sc.parallel_access}
        %dma_wait3A_132 = arith.constant 0 : i32
        %dma_wait3A_133 = tpu.memref_slice %arg5[%dma_wait3A_132] : memref<819200xi32, #tpu.memory_space<hbm>> -> memref<128xi32, #tpu.memory_space<hbm>>
        %dma_wait3A_134 = arith.constant 0 : i32
        %dma_wait3A_135 = tpu.memref_slice %arg5[%dma_wait3A_134] : memref<819200xi32, #tpu.memory_space<hbm>> -> memref<128xi32, #tpu.memory_space<hbm>>
        tpu.wait_dma2 semaphore(%arg32 : memref<!tpu.dma_semaphore, #tpu.memory_space<semaphore_mem>>) src(%dma_wait3A_135 : memref<128xi32, #tpu.memory_space<hbm>>) dst(%arg19 : memref<128xi32, #tpu.memory_space<vmem>>)
        %dma_start3A_136 = arith.constant 0 : i32
        %dma_start3A_137 = arith.constant 0 : i32
        %dma_start3A_138 = tpu.memref_slice %arg16[%dma_start3A_136, %dma_start3A_137] : memref<50176x32xf32, #tpu.memory_space<vmem_shared>> -> memref<50176x32xf32, #tpu.memory_space<vmem_shared>>
        tpu.enqueue_indirect_dma source(%arg25 : memref<128x32xf32, #tpu.memory_space<vmem>>) target(%dma_start3A_138 : memref<50176x32xf32, #tpu.memory_space<vmem_shared>>) offsets(%arg19 : memref<128xi32, #tpu.memory_space<vmem>>) semaphore(%arg36 : memref<!tpu.dma_semaphore, #tpu.memory_space<semaphore_mem>>) {add = true}
        %add3A_139 = arith.constant 2 : i32
        %add3A_140 = arith.addi %mul3A_103, %add3A_139 : i32
        %min3A_141 = arith.constant 399 : i32
        %min3A_142 = arith.minsi %add3A_140, %min3A_141 : i32
        %mul3A_143 = arith.constant 128 : i32
        %mul3A_144 = arith.muli %min3A_142, %mul3A_143 : i32
        %add3A_145 = arith.addi %mul3A_36, %mul3A_144 : i32
        %dma_start3A_146 = tpu.memref_slice %arg4[%add3A_145] : memref<819200xi32, #tpu.memory_space<hbm>> -> memref<128xi32, #tpu.memory_space<hbm>>
        %dma_start3A_147 = tpu.memref_slice %arg4[%add3A_145] : memref<819200xi32, #tpu.memory_space<hbm>> -> memref<128xi32, #tpu.memory_space<hbm>>
        tpu.enqueue_dma source(%dma_start3A_147 : memref<128xi32, #tpu.memory_space<hbm>>) target(%arg17 : memref<128xi32, #tpu.memory_space<vmem>>) target_semaphore(%arg30 : memref<!tpu.dma_semaphore, #tpu.memory_space<semaphore_mem>>)
        %dma_start3A_148 = tpu.memref_slice %arg6[%add3A_145] : memref<819200xf32, #tpu.memory_space<hbm>> -> memref<128xf32, #tpu.memory_space<hbm>>
        %dma_start3A_149 = tpu.memref_slice %arg6[%add3A_145] : memref<819200xf32, #tpu.memory_space<hbm>> -> memref<128xf32, #tpu.memory_space<hbm>>
        tpu.enqueue_dma source(%dma_start3A_149 : memref<128xf32, #tpu.memory_space<hbm>>) target(%arg21 : memref<128xf32, #tpu.memory_space<vmem>>) target_semaphore(%arg30 : memref<!tpu.dma_semaphore, #tpu.memory_space<semaphore_mem>>)
        %add3A_150 = arith.constant 1 : i32
        %add3A_151 = arith.addi %mul3A_103, %add3A_150 : i32
        %dma_wait3A_152 = arith.constant 0 : i32
        %dma_wait3A_153 = tpu.memref_slice %arg4[%dma_wait3A_152] : memref<819200xi32, #tpu.memory_space<hbm>> -> memref<128xi32, #tpu.memory_space<hbm>>
        %dma_wait3A_154 = arith.constant 0 : i32
        %dma_wait3A_155 = tpu.memref_slice %arg4[%dma_wait3A_154] : memref<819200xi32, #tpu.memory_space<hbm>> -> memref<128xi32, #tpu.memory_space<hbm>>
        tpu.wait_dma2 semaphore(%arg30 : memref<!tpu.dma_semaphore, #tpu.memory_space<semaphore_mem>>) src(%dma_wait3A_155 : memref<128xi32, #tpu.memory_space<hbm>>) dst(%arg17 : memref<128xi32, #tpu.memory_space<vmem>>)
        %dma_wait3A_156 = arith.constant 0 : i32
        %dma_wait3A_157 = tpu.memref_slice %arg6[%dma_wait3A_156] : memref<819200xf32, #tpu.memory_space<hbm>> -> memref<128xf32, #tpu.memory_space<hbm>>
        %dma_wait3A_158 = arith.constant 0 : i32
        %dma_wait3A_159 = tpu.memref_slice %arg6[%dma_wait3A_158] : memref<819200xf32, #tpu.memory_space<hbm>> -> memref<128xf32, #tpu.memory_space<hbm>>
        tpu.wait_dma2 semaphore(%arg30 : memref<!tpu.dma_semaphore, #tpu.memory_space<semaphore_mem>>) src(%dma_wait3A_159 : memref<128xf32, #tpu.memory_space<hbm>>) dst(%arg21 : memref<128xf32, #tpu.memory_space<vmem>>)
        %dma_wait3A_160 = arith.constant 0 : i32
        %dma_wait3A_161 = arith.constant 0 : i32
        %dma_wait3A_162 = tpu.memref_slice %arg16[%dma_wait3A_160, %dma_wait3A_161] : memref<50176x32xf32, #tpu.memory_space<vmem_shared>> -> memref<50176x32xf32, #tpu.memory_space<vmem_shared>>
        tpu.wait_indirect_dma semaphore(%arg36 : memref<!tpu.dma_semaphore, #tpu.memory_space<semaphore_mem>>) src(%arg25 : memref<128x32xf32, #tpu.memory_space<vmem>>) dst(%dma_wait3A_162 : memref<50176x32xf32, #tpu.memory_space<vmem_shared>>)
        %add3A_163 = arith.constant 1 : i32
        %add3A_164 = arith.addi %add3A_151, %add3A_163 : i32
        %min3A_165 = arith.constant 399 : i32
        %min3A_166 = arith.minsi %add3A_164, %min3A_165 : i32
        %mul3A_167 = arith.constant 128 : i32
        %mul3A_168 = arith.muli %min3A_166, %mul3A_167 : i32
        %add3A_169 = arith.addi %mul3A_36, %mul3A_168 : i32
        %dma_start3A_170 = tpu.memref_slice %arg5[%add3A_169] : memref<819200xi32, #tpu.memory_space<hbm>> -> memref<128xi32, #tpu.memory_space<hbm>>
        %dma_start3A_171 = tpu.memref_slice %arg5[%add3A_169] : memref<819200xi32, #tpu.memory_space<hbm>> -> memref<128xi32, #tpu.memory_space<hbm>>
        tpu.enqueue_dma source(%dma_start3A_171 : memref<128xi32, #tpu.memory_space<hbm>>) target(%arg19 : memref<128xi32, #tpu.memory_space<vmem>>) target_semaphore(%arg32 : memref<!tpu.dma_semaphore, #tpu.memory_space<semaphore_mem>>)
        %dma_start3A_172 = arith.constant 0 : i32
        %dma_start3A_173 = arith.constant 0 : i32
        %dma_start3A_174 = tpu.memref_slice %arg2[%dma_start3A_172, %dma_start3A_173] : memref<50000x32xbf16, #tpu.memory_space<hbm>> -> memref<50000x32xbf16, #tpu.memory_space<hbm>>
        tpu.enqueue_indirect_dma source(%dma_start3A_174 : memref<50000x32xbf16, #tpu.memory_space<hbm>>) target(%arg23 : memref<128x32xbf16, #tpu.memory_space<vmem>>) offsets(%arg17 : memref<128xi32, #tpu.memory_space<vmem>>) semaphore(%arg34 : memref<!tpu.dma_semaphore, #tpu.memory_space<semaphore_mem>>)
        %dma_wait3A_175 = arith.constant 0 : i32
        %dma_wait3A_176 = arith.constant 0 : i32
        %dma_wait3A_177 = tpu.memref_slice %arg2[%dma_wait3A_175, %dma_wait3A_176] : memref<50000x32xbf16, #tpu.memory_space<hbm>> -> memref<50000x32xbf16, #tpu.memory_space<hbm>>
        tpu.wait_indirect_dma semaphore(%arg35 : memref<!tpu.dma_semaphore, #tpu.memory_space<semaphore_mem>>) src(%dma_wait3A_177 : memref<50000x32xbf16, #tpu.memory_space<hbm>>) dst(%arg24 : memref<128x32xbf16, #tpu.memory_space<vmem>>)
        %parallel_loop3A_178 = arith.constant 0 : i32
        %parallel_loop3A_179 = arith.constant 128 : i32
        %parallel_loop3A_180 = arith.constant 1 : i32
        scf.for %parallel_loop3A_199 = %parallel_loop3A_178 to %parallel_loop3A_179 step %parallel_loop3A_180  : i32 {
          %parallel_loop3A_200 = arith.constant 16 : i32
          %parallel_loop3A_201 = arith.divsi %parallel_loop3A_199, %parallel_loop3A_200 : i32
          %parallel_loop3A_202 = arith.constant 0 : i32
          %parallel_loop3A_203 = arith.cmpi sgt, %parallel_loop3A_199, %parallel_loop3A_202 : i32
          %parallel_loop3A_204 = arith.extui %parallel_loop3A_203 : i1 to i32
          %parallel_loop3A_205 = arith.constant 0 : i32
          %parallel_loop3A_206 = arith.cmpi slt, %parallel_loop3A_199, %parallel_loop3A_205 : i32
          %parallel_loop3A_207 = arith.extui %parallel_loop3A_206 : i1 to i32
          %parallel_loop3A_208 = arith.subi %parallel_loop3A_204, %parallel_loop3A_207 : i32
          %parallel_loop3A_209 = arith.constant 0 : i32
          %parallel_loop3A_210 = arith.cmpi sgt, %parallel_loop3A_200, %parallel_loop3A_209 : i32
          %parallel_loop3A_211 = arith.extui %parallel_loop3A_210 : i1 to i32
          %parallel_loop3A_212 = arith.constant 0 : i32
          %parallel_loop3A_213 = arith.cmpi slt, %parallel_loop3A_200, %parallel_loop3A_212 : i32
          %parallel_loop3A_214 = arith.extui %parallel_loop3A_213 : i1 to i32
          %parallel_loop3A_215 = arith.subi %parallel_loop3A_211, %parallel_loop3A_214 : i32
          %parallel_loop3A_216 = arith.cmpi ne, %parallel_loop3A_208, %parallel_loop3A_215 : i32
          %parallel_loop3A_217 = arith.remsi %parallel_loop3A_199, %parallel_loop3A_200 : i32
          %parallel_loop3A_218 = arith.constant 0 : i32
          %parallel_loop3A_219 = arith.cmpi ne, %parallel_loop3A_217, %parallel_loop3A_218 : i32
          %parallel_loop3A_220 = arith.andi %parallel_loop3A_216, %parallel_loop3A_219 : i1
          %parallel_loop3A_221 = arith.constant 1 : i32
          %parallel_loop3A_222 = arith.subi %parallel_loop3A_201, %parallel_loop3A_221 : i32
          %parallel_loop3A_223 = arith.select %parallel_loop3A_220, %parallel_loop3A_222, %parallel_loop3A_201 : i32
          %parallel_loop3A_224 = arith.constant 16 : i32
          %parallel_loop3A_225 = arith.muli %parallel_loop3A_223, %parallel_loop3A_224 : i32
          %parallel_loop3A_226 = arith.index_cast %parallel_loop3A_225 : i32 to index
          %parallel_loop3A_227 = tpu.vector_load %arg22[%parallel_loop3A_226] {strides = array<i32>} : memref<128xf32, #tpu.memory_space<vmem>>, vector<16xf32>,
          %parallel_loop3A_228 = arith.subi %parallel_loop3A_199, %parallel_loop3A_225 : i32
          %parallel_loop3A_229 = vector.broadcast %parallel_loop3A_228 : i32 to vector<16xi32>
          %parallel_loop3A_230 = arith.constant 0 : i32
          %parallel_loop3A_231 = vector.broadcast %parallel_loop3A_230 : i32 to vector<16xi32>
          %parallel_loop3A_232 = arith.cmpi slt, %parallel_loop3A_229, %parallel_loop3A_231 : vector<16xi32>
          %parallel_loop3A_233 = arith.constant 16 : i32
          %parallel_loop3A_234 = vector.broadcast %parallel_loop3A_233 : i32 to vector<16xi32>
          %parallel_loop3A_235 = arith.addi %parallel_loop3A_229, %parallel_loop3A_234 : vector<16xi32>
          %parallel_loop3A_236 = arith.select %parallel_loop3A_232, %parallel_loop3A_235, %parallel_loop3A_229 : vector<16xi1>, vector<16xi32>
          %parallel_loop3A_237 = vector.shape_cast %parallel_loop3A_236 : vector<16xi32> to vector<16x1xi32>
          %parallel_loop3A_238 = vector.shape_cast %parallel_loop3A_237 : vector<16x1xi32> to vector<16xi32>
          %parallel_loop3A_239 = tpu.dynamic_gather %parallel_loop3A_227[%parallel_loop3A_238] in [0] : vector<16xf32>, vector<16xi32> -> vector<16xf32>
          %parallel_loop3A_240 = arith.index_cast %parallel_loop3A_199 : i32 to index
          %parallel_loop3A_241 = arith.constant 0 : index
          %parallel_loop3A_242 = tpu.vector_load %arg24[%parallel_loop3A_240, %parallel_loop3A_241] {strides = array<i32>} : memref<128x32xbf16, #tpu.memory_space<vmem>>, vector<32xbf16>,
          %parallel_loop3A_243 = tpu.unpack_subelements %parallel_loop3A_242, 0 {pack_format = #tpu.pack_format<interleaved>} : vector<32xbf16> -> vector<16xf32>
          %parallel_loop3A_244 = tpu.unpack_subelements %parallel_loop3A_242, 1 {pack_format = #tpu.pack_format<interleaved>} : vector<32xbf16> -> vector<16xf32>
          %parallel_loop3A_245 = arith.mulf %parallel_loop3A_243, %parallel_loop3A_239 : vector<16xf32>
          %parallel_loop3A_246 = arith.index_cast %parallel_loop3A_199 : i32 to index
          %parallel_loop3A_247 = arith.constant 0 : index
          %parallel_loop3A_248 = tpu.vector_load %arg26[%parallel_loop3A_246, %parallel_loop3A_247] {strides = array<i32>} : memref<128x32xf32, #tpu.memory_space<vmem>>, vector<16xf32>,
          tpu.vector_store %arg26[%parallel_loop3A_246, %parallel_loop3A_247], %parallel_loop3A_245 {strides = array<i32>} : memref<128x32xf32, #tpu.memory_space<vmem>>, vector<16xf32>,
          %parallel_loop3A_249 = arith.mulf %parallel_loop3A_244, %parallel_loop3A_239 : vector<16xf32>
          %parallel_loop3A_250 = arith.index_cast %parallel_loop3A_199 : i32 to index
          %parallel_loop3A_251 = arith.constant 16 : index
          %parallel_loop3A_252 = tpu.vector_load %arg26[%parallel_loop3A_250, %parallel_loop3A_251] {strides = array<i32>} : memref<128x32xf32, #tpu.memory_space<vmem>>, vector<16xf32>,
          tpu.vector_store %arg26[%parallel_loop3A_250, %parallel_loop3A_251], %parallel_loop3A_249 {strides = array<i32>} : memref<128x32xf32, #tpu.memory_space<vmem>>, vector<16xf32>,
        } {sc.loop_unroll_factor = 16 : i64, sc.parallel_access}
        %dma_wait3A_181 = arith.constant 0 : i32
        %dma_wait3A_182 = tpu.memref_slice %arg5[%dma_wait3A_181] : memref<819200xi32, #tpu.memory_space<hbm>> -> memref<128xi32, #tpu.memory_space<hbm>>
        %dma_wait3A_183 = arith.constant 0 : i32
        %dma_wait3A_184 = tpu.memref_slice %arg5[%dma_wait3A_183] : memref<819200xi32, #tpu.memory_space<hbm>> -> memref<128xi32, #tpu.memory_space<hbm>>
        tpu.wait_dma2 semaphore(%arg33 : memref<!tpu.dma_semaphore, #tpu.memory_space<semaphore_mem>>) src(%dma_wait3A_184 : memref<128xi32, #tpu.memory_space<hbm>>) dst(%arg20 : memref<128xi32, #tpu.memory_space<vmem>>)
        %dma_start3A_185 = arith.constant 0 : i32
        %dma_start3A_186 = arith.constant 0 : i32
        %dma_start3A_187 = tpu.memref_slice %arg16[%dma_start3A_185, %dma_start3A_186] : memref<50176x32xf32, #tpu.memory_space<vmem_shared>> -> memref<50176x32xf32, #tpu.memory_space<vmem_shared>>
        tpu.enqueue_indirect_dma source(%arg26 : memref<128x32xf32, #tpu.memory_space<vmem>>) target(%dma_start3A_187 : memref<50176x32xf32, #tpu.memory_space<vmem_shared>>) offsets(%arg20 : memref<128xi32, #tpu.memory_space<vmem>>) semaphore(%arg37 : memref<!tpu.dma_semaphore, #tpu.memory_space<semaphore_mem>>) {add = true}
        %add3A_188 = arith.constant 2 : i32
        %add3A_189 = arith.addi %add3A_151, %add3A_188 : i32
        %min3A_190 = arith.constant 399 : i32
        %min3A_191 = arith.minsi %add3A_189, %min3A_190 : i32
        %mul3A_192 = arith.constant 128 : i32
        %mul3A_193 = arith.muli %min3A_191, %mul3A_192 : i32
        %add3A_194 = arith.addi %mul3A_36, %mul3A_193 : i32
        %dma_start3A_195 = tpu.memref_slice %arg4[%add3A_194] : memref<819200xi32, #tpu.memory_space<hbm>> -> memref<128xi32, #tpu.memory_space<hbm>>
        %dma_start3A_196 = tpu.memref_slice %arg4[%add3A_194] : memref<819200xi32, #tpu.memory_space<hbm>> -> memref<128xi32, #tpu.memory_space<hbm>>
        tpu.enqueue_dma source(%dma_start3A_196 : memref<128xi32, #tpu.memory_space<hbm>>) target(%arg18 : memref<128xi32, #tpu.memory_space<vmem>>) target_semaphore(%arg31 : memref<!tpu.dma_semaphore, #tpu.memory_space<semaphore_mem>>)
        %dma_start3A_197 = tpu.memref_slice %arg6[%add3A_194] : memref<819200xf32, #tpu.memory_space<hbm>> -> memref<128xf32, #tpu.memory_space<hbm>>
        %dma_start3A_198 = tpu.memref_slice %arg6[%add3A_194] : memref<819200xf32, #tpu.memory_space<hbm>> -> memref<128xf32, #tpu.memory_space<hbm>>
        tpu.enqueue_dma source(%dma_start3A_198 : memref<128xf32, #tpu.memory_space<hbm>>) target(%arg22 : memref<128xf32, #tpu.memory_space<vmem>>) target_semaphore(%arg31 : memref<!tpu.dma_semaphore, #tpu.memory_space<semaphore_mem>>)
      }
      %scan3A_82 = arith.constant 200 : i32
      %dma_wait3A_83 = arith.constant 0 : i32
      %dma_wait3A_84 = arith.constant 0 : i32
      %dma_wait3A_85 = tpu.memref_slice %arg16[%dma_wait3A_83, %dma_wait3A_84] : memref<50176x32xf32, #tpu.memory_space<vmem_shared>> -> memref<50176x32xf32, #tpu.memory_space<vmem_shared>>
      tpu.wait_indirect_dma semaphore(%arg37 : memref<!tpu.dma_semaphore, #tpu.memory_space<semaphore_mem>>) src(%arg26 : memref<128x32xf32, #tpu.memory_space<vmem>>) dst(%dma_wait3A_85 : memref<50176x32xf32, #tpu.memory_space<vmem_shared>>)
      %dma_wait3A_86 = arith.constant 0 : i32
      %dma_wait3A_87 = arith.constant 0 : i32
      %dma_wait3A_88 = tpu.memref_slice %arg2[%dma_wait3A_86, %dma_wait3A_87] : memref<50000x32xbf16, #tpu.memory_space<hbm>> -> memref<50000x32xbf16, #tpu.memory_space<hbm>>
      tpu.wait_indirect_dma semaphore(%arg34 : memref<!tpu.dma_semaphore, #tpu.memory_space<semaphore_mem>>) src(%dma_wait3A_88 : memref<50000x32xbf16, #tpu.memory_space<hbm>>) dst(%arg23 : memref<128x32xbf16, #tpu.memory_space<vmem>>)
      %dma_wait3A_89 = arith.constant 0 : i32
      %dma_wait3A_90 = tpu.memref_slice %arg4[%dma_wait3A_89] : memref<819200xi32, #tpu.memory_space<hbm>> -> memref<128xi32, #tpu.memory_space<hbm>>
      %dma_wait3A_91 = arith.constant 0 : i32
      %dma_wait3A_92 = tpu.memref_slice %arg4[%dma_wait3A_91] : memref<819200xi32, #tpu.memory_space<hbm>> -> memref<128xi32, #tpu.memory_space<hbm>>
      tpu.wait_dma2 semaphore(%arg31 : memref<!tpu.dma_semaphore, #tpu.memory_space<semaphore_mem>>) src(%dma_wait3A_92 : memref<128xi32, #tpu.memory_space<hbm>>) dst(%arg18 : memref<128xi32, #tpu.memory_space<vmem>>)
      %dma_wait3A_93 = arith.constant 0 : i32
      %dma_wait3A_94 = tpu.memref_slice %arg6[%dma_wait3A_93] : memref<819200xf32, #tpu.memory_space<hbm>> -> memref<128xf32, #tpu.memory_space<hbm>>
      %dma_wait3A_95 = arith.constant 0 : i32
      %dma_wait3A_96 = tpu.memref_slice %arg6[%dma_wait3A_95] : memref<819200xf32, #tpu.memory_space<hbm>> -> memref<128xf32, #tpu.memory_space<hbm>>
      tpu.wait_dma2 semaphore(%arg31 : memref<!tpu.dma_semaphore, #tpu.memory_space<semaphore_mem>>) src(%dma_wait3A_96 : memref<128xf32, #tpu.memory_space<hbm>>) dst(%arg22 : memref<128xf32, #tpu.memory_space<vmem>>)
      %dma_wait3A_97 = arith.constant 0 : i32
      %dma_wait3A_98 = tpu.memref_slice %arg5[%dma_wait3A_97] : memref<819200xi32, #tpu.memory_space<hbm>> -> memref<128xi32, #tpu.memory_space<hbm>>
      %dma_wait3A_99 = arith.constant 0 : i32
      %dma_wait3A_100 = tpu.memref_slice %arg5[%dma_wait3A_99] : memref<819200xi32, #tpu.memory_space<hbm>> -> memref<128xi32, #tpu.memory_space<hbm>>
      tpu.wait_dma2 semaphore(%arg32 : memref<!tpu.dma_semaphore, #tpu.memory_space<semaphore_mem>>) src(%dma_wait3A_100 : memref<128xi32, #tpu.memory_space<hbm>>) dst(%arg19 : memref<128xi32, #tpu.memory_space<vmem>>)
    } else {
    }
    %eq3A_5 = arith.constant 1 : i32
    %eq3A_6 = arith.cmpi eq, %arg0, %eq3A_5 : i32
    %convert_element_type3A_7 = arith.extui %eq3A_6 : i1 to i32
    %cond3A_8 = arith.constant 0 : i32
    %cond3A_9 = arith.cmpi ne, %convert_element_type3A_7, %cond3A_8 : i32
    scf.if %cond3A_9 {
      %mul3A_35 = arith.constant 51200 : i32
      %mul3A_36 = arith.muli %arg1, %mul3A_35 : i32
      %min3A = arith.constant 0 : i32
      %min3A_37 = arith.constant 399 : i32
      %min3A_38 = arith.minsi %min3A, %min3A_37 : i32
      %mul3A_39 = arith.constant 128 : i32
      %mul3A_40 = arith.muli %min3A_38, %mul3A_39 : i32
      %add3A = arith.addi %mul3A_36, %mul3A_40 : i32
      %dma_start3A = tpu.memref_slice %arg4[%add3A] : memref<819200xi32, #tpu.memory_space<hbm>> -> memref<128xi32, #tpu.memory_space<hbm>>
      %dma_start3A_41 = tpu.memref_slice %arg4[%add3A] : memref<819200xi32, #tpu.memory_space<hbm>> -> memref<128xi32, #tpu.memory_space<hbm>>
      tpu.enqueue_dma source(%dma_start3A_41 : memref<128xi32, #tpu.memory_space<hbm>>) target(%arg17 : memref<128xi32, #tpu.memory_space<vmem>>) target_semaphore(%arg30 : memref<!tpu.dma_semaphore, #tpu.memory_space<semaphore_mem>>)
      %dma_start3A_42 = tpu.memref_slice %arg6[%add3A] : memref<819200xf32, #tpu.memory_space<hbm>> -> memref<128xf32, #tpu.memory_space<hbm>>
      %dma_start3A_43 = tpu.memref_slice %arg6[%add3A] : memref<819200xf32, #tpu.memory_space<hbm>> -> memref<128xf32, #tpu.memory_space<hbm>>
      tpu.enqueue_dma source(%dma_start3A_43 : memref<128xf32, #tpu.memory_space<hbm>>) target(%arg21 : memref<128xf32, #tpu.memory_space<vmem>>) target_semaphore(%arg30 : memref<!tpu.dma_semaphore, #tpu.memory_space<semaphore_mem>>)
      %min3A_44 = arith.constant 0 : i32
      %min3A_45 = arith.constant 399 : i32
      %min3A_46 = arith.minsi %min3A_44, %min3A_45 : i32
      %mul3A_47 = arith.constant 128 : i32
      %mul3A_48 = arith.muli %min3A_46, %mul3A_47 : i32
      %add3A_49 = arith.addi %mul3A_36, %mul3A_48 : i32
      %dma_start3A_50 = tpu.memref_slice %arg5[%add3A_49] : memref<819200xi32, #tpu.memory_space<hbm>> -> memref<128xi32, #tpu.memory_space<hbm>>
      %dma_start3A_51 = tpu.memref_slice %arg5[%add3A_49] : memref<819200xi32, #tpu.memory_space<hbm>> -> memref<128xi32, #tpu.memory_space<hbm>>
      tpu.enqueue_dma source(%dma_start3A_51 : memref<128xi32, #tpu.memory_space<hbm>>) target(%arg19 : memref<128xi32, #tpu.memory_space<vmem>>) target_semaphore(%arg32 : memref<!tpu.dma_semaphore, #tpu.memory_space<semaphore_mem>>)
      %dma_wait3A = arith.constant 0 : i32
      %dma_wait3A_52 = tpu.memref_slice %arg4[%dma_wait3A] : memref<819200xi32, #tpu.memory_space<hbm>> -> memref<128xi32, #tpu.memory_space<hbm>>
      %dma_wait3A_53 = arith.constant 0 : i32
      %dma_wait3A_54 = tpu.memref_slice %arg4[%dma_wait3A_53] : memref<819200xi32, #tpu.memory_space<hbm>> -> memref<128xi32, #tpu.memory_space<hbm>>
      tpu.wait_dma2 semaphore(%arg30 : memref<!tpu.dma_semaphore, #tpu.memory_space<semaphore_mem>>) src(%dma_wait3A_54 : memref<128xi32, #tpu.memory_space<hbm>>) dst(%arg17 : memref<128xi32, #tpu.memory_space<vmem>>)
      %dma_wait3A_55 = arith.constant 0 : i32
      %dma_wait3A_56 = tpu.memref_slice %arg6[%dma_wait3A_55] : memref<819200xf32, #tpu.memory_space<hbm>> -> memref<128xf32, #tpu.memory_space<hbm>>
      %dma_wait3A_57 = arith.constant 0 : i32
      %dma_wait3A_58 = tpu.memref_slice %arg6[%dma_wait3A_57] : memref<819200xf32, #tpu.memory_space<hbm>> -> memref<128xf32, #tpu.memory_space<hbm>>
      tpu.wait_dma2 semaphore(%arg30 : memref<!tpu.dma_semaphore, #tpu.memory_space<semaphore_mem>>) src(%dma_wait3A_58 : memref<128xf32, #tpu.memory_space<hbm>>) dst(%arg21 : memref<128xf32, #tpu.memory_space<vmem>>)
      %dma_start3A_59 = arith.constant 0 : i32
      %dma_start3A_60 = arith.constant 0 : i32
      %dma_start3A_61 = tpu.memref_slice %arg3[%dma_start3A_59, %dma_start3A_60] : memref<50000x32xbf16, #tpu.memory_space<hbm>> -> memref<50000x32xbf16, #tpu.memory_space<hbm>>
      tpu.enqueue_indirect_dma source(%dma_start3A_61 : memref<50000x32xbf16, #tpu.memory_space<hbm>>) target(%arg23 : memref<128x32xbf16, #tpu.memory_space<vmem>>) offsets(%arg17 : memref<128xi32, #tpu.memory_space<vmem>>) semaphore(%arg34 : memref<!tpu.dma_semaphore, #tpu.memory_space<semaphore_mem>>)
      %min3A_62 = arith.constant 1 : i32
      %min3A_63 = arith.constant 399 : i32
      %min3A_64 = arith.minsi %min3A_62, %min3A_63 : i32
      %mul3A_65 = arith.constant 128 : i32
      %mul3A_66 = arith.muli %min3A_64, %mul3A_65 : i32
      %add3A_67 = arith.addi %mul3A_36, %mul3A_66 : i32
      %dma_start3A_68 = tpu.memref_slice %arg4[%add3A_67] : memref<819200xi32, #tpu.memory_space<hbm>> -> memref<128xi32, #tpu.memory_space<hbm>>
      %dma_start3A_69 = tpu.memref_slice %arg4[%add3A_67] : memref<819200xi32, #tpu.memory_space<hbm>> -> memref<128xi32, #tpu.memory_space<hbm>>
      tpu.enqueue_dma source(%dma_start3A_69 : memref<128xi32, #tpu.memory_space<hbm>>) target(%arg18 : memref<128xi32, #tpu.memory_space<vmem>>) target_semaphore(%arg31 : memref<!tpu.dma_semaphore, #tpu.memory_space<semaphore_mem>>)
      %dma_start3A_70 = tpu.memref_slice %arg6[%add3A_67] : memref<819200xf32, #tpu.memory_space<hbm>> -> memref<128xf32, #tpu.memory_space<hbm>>
      %dma_start3A_71 = tpu.memref_slice %arg6[%add3A_67] : memref<819200xf32, #tpu.memory_space<hbm>> -> memref<128xf32, #tpu.memory_space<hbm>>
      tpu.enqueue_dma source(%dma_start3A_71 : memref<128xf32, #tpu.memory_space<hbm>>) target(%arg22 : memref<128xf32, #tpu.memory_space<vmem>>) target_semaphore(%arg31 : memref<!tpu.dma_semaphore, #tpu.memory_space<semaphore_mem>>)
      %dma_start3A_72 = arith.constant 0 : i32
      %dma_start3A_73 = arith.constant 0 : i32
      %dma_start3A_74 = tpu.memref_slice %arg7[%dma_start3A_72, %dma_start3A_73] : memref<50176x32xf32, #tpu.memory_space<hbm>> -> memref<128x32xf32, #tpu.memory_space<hbm>>
      %dma_start3A_75 = arith.constant 0 : i32
      %dma_start3A_76 = arith.constant 0 : i32
      %dma_start3A_77 = tpu.memref_slice %arg7[%dma_start3A_75, %dma_start3A_76] : memref<50176x32xf32, #tpu.memory_space<hbm>> -> memref<128x32xf32, #tpu.memory_space<hbm>>
      tpu.enqueue_dma source(%dma_start3A_77 : memref<128x32xf32, #tpu.memory_space<hbm>>) target(%arg26 : memref<128x32xf32, #tpu.memory_space<vmem>>) target_semaphore(%arg37 : memref<!tpu.dma_semaphore, #tpu.memory_space<semaphore_mem>>)
      %scan3A = arith.constant 0 : i32
      %scan3A_78 = arith.constant 0 : i32
      %scan3A_79 = arith.constant 200 : i32
      %scan3A_80 = arith.addi %scan3A_78, %scan3A_79 : i32
      %scan3A_81 = arith.constant 1 : i32
      scf.for %scan3A_101 = %scan3A_78 to %scan3A_80 step %scan3A_81  : i32 {
        %mul3A_102 = arith.constant 2 : i32
        %mul3A_103 = arith.muli %mul3A_102, %scan3A_101 : i32
        %dma_wait3A_104 = arith.constant 0 : i32
        %dma_wait3A_105 = tpu.memref_slice %arg4[%dma_wait3A_104] : memref<819200xi32, #tpu.memory_space<hbm>> -> memref<128xi32, #tpu.memory_space<hbm>>
        %dma_wait3A_106 = arith.constant 0 : i32
        %dma_wait3A_107 = tpu.memref_slice %arg4[%dma_wait3A_106] : memref<819200xi32, #tpu.memory_space<hbm>> -> memref<128xi32, #tpu.memory_space<hbm>>
        tpu.wait_dma2 semaphore(%arg31 : memref<!tpu.dma_semaphore, #tpu.memory_space<semaphore_mem>>) src(%dma_wait3A_107 : memref<128xi32, #tpu.memory_space<hbm>>) dst(%arg18 : memref<128xi32, #tpu.memory_space<vmem>>)
        %dma_wait3A_108 = arith.constant 0 : i32
        %dma_wait3A_109 = tpu.memref_slice %arg6[%dma_wait3A_108] : memref<819200xf32, #tpu.memory_space<hbm>> -> memref<128xf32, #tpu.memory_space<hbm>>
        %dma_wait3A_110 = arith.constant 0 : i32
        %dma_wait3A_111 = tpu.memref_slice %arg6[%dma_wait3A_110] : memref<819200xf32, #tpu.memory_space<hbm>> -> memref<128xf32, #tpu.memory_space<hbm>>
        tpu.wait_dma2 semaphore(%arg31 : memref<!tpu.dma_semaphore, #tpu.memory_space<semaphore_mem>>) src(%dma_wait3A_111 : memref<128xf32, #tpu.memory_space<hbm>>) dst(%arg22 : memref<128xf32, #tpu.memory_space<vmem>>)
        %dma_wait3A_112 = arith.constant 0 : i32
        %dma_wait3A_113 = arith.constant 0 : i32
        %dma_wait3A_114 = tpu.memref_slice %arg16[%dma_wait3A_112, %dma_wait3A_113] : memref<50176x32xf32, #tpu.memory_space<vmem_shared>> -> memref<50176x32xf32, #tpu.memory_space<vmem_shared>>
        tpu.wait_indirect_dma semaphore(%arg37 : memref<!tpu.dma_semaphore, #tpu.memory_space<semaphore_mem>>) src(%arg26 : memref<128x32xf32, #tpu.memory_space<vmem>>) dst(%dma_wait3A_114 : memref<50176x32xf32, #tpu.memory_space<vmem_shared>>)
        %add3A_115 = arith.constant 1 : i32
        %add3A_116 = arith.addi %mul3A_103, %add3A_115 : i32
        %min3A_117 = arith.constant 399 : i32
        %min3A_118 = arith.minsi %add3A_116, %min3A_117 : i32
        %mul3A_119 = arith.constant 128 : i32
        %mul3A_120 = arith.muli %min3A_118, %mul3A_119 : i32
        %add3A_121 = arith.addi %mul3A_36, %mul3A_120 : i32
        %dma_start3A_122 = tpu.memref_slice %arg5[%add3A_121] : memref<819200xi32, #tpu.memory_space<hbm>> -> memref<128xi32, #tpu.memory_space<hbm>>
        %dma_start3A_123 = tpu.memref_slice %arg5[%add3A_121] : memref<819200xi32, #tpu.memory_space<hbm>> -> memref<128xi32, #tpu.memory_space<hbm>>
        tpu.enqueue_dma source(%dma_start3A_123 : memref<128xi32, #tpu.memory_space<hbm>>) target(%arg20 : memref<128xi32, #tpu.memory_space<vmem>>) target_semaphore(%arg33 : memref<!tpu.dma_semaphore, #tpu.memory_space<semaphore_mem>>)
        %dma_start3A_124 = arith.constant 0 : i32
        %dma_start3A_125 = arith.constant 0 : i32
        %dma_start3A_126 = tpu.memref_slice %arg3[%dma_start3A_124, %dma_start3A_125] : memref<50000x32xbf16, #tpu.memory_space<hbm>> -> memref<50000x32xbf16, #tpu.memory_space<hbm>>
        tpu.enqueue_indirect_dma source(%dma_start3A_126 : memref<50000x32xbf16, #tpu.memory_space<hbm>>) target(%arg24 : memref<128x32xbf16, #tpu.memory_space<vmem>>) offsets(%arg18 : memref<128xi32, #tpu.memory_space<vmem>>) semaphore(%arg35 : memref<!tpu.dma_semaphore, #tpu.memory_space<semaphore_mem>>)
        %dma_wait3A_127 = arith.constant 0 : i32
        %dma_wait3A_128 = arith.constant 0 : i32
        %dma_wait3A_129 = tpu.memref_slice %arg3[%dma_wait3A_127, %dma_wait3A_128] : memref<50000x32xbf16, #tpu.memory_space<hbm>> -> memref<50000x32xbf16, #tpu.memory_space<hbm>>
        tpu.wait_indirect_dma semaphore(%arg34 : memref<!tpu.dma_semaphore, #tpu.memory_space<semaphore_mem>>) src(%dma_wait3A_129 : memref<50000x32xbf16, #tpu.memory_space<hbm>>) dst(%arg23 : memref<128x32xbf16, #tpu.memory_space<vmem>>)
        %parallel_loop3A = arith.constant 0 : i32
        %parallel_loop3A_130 = arith.constant 128 : i32
        %parallel_loop3A_131 = arith.constant 1 : i32
        scf.for %parallel_loop3A_199 = %parallel_loop3A to %parallel_loop3A_130 step %parallel_loop3A_131  : i32 {
          %parallel_loop3A_200 = arith.constant 16 : i32
          %parallel_loop3A_201 = arith.divsi %parallel_loop3A_199, %parallel_loop3A_200 : i32
          %parallel_loop3A_202 = arith.constant 0 : i32
          %parallel_loop3A_203 = arith.cmpi sgt, %parallel_loop3A_199, %parallel_loop3A_202 : i32
          %parallel_loop3A_204 = arith.extui %parallel_loop3A_203 : i1 to i32
          %parallel_loop3A_205 = arith.constant 0 : i32
          %parallel_loop3A_206 = arith.cmpi slt, %parallel_loop3A_199, %parallel_loop3A_205 : i32
          %parallel_loop3A_207 = arith.extui %parallel_loop3A_206 : i1 to i32
          %parallel_loop3A_208 = arith.subi %parallel_loop3A_204, %parallel_loop3A_207 : i32
          %parallel_loop3A_209 = arith.constant 0 : i32
          %parallel_loop3A_210 = arith.cmpi sgt, %parallel_loop3A_200, %parallel_loop3A_209 : i32
          %parallel_loop3A_211 = arith.extui %parallel_loop3A_210 : i1 to i32
          %parallel_loop3A_212 = arith.constant 0 : i32
          %parallel_loop3A_213 = arith.cmpi slt, %parallel_loop3A_200, %parallel_loop3A_212 : i32
          %parallel_loop3A_214 = arith.extui %parallel_loop3A_213 : i1 to i32
          %parallel_loop3A_215 = arith.subi %parallel_loop3A_211, %parallel_loop3A_214 : i32
          %parallel_loop3A_216 = arith.cmpi ne, %parallel_loop3A_208, %parallel_loop3A_215 : i32
          %parallel_loop3A_217 = arith.remsi %parallel_loop3A_199, %parallel_loop3A_200 : i32
          %parallel_loop3A_218 = arith.constant 0 : i32
          %parallel_loop3A_219 = arith.cmpi ne, %parallel_loop3A_217, %parallel_loop3A_218 : i32
          %parallel_loop3A_220 = arith.andi %parallel_loop3A_216, %parallel_loop3A_219 : i1
          %parallel_loop3A_221 = arith.constant 1 : i32
          %parallel_loop3A_222 = arith.subi %parallel_loop3A_201, %parallel_loop3A_221 : i32
          %parallel_loop3A_223 = arith.select %parallel_loop3A_220, %parallel_loop3A_222, %parallel_loop3A_201 : i32
          %parallel_loop3A_224 = arith.constant 16 : i32
          %parallel_loop3A_225 = arith.muli %parallel_loop3A_223, %parallel_loop3A_224 : i32
          %parallel_loop3A_226 = arith.index_cast %parallel_loop3A_225 : i32 to index
          %parallel_loop3A_227 = tpu.vector_load %arg21[%parallel_loop3A_226] {strides = array<i32>} : memref<128xf32, #tpu.memory_space<vmem>>, vector<16xf32>,
          %parallel_loop3A_228 = arith.subi %parallel_loop3A_199, %parallel_loop3A_225 : i32
          %parallel_loop3A_229 = vector.broadcast %parallel_loop3A_228 : i32 to vector<16xi32>
          %parallel_loop3A_230 = arith.constant 0 : i32
          %parallel_loop3A_231 = vector.broadcast %parallel_loop3A_230 : i32 to vector<16xi32>
          %parallel_loop3A_232 = arith.cmpi slt, %parallel_loop3A_229, %parallel_loop3A_231 : vector<16xi32>
          %parallel_loop3A_233 = arith.constant 16 : i32
          %parallel_loop3A_234 = vector.broadcast %parallel_loop3A_233 : i32 to vector<16xi32>
          %parallel_loop3A_235 = arith.addi %parallel_loop3A_229, %parallel_loop3A_234 : vector<16xi32>
          %parallel_loop3A_236 = arith.select %parallel_loop3A_232, %parallel_loop3A_235, %parallel_loop3A_229 : vector<16xi1>, vector<16xi32>
          %parallel_loop3A_237 = vector.shape_cast %parallel_loop3A_236 : vector<16xi32> to vector<16x1xi32>
          %parallel_loop3A_238 = vector.shape_cast %parallel_loop3A_237 : vector<16x1xi32> to vector<16xi32>
          %parallel_loop3A_239 = tpu.dynamic_gather %parallel_loop3A_227[%parallel_loop3A_238] in [0] : vector<16xf32>, vector<16xi32> -> vector<16xf32>
          %parallel_loop3A_240 = arith.index_cast %parallel_loop3A_199 : i32 to index
          %parallel_loop3A_241 = arith.constant 0 : index
          %parallel_loop3A_242 = tpu.vector_load %arg23[%parallel_loop3A_240, %parallel_loop3A_241] {strides = array<i32>} : memref<128x32xbf16, #tpu.memory_space<vmem>>, vector<32xbf16>,
          %parallel_loop3A_243 = tpu.unpack_subelements %parallel_loop3A_242, 0 {pack_format = #tpu.pack_format<interleaved>} : vector<32xbf16> -> vector<16xf32>
          %parallel_loop3A_244 = tpu.unpack_subelements %parallel_loop3A_242, 1 {pack_format = #tpu.pack_format<interleaved>} : vector<32xbf16> -> vector<16xf32>
          %parallel_loop3A_245 = arith.mulf %parallel_loop3A_243, %parallel_loop3A_239 : vector<16xf32>
          %parallel_loop3A_246 = arith.index_cast %parallel_loop3A_199 : i32 to index
          %parallel_loop3A_247 = arith.constant 0 : index
          %parallel_loop3A_248 = tpu.vector_load %arg25[%parallel_loop3A_246, %parallel_loop3A_247] {strides = array<i32>} : memref<128x32xf32, #tpu.memory_space<vmem>>, vector<16xf32>,
          tpu.vector_store %arg25[%parallel_loop3A_246, %parallel_loop3A_247], %parallel_loop3A_245 {strides = array<i32>} : memref<128x32xf32, #tpu.memory_space<vmem>>, vector<16xf32>,
          %parallel_loop3A_249 = arith.mulf %parallel_loop3A_244, %parallel_loop3A_239 : vector<16xf32>
          %parallel_loop3A_250 = arith.index_cast %parallel_loop3A_199 : i32 to index
          %parallel_loop3A_251 = arith.constant 16 : index
          %parallel_loop3A_252 = tpu.vector_load %arg25[%parallel_loop3A_250, %parallel_loop3A_251] {strides = array<i32>} : memref<128x32xf32, #tpu.memory_space<vmem>>, vector<16xf32>,
          tpu.vector_store %arg25[%parallel_loop3A_250, %parallel_loop3A_251], %parallel_loop3A_249 {strides = array<i32>} : memref<128x32xf32, #tpu.memory_space<vmem>>, vector<16xf32>,
        } {sc.loop_unroll_factor = 16 : i64, sc.parallel_access}
        %dma_wait3A_132 = arith.constant 0 : i32
        %dma_wait3A_133 = tpu.memref_slice %arg5[%dma_wait3A_132] : memref<819200xi32, #tpu.memory_space<hbm>> -> memref<128xi32, #tpu.memory_space<hbm>>
        %dma_wait3A_134 = arith.constant 0 : i32
        %dma_wait3A_135 = tpu.memref_slice %arg5[%dma_wait3A_134] : memref<819200xi32, #tpu.memory_space<hbm>> -> memref<128xi32, #tpu.memory_space<hbm>>
        tpu.wait_dma2 semaphore(%arg32 : memref<!tpu.dma_semaphore, #tpu.memory_space<semaphore_mem>>) src(%dma_wait3A_135 : memref<128xi32, #tpu.memory_space<hbm>>) dst(%arg19 : memref<128xi32, #tpu.memory_space<vmem>>)
        %dma_start3A_136 = arith.constant 0 : i32
        %dma_start3A_137 = arith.constant 0 : i32
        %dma_start3A_138 = tpu.memref_slice %arg16[%dma_start3A_136, %dma_start3A_137] : memref<50176x32xf32, #tpu.memory_space<vmem_shared>> -> memref<50176x32xf32, #tpu.memory_space<vmem_shared>>
        tpu.enqueue_indirect_dma source(%arg25 : memref<128x32xf32, #tpu.memory_space<vmem>>) target(%dma_start3A_138 : memref<50176x32xf32, #tpu.memory_space<vmem_shared>>) offsets(%arg19 : memref<128xi32, #tpu.memory_space<vmem>>) semaphore(%arg36 : memref<!tpu.dma_semaphore, #tpu.memory_space<semaphore_mem>>) {add = true}
        %add3A_139 = arith.constant 2 : i32
        %add3A_140 = arith.addi %mul3A_103, %add3A_139 : i32
        %min3A_141 = arith.constant 399 : i32
        %min3A_142 = arith.minsi %add3A_140, %min3A_141 : i32
        %mul3A_143 = arith.constant 128 : i32
        %mul3A_144 = arith.muli %min3A_142, %mul3A_143 : i32
        %add3A_145 = arith.addi %mul3A_36, %mul3A_144 : i32
        %dma_start3A_146 = tpu.memref_slice %arg4[%add3A_145] : memref<819200xi32, #tpu.memory_space<hbm>> -> memref<128xi32, #tpu.memory_space<hbm>>
        %dma_start3A_147 = tpu.memref_slice %arg4[%add3A_145] : memref<819200xi32, #tpu.memory_space<hbm>> -> memref<128xi32, #tpu.memory_space<hbm>>
        tpu.enqueue_dma source(%dma_start3A_147 : memref<128xi32, #tpu.memory_space<hbm>>) target(%arg17 : memref<128xi32, #tpu.memory_space<vmem>>) target_semaphore(%arg30 : memref<!tpu.dma_semaphore, #tpu.memory_space<semaphore_mem>>)
        %dma_start3A_148 = tpu.memref_slice %arg6[%add3A_145] : memref<819200xf32, #tpu.memory_space<hbm>> -> memref<128xf32, #tpu.memory_space<hbm>>
        %dma_start3A_149 = tpu.memref_slice %arg6[%add3A_145] : memref<819200xf32, #tpu.memory_space<hbm>> -> memref<128xf32, #tpu.memory_space<hbm>>
        tpu.enqueue_dma source(%dma_start3A_149 : memref<128xf32, #tpu.memory_space<hbm>>) target(%arg21 : memref<128xf32, #tpu.memory_space<vmem>>) target_semaphore(%arg30 : memref<!tpu.dma_semaphore, #tpu.memory_space<semaphore_mem>>)
        %add3A_150 = arith.constant 1 : i32
        %add3A_151 = arith.addi %mul3A_103, %add3A_150 : i32
        %dma_wait3A_152 = arith.constant 0 : i32
        %dma_wait3A_153 = tpu.memref_slice %arg4[%dma_wait3A_152] : memref<819200xi32, #tpu.memory_space<hbm>> -> memref<128xi32, #tpu.memory_space<hbm>>
        %dma_wait3A_154 = arith.constant 0 : i32
        %dma_wait3A_155 = tpu.memref_slice %arg4[%dma_wait3A_154] : memref<819200xi32, #tpu.memory_space<hbm>> -> memref<128xi32, #tpu.memory_space<hbm>>
        tpu.wait_dma2 semaphore(%arg30 : memref<!tpu.dma_semaphore, #tpu.memory_space<semaphore_mem>>) src(%dma_wait3A_155 : memref<128xi32, #tpu.memory_space<hbm>>) dst(%arg17 : memref<128xi32, #tpu.memory_space<vmem>>)
        %dma_wait3A_156 = arith.constant 0 : i32
        %dma_wait3A_157 = tpu.memref_slice %arg6[%dma_wait3A_156] : memref<819200xf32, #tpu.memory_space<hbm>> -> memref<128xf32, #tpu.memory_space<hbm>>
        %dma_wait3A_158 = arith.constant 0 : i32
        %dma_wait3A_159 = tpu.memref_slice %arg6[%dma_wait3A_158] : memref<819200xf32, #tpu.memory_space<hbm>> -> memref<128xf32, #tpu.memory_space<hbm>>
        tpu.wait_dma2 semaphore(%arg30 : memref<!tpu.dma_semaphore, #tpu.memory_space<semaphore_mem>>) src(%dma_wait3A_159 : memref<128xf32, #tpu.memory_space<hbm>>) dst(%arg21 : memref<128xf32, #tpu.memory_space<vmem>>)
        %dma_wait3A_160 = arith.constant 0 : i32
        %dma_wait3A_161 = arith.constant 0 : i32
        %dma_wait3A_162 = tpu.memref_slice %arg16[%dma_wait3A_160, %dma_wait3A_161] : memref<50176x32xf32, #tpu.memory_space<vmem_shared>> -> memref<50176x32xf32, #tpu.memory_space<vmem_shared>>
        tpu.wait_indirect_dma semaphore(%arg36 : memref<!tpu.dma_semaphore, #tpu.memory_space<semaphore_mem>>) src(%arg25 : memref<128x32xf32, #tpu.memory_space<vmem>>) dst(%dma_wait3A_162 : memref<50176x32xf32, #tpu.memory_space<vmem_shared>>)
        %add3A_163 = arith.constant 1 : i32
        %add3A_164 = arith.addi %add3A_151, %add3A_163 : i32
        %min3A_165 = arith.constant 399 : i32
        %min3A_166 = arith.minsi %add3A_164, %min3A_165 : i32
        %mul3A_167 = arith.constant 128 : i32
        %mul3A_168 = arith.muli %min3A_166, %mul3A_167 : i32
        %add3A_169 = arith.addi %mul3A_36, %mul3A_168 : i32
        %dma_start3A_170 = tpu.memref_slice %arg5[%add3A_169] : memref<819200xi32, #tpu.memory_space<hbm>> -> memref<128xi32, #tpu.memory_space<hbm>>
        %dma_start3A_171 = tpu.memref_slice %arg5[%add3A_169] : memref<819200xi32, #tpu.memory_space<hbm>> -> memref<128xi32, #tpu.memory_space<hbm>>
        tpu.enqueue_dma source(%dma_start3A_171 : memref<128xi32, #tpu.memory_space<hbm>>) target(%arg19 : memref<128xi32, #tpu.memory_space<vmem>>) target_semaphore(%arg32 : memref<!tpu.dma_semaphore, #tpu.memory_space<semaphore_mem>>)
        %dma_start3A_172 = arith.constant 0 : i32
        %dma_start3A_173 = arith.constant 0 : i32
        %dma_start3A_174 = tpu.memref_slice %arg3[%dma_start3A_172, %dma_start3A_173] : memref<50000x32xbf16, #tpu.memory_space<hbm>> -> memref<50000x32xbf16, #tpu.memory_space<hbm>>
        tpu.enqueue_indirect_dma source(%dma_start3A_174 : memref<50000x32xbf16, #tpu.memory_space<hbm>>) target(%arg23 : memref<128x32xbf16, #tpu.memory_space<vmem>>) offsets(%arg17 : memref<128xi32, #tpu.memory_space<vmem>>) semaphore(%arg34 : memref<!tpu.dma_semaphore, #tpu.memory_space<semaphore_mem>>)
        %dma_wait3A_175 = arith.constant 0 : i32
        %dma_wait3A_176 = arith.constant 0 : i32
        %dma_wait3A_177 = tpu.memref_slice %arg3[%dma_wait3A_175, %dma_wait3A_176] : memref<50000x32xbf16, #tpu.memory_space<hbm>> -> memref<50000x32xbf16, #tpu.memory_space<hbm>>
        tpu.wait_indirect_dma semaphore(%arg35 : memref<!tpu.dma_semaphore, #tpu.memory_space<semaphore_mem>>) src(%dma_wait3A_177 : memref<50000x32xbf16, #tpu.memory_space<hbm>>) dst(%arg24 : memref<128x32xbf16, #tpu.memory_space<vmem>>)
        %parallel_loop3A_178 = arith.constant 0 : i32
        %parallel_loop3A_179 = arith.constant 128 : i32
        %parallel_loop3A_180 = arith.constant 1 : i32
        scf.for %parallel_loop3A_199 = %parallel_loop3A_178 to %parallel_loop3A_179 step %parallel_loop3A_180  : i32 {
          %parallel_loop3A_200 = arith.constant 16 : i32
          %parallel_loop3A_201 = arith.divsi %parallel_loop3A_199, %parallel_loop3A_200 : i32
          %parallel_loop3A_202 = arith.constant 0 : i32
          %parallel_loop3A_203 = arith.cmpi sgt, %parallel_loop3A_199, %parallel_loop3A_202 : i32
          %parallel_loop3A_204 = arith.extui %parallel_loop3A_203 : i1 to i32
          %parallel_loop3A_205 = arith.constant 0 : i32
          %parallel_loop3A_206 = arith.cmpi slt, %parallel_loop3A_199, %parallel_loop3A_205 : i32
          %parallel_loop3A_207 = arith.extui %parallel_loop3A_206 : i1 to i32
          %parallel_loop3A_208 = arith.subi %parallel_loop3A_204, %parallel_loop3A_207 : i32
          %parallel_loop3A_209 = arith.constant 0 : i32
          %parallel_loop3A_210 = arith.cmpi sgt, %parallel_loop3A_200, %parallel_loop3A_209 : i32
          %parallel_loop3A_211 = arith.extui %parallel_loop3A_210 : i1 to i32
          %parallel_loop3A_212 = arith.constant 0 : i32
          %parallel_loop3A_213 = arith.cmpi slt, %parallel_loop3A_200, %parallel_loop3A_212 : i32
          %parallel_loop3A_214 = arith.extui %parallel_loop3A_213 : i1 to i32
          %parallel_loop3A_215 = arith.subi %parallel_loop3A_211, %parallel_loop3A_214 : i32
          %parallel_loop3A_216 = arith.cmpi ne, %parallel_loop3A_208, %parallel_loop3A_215 : i32
          %parallel_loop3A_217 = arith.remsi %parallel_loop3A_199, %parallel_loop3A_200 : i32
          %parallel_loop3A_218 = arith.constant 0 : i32
          %parallel_loop3A_219 = arith.cmpi ne, %parallel_loop3A_217, %parallel_loop3A_218 : i32
          %parallel_loop3A_220 = arith.andi %parallel_loop3A_216, %parallel_loop3A_219 : i1
          %parallel_loop3A_221 = arith.constant 1 : i32
          %parallel_loop3A_222 = arith.subi %parallel_loop3A_201, %parallel_loop3A_221 : i32
          %parallel_loop3A_223 = arith.select %parallel_loop3A_220, %parallel_loop3A_222, %parallel_loop3A_201 : i32
          %parallel_loop3A_224 = arith.constant 16 : i32
          %parallel_loop3A_225 = arith.muli %parallel_loop3A_223, %parallel_loop3A_224 : i32
          %parallel_loop3A_226 = arith.index_cast %parallel_loop3A_225 : i32 to index
          %parallel_loop3A_227 = tpu.vector_load %arg22[%parallel_loop3A_226] {strides = array<i32>} : memref<128xf32, #tpu.memory_space<vmem>>, vector<16xf32>,
          %parallel_loop3A_228 = arith.subi %parallel_loop3A_199, %parallel_loop3A_225 : i32
          %parallel_loop3A_229 = vector.broadcast %parallel_loop3A_228 : i32 to vector<16xi32>
          %parallel_loop3A_230 = arith.constant 0 : i32
          %parallel_loop3A_231 = vector.broadcast %parallel_loop3A_230 : i32 to vector<16xi32>
          %parallel_loop3A_232 = arith.cmpi slt, %parallel_loop3A_229, %parallel_loop3A_231 : vector<16xi32>
          %parallel_loop3A_233 = arith.constant 16 : i32
          %parallel_loop3A_234 = vector.broadcast %parallel_loop3A_233 : i32 to vector<16xi32>
          %parallel_loop3A_235 = arith.addi %parallel_loop3A_229, %parallel_loop3A_234 : vector<16xi32>
          %parallel_loop3A_236 = arith.select %parallel_loop3A_232, %parallel_loop3A_235, %parallel_loop3A_229 : vector<16xi1>, vector<16xi32>
          %parallel_loop3A_237 = vector.shape_cast %parallel_loop3A_236 : vector<16xi32> to vector<16x1xi32>
          %parallel_loop3A_238 = vector.shape_cast %parallel_loop3A_237 : vector<16x1xi32> to vector<16xi32>
          %parallel_loop3A_239 = tpu.dynamic_gather %parallel_loop3A_227[%parallel_loop3A_238] in [0] : vector<16xf32>, vector<16xi32> -> vector<16xf32>
          %parallel_loop3A_240 = arith.index_cast %parallel_loop3A_199 : i32 to index
          %parallel_loop3A_241 = arith.constant 0 : index
          %parallel_loop3A_242 = tpu.vector_load %arg24[%parallel_loop3A_240, %parallel_loop3A_241] {strides = array<i32>} : memref<128x32xbf16, #tpu.memory_space<vmem>>, vector<32xbf16>,
          %parallel_loop3A_243 = tpu.unpack_subelements %parallel_loop3A_242, 0 {pack_format = #tpu.pack_format<interleaved>} : vector<32xbf16> -> vector<16xf32>
          %parallel_loop3A_244 = tpu.unpack_subelements %parallel_loop3A_242, 1 {pack_format = #tpu.pack_format<interleaved>} : vector<32xbf16> -> vector<16xf32>
          %parallel_loop3A_245 = arith.mulf %parallel_loop3A_243, %parallel_loop3A_239 : vector<16xf32>
          %parallel_loop3A_246 = arith.index_cast %parallel_loop3A_199 : i32 to index
          %parallel_loop3A_247 = arith.constant 0 : index
          %parallel_loop3A_248 = tpu.vector_load %arg26[%parallel_loop3A_246, %parallel_loop3A_247] {strides = array<i32>} : memref<128x32xf32, #tpu.memory_space<vmem>>, vector<16xf32>,
          tpu.vector_store %arg26[%parallel_loop3A_246, %parallel_loop3A_247], %parallel_loop3A_245 {strides = array<i32>} : memref<128x32xf32, #tpu.memory_space<vmem>>, vector<16xf32>,
          %parallel_loop3A_249 = arith.mulf %parallel_loop3A_244, %parallel_loop3A_239 : vector<16xf32>
          %parallel_loop3A_250 = arith.index_cast %parallel_loop3A_199 : i32 to index
          %parallel_loop3A_251 = arith.constant 16 : index
          %parallel_loop3A_252 = tpu.vector_load %arg26[%parallel_loop3A_250, %parallel_loop3A_251] {strides = array<i32>} : memref<128x32xf32, #tpu.memory_space<vmem>>, vector<16xf32>,
          tpu.vector_store %arg26[%parallel_loop3A_250, %parallel_loop3A_251], %parallel_loop3A_249 {strides = array<i32>} : memref<128x32xf32, #tpu.memory_space<vmem>>, vector<16xf32>,
        } {sc.loop_unroll_factor = 16 : i64, sc.parallel_access}
        %dma_wait3A_181 = arith.constant 0 : i32
        %dma_wait3A_182 = tpu.memref_slice %arg5[%dma_wait3A_181] : memref<819200xi32, #tpu.memory_space<hbm>> -> memref<128xi32, #tpu.memory_space<hbm>>
        %dma_wait3A_183 = arith.constant 0 : i32
        %dma_wait3A_184 = tpu.memref_slice %arg5[%dma_wait3A_183] : memref<819200xi32, #tpu.memory_space<hbm>> -> memref<128xi32, #tpu.memory_space<hbm>>
        tpu.wait_dma2 semaphore(%arg33 : memref<!tpu.dma_semaphore, #tpu.memory_space<semaphore_mem>>) src(%dma_wait3A_184 : memref<128xi32, #tpu.memory_space<hbm>>) dst(%arg20 : memref<128xi32, #tpu.memory_space<vmem>>)
        %dma_start3A_185 = arith.constant 0 : i32
        %dma_start3A_186 = arith.constant 0 : i32
        %dma_start3A_187 = tpu.memref_slice %arg16[%dma_start3A_185, %dma_start3A_186] : memref<50176x32xf32, #tpu.memory_space<vmem_shared>> -> memref<50176x32xf32, #tpu.memory_space<vmem_shared>>
        tpu.enqueue_indirect_dma source(%arg26 : memref<128x32xf32, #tpu.memory_space<vmem>>) target(%dma_start3A_187 : memref<50176x32xf32, #tpu.memory_space<vmem_shared>>) offsets(%arg20 : memref<128xi32, #tpu.memory_space<vmem>>) semaphore(%arg37 : memref<!tpu.dma_semaphore, #tpu.memory_space<semaphore_mem>>) {add = true}
        %add3A_188 = arith.constant 2 : i32
        %add3A_189 = arith.addi %add3A_151, %add3A_188 : i32
        %min3A_190 = arith.constant 399 : i32
        %min3A_191 = arith.minsi %add3A_189, %min3A_190 : i32
        %mul3A_192 = arith.constant 128 : i32
        %mul3A_193 = arith.muli %min3A_191, %mul3A_192 : i32
        %add3A_194 = arith.addi %mul3A_36, %mul3A_193 : i32
        %dma_start3A_195 = tpu.memref_slice %arg4[%add3A_194] : memref<819200xi32, #tpu.memory_space<hbm>> -> memref<128xi32, #tpu.memory_space<hbm>>
        %dma_start3A_196 = tpu.memref_slice %arg4[%add3A_194] : memref<819200xi32, #tpu.memory_space<hbm>> -> memref<128xi32, #tpu.memory_space<hbm>>
        tpu.enqueue_dma source(%dma_start3A_196 : memref<128xi32, #tpu.memory_space<hbm>>) target(%arg18 : memref<128xi32, #tpu.memory_space<vmem>>) target_semaphore(%arg31 : memref<!tpu.dma_semaphore, #tpu.memory_space<semaphore_mem>>)
        %dma_start3A_197 = tpu.memref_slice %arg6[%add3A_194] : memref<819200xf32, #tpu.memory_space<hbm>> -> memref<128xf32, #tpu.memory_space<hbm>>
        %dma_start3A_198 = tpu.memref_slice %arg6[%add3A_194] : memref<819200xf32, #tpu.memory_space<hbm>> -> memref<128xf32, #tpu.memory_space<hbm>>
        tpu.enqueue_dma source(%dma_start3A_198 : memref<128xf32, #tpu.memory_space<hbm>>) target(%arg22 : memref<128xf32, #tpu.memory_space<vmem>>) target_semaphore(%arg31 : memref<!tpu.dma_semaphore, #tpu.memory_space<semaphore_mem>>)
      }
      %scan3A_82 = arith.constant 200 : i32
      %dma_wait3A_83 = arith.constant 0 : i32
      %dma_wait3A_84 = arith.constant 0 : i32
      %dma_wait3A_85 = tpu.memref_slice %arg16[%dma_wait3A_83, %dma_wait3A_84] : memref<50176x32xf32, #tpu.memory_space<vmem_shared>> -> memref<50176x32xf32, #tpu.memory_space<vmem_shared>>
      tpu.wait_indirect_dma semaphore(%arg37 : memref<!tpu.dma_semaphore, #tpu.memory_space<semaphore_mem>>) src(%arg26 : memref<128x32xf32, #tpu.memory_space<vmem>>) dst(%dma_wait3A_85 : memref<50176x32xf32, #tpu.memory_space<vmem_shared>>)
      %dma_wait3A_86 = arith.constant 0 : i32
      %dma_wait3A_87 = arith.constant 0 : i32
      %dma_wait3A_88 = tpu.memref_slice %arg3[%dma_wait3A_86, %dma_wait3A_87] : memref<50000x32xbf16, #tpu.memory_space<hbm>> -> memref<50000x32xbf16, #tpu.memory_space<hbm>>
      tpu.wait_indirect_dma semaphore(%arg34 : memref<!tpu.dma_semaphore, #tpu.memory_space<semaphore_mem>>) src(%dma_wait3A_88 : memref<50000x32xbf16, #tpu.memory_space<hbm>>) dst(%arg23 : memref<128x32xbf16, #tpu.memory_space<vmem>>)
      %dma_wait3A_89 = arith.constant 0 : i32
      %dma_wait3A_90 = tpu.memref_slice %arg4[%dma_wait3A_89] : memref<819200xi32, #tpu.memory_space<hbm>> -> memref<128xi32, #tpu.memory_space<hbm>>
      %dma_wait3A_91 = arith.constant 0 : i32
      %dma_wait3A_92 = tpu.memref_slice %arg4[%dma_wait3A_91] : memref<819200xi32, #tpu.memory_space<hbm>> -> memref<128xi32, #tpu.memory_space<hbm>>
      tpu.wait_dma2 semaphore(%arg31 : memref<!tpu.dma_semaphore, #tpu.memory_space<semaphore_mem>>) src(%dma_wait3A_92 : memref<128xi32, #tpu.memory_space<hbm>>) dst(%arg18 : memref<128xi32, #tpu.memory_space<vmem>>)
      %dma_wait3A_93 = arith.constant 0 : i32
      %dma_wait3A_94 = tpu.memref_slice %arg6[%dma_wait3A_93] : memref<819200xf32, #tpu.memory_space<hbm>> -> memref<128xf32, #tpu.memory_space<hbm>>
      %dma_wait3A_95 = arith.constant 0 : i32
      %dma_wait3A_96 = tpu.memref_slice %arg6[%dma_wait3A_95] : memref<819200xf32, #tpu.memory_space<hbm>> -> memref<128xf32, #tpu.memory_space<hbm>>
      tpu.wait_dma2 semaphore(%arg31 : memref<!tpu.dma_semaphore, #tpu.memory_space<semaphore_mem>>) src(%dma_wait3A_96 : memref<128xf32, #tpu.memory_space<hbm>>) dst(%arg22 : memref<128xf32, #tpu.memory_space<vmem>>)
      %dma_wait3A_97 = arith.constant 0 : i32
      %dma_wait3A_98 = tpu.memref_slice %arg5[%dma_wait3A_97] : memref<819200xi32, #tpu.memory_space<hbm>> -> memref<128xi32, #tpu.memory_space<hbm>>
      %dma_wait3A_99 = arith.constant 0 : i32
      %dma_wait3A_100 = tpu.memref_slice %arg5[%dma_wait3A_99] : memref<819200xi32, #tpu.memory_space<hbm>> -> memref<128xi32, #tpu.memory_space<hbm>>
      tpu.wait_dma2 semaphore(%arg32 : memref<!tpu.dma_semaphore, #tpu.memory_space<semaphore_mem>>) src(%dma_wait3A_100 : memref<128xi32, #tpu.memory_space<hbm>>) dst(%arg19 : memref<128xi32, #tpu.memory_space<vmem>>)
    } else {
    }
    %barrier3A_10 = arith.constant 0 : index
    tpu.barrier barrier_id(%barrier3A_10)
    %eq3A_11 = arith.constant 0 : i32
    %eq3A_12 = arith.cmpi eq, %arg0, %eq3A_11 : i32
    %convert_element_type3A_13 = arith.extui %eq3A_12 : i1 to i32
    %cond3A_14 = arith.constant 0 : i32
    %cond3A_15 = arith.cmpi ne, %convert_element_type3A_13, %cond3A_14 : i32
    scf.if %cond3A_15 {
      %mul3A_35 = arith.constant 512 : i32
      %mul3A_36 = arith.muli %arg1, %mul3A_35 : i32
      %scan3A = arith.constant 0 : i32
      %scan3A_37 = arith.constant 0 : i32
      %scan3A_38 = arith.constant 4 : i32
      %scan3A_39 = arith.addi %scan3A_37, %scan3A_38 : i32
      %scan3A_40 = arith.constant 1 : i32
      scf.for %scan3A_42 = %scan3A_37 to %scan3A_39 step %scan3A_40  : i32 {
        %mul3A_43 = arith.constant 128 : i32
        %mul3A_44 = arith.muli %scan3A_42, %mul3A_43 : i32
        %add3A = arith.addi %mul3A_36, %mul3A_44 : i32
        "tpu.region"() ({
          %run_scoped3A = tpu.sem_alloc : memref<!tpu.dma_semaphore, #tpu.memory_space<semaphore_mem>>
          %dma_start3A = tpu.memref_slice %arg8[%add3A] : memref<8192xi32, #tpu.memory_space<hbm>> -> memref<128xi32, #tpu.memory_space<hbm>>
          %dma_start3A_45 = tpu.memref_slice %arg8[%add3A] : memref<8192xi32, #tpu.memory_space<hbm>> -> memref<128xi32, #tpu.memory_space<hbm>>
          tpu.enqueue_dma source(%dma_start3A_45 : memref<128xi32, #tpu.memory_space<hbm>>) target(%arg27 : memref<128xi32, #tpu.memory_space<vmem>>) target_semaphore(%run_scoped3A : memref<!tpu.dma_semaphore, #tpu.memory_space<semaphore_mem>>)
          %dma_wait3A = tpu.memref_slice %arg8[%add3A] : memref<8192xi32, #tpu.memory_space<hbm>> -> memref<128xi32, #tpu.memory_space<hbm>>
          %dma_wait3A_46 = tpu.memref_slice %arg8[%add3A] : memref<8192xi32, #tpu.memory_space<hbm>> -> memref<128xi32, #tpu.memory_space<hbm>>
          tpu.wait_dma2 semaphore(%run_scoped3A : memref<!tpu.dma_semaphore, #tpu.memory_space<semaphore_mem>>) src(%dma_wait3A_46 : memref<128xi32, #tpu.memory_space<hbm>>) dst(%arg27 : memref<128xi32, #tpu.memory_space<vmem>>)
          tpu.yield
        }) : () -> ()
        "tpu.region"() ({
          %run_scoped3A = tpu.sem_alloc : memref<!tpu.dma_semaphore, #tpu.memory_space<semaphore_mem>>
          %dma_start3A = arith.constant 0 : i32
          %dma_start3A_45 = arith.constant 0 : i32
          %dma_start3A_46 = tpu.memref_slice %arg16[%dma_start3A, %dma_start3A_45] : memref<50176x32xf32, #tpu.memory_space<vmem_shared>> -> memref<50176x32xf32, #tpu.memory_space<vmem_shared>>
          tpu.enqueue_indirect_dma source(%dma_start3A_46 : memref<50176x32xf32, #tpu.memory_space<vmem_shared>>) target(%arg28 : memref<128x32xf32, #tpu.memory_space<vmem>>) offsets(%arg27 : memref<128xi32, #tpu.memory_space<vmem>>) semaphore(%run_scoped3A : memref<!tpu.dma_semaphore, #tpu.memory_space<semaphore_mem>>)
          %dma_wait3A = arith.constant 0 : i32
          %dma_wait3A_47 = arith.constant 0 : i32
          %dma_wait3A_48 = tpu.memref_slice %arg16[%dma_wait3A, %dma_wait3A_47] : memref<50176x32xf32, #tpu.memory_space<vmem_shared>> -> memref<50176x32xf32, #tpu.memory_space<vmem_shared>>
          tpu.wait_indirect_dma semaphore(%run_scoped3A : memref<!tpu.dma_semaphore, #tpu.memory_space<semaphore_mem>>) src(%dma_wait3A_48 : memref<50176x32xf32, #tpu.memory_space<vmem_shared>>) dst(%arg28 : memref<128x32xf32, #tpu.memory_space<vmem>>)
          tpu.yield
        }) : () -> ()
        "tpu.region"() ({
          %run_scoped3A = tpu.sem_alloc : memref<!tpu.dma_semaphore, #tpu.memory_space<semaphore_mem>>
          %dma_start3A = arith.constant 0 : i32
          %dma_start3A_45 = tpu.memref_slice %arg13[%add3A, %dma_start3A] : memref<8192x32xf32, #tpu.memory_space<hbm>> -> memref<128x32xf32, #tpu.memory_space<hbm>>
          %dma_start3A_46 = arith.constant 0 : i32
          %dma_start3A_47 = tpu.memref_slice %arg13[%add3A, %dma_start3A_46] : memref<8192x32xf32, #tpu.memory_space<hbm>> -> memref<128x32xf32, #tpu.memory_space<hbm>>
          tpu.enqueue_dma source(%arg28 : memref<128x32xf32, #tpu.memory_space<vmem>>) target(%dma_start3A_47 : memref<128x32xf32, #tpu.memory_space<hbm>>) target_semaphore(%run_scoped3A : memref<!tpu.dma_semaphore, #tpu.memory_space<semaphore_mem>>)
          %dma_wait3A = arith.constant 0 : i32
          %dma_wait3A_48 = tpu.memref_slice %arg13[%add3A, %dma_wait3A] : memref<8192x32xf32, #tpu.memory_space<hbm>> -> memref<128x32xf32, #tpu.memory_space<hbm>>
          %dma_wait3A_49 = arith.constant 0 : i32
          %dma_wait3A_50 = tpu.memref_slice %arg13[%add3A, %dma_wait3A_49] : memref<8192x32xf32, #tpu.memory_space<hbm>> -> memref<128x32xf32, #tpu.memory_space<hbm>>
          tpu.wait_dma2 semaphore(%run_scoped3A : memref<!tpu.dma_semaphore, #tpu.memory_space<semaphore_mem>>) src(%arg28 : memref<128x32xf32, #tpu.memory_space<vmem>>) dst(%dma_wait3A_50 : memref<128x32xf32, #tpu.memory_space<hbm>>)
          tpu.yield
        }) : () -> ()
      }
      %scan3A_41 = arith.constant 4 : i32
    } else {
    }
    %eq3A_16 = arith.constant 1 : i32
    %eq3A_17 = arith.cmpi eq, %arg0, %eq3A_16 : i32
    %convert_element_type3A_18 = arith.extui %eq3A_17 : i1 to i32
    %cond3A_19 = arith.constant 0 : i32
    %cond3A_20 = arith.cmpi ne, %convert_element_type3A_18, %cond3A_19 : i32
    scf.if %cond3A_20 {
      %mul3A_35 = arith.constant 512 : i32
      %mul3A_36 = arith.muli %arg1, %mul3A_35 : i32
      %scan3A = arith.constant 0 : i32
      %scan3A_37 = arith.constant 0 : i32
      %scan3A_38 = arith.constant 4 : i32
      %scan3A_39 = arith.addi %scan3A_37, %scan3A_38 : i32
      %scan3A_40 = arith.constant 1 : i32
      scf.for %scan3A_42 = %scan3A_37 to %scan3A_39 step %scan3A_40  : i32 {
        %mul3A_43 = arith.constant 128 : i32
        %mul3A_44 = arith.muli %scan3A_42, %mul3A_43 : i32
        %add3A = arith.addi %mul3A_36, %mul3A_44 : i32
        "tpu.region"() ({
          %run_scoped3A = tpu.sem_alloc : memref<!tpu.dma_semaphore, #tpu.memory_space<semaphore_mem>>
          %dma_start3A = tpu.memref_slice %arg8[%add3A] : memref<8192xi32, #tpu.memory_space<hbm>> -> memref<128xi32, #tpu.memory_space<hbm>>
          %dma_start3A_45 = tpu.memref_slice %arg8[%add3A] : memref<8192xi32, #tpu.memory_space<hbm>> -> memref<128xi32, #tpu.memory_space<hbm>>
          tpu.enqueue_dma source(%dma_start3A_45 : memref<128xi32, #tpu.memory_space<hbm>>) target(%arg27 : memref<128xi32, #tpu.memory_space<vmem>>) target_semaphore(%run_scoped3A : memref<!tpu.dma_semaphore, #tpu.memory_space<semaphore_mem>>)
          %dma_wait3A = tpu.memref_slice %arg8[%add3A] : memref<8192xi32, #tpu.memory_space<hbm>> -> memref<128xi32, #tpu.memory_space<hbm>>
          %dma_wait3A_46 = tpu.memref_slice %arg8[%add3A] : memref<8192xi32, #tpu.memory_space<hbm>> -> memref<128xi32, #tpu.memory_space<hbm>>
          tpu.wait_dma2 semaphore(%run_scoped3A : memref<!tpu.dma_semaphore, #tpu.memory_space<semaphore_mem>>) src(%dma_wait3A_46 : memref<128xi32, #tpu.memory_space<hbm>>) dst(%arg27 : memref<128xi32, #tpu.memory_space<vmem>>)
          tpu.yield
        }) : () -> ()
        "tpu.region"() ({
          %run_scoped3A = tpu.sem_alloc : memref<!tpu.dma_semaphore, #tpu.memory_space<semaphore_mem>>
          %dma_start3A = arith.constant 0 : i32
          %dma_start3A_45 = arith.constant 0 : i32
          %dma_start3A_46 = tpu.memref_slice %arg16[%dma_start3A, %dma_start3A_45] : memref<50176x32xf32, #tpu.memory_space<vmem_shared>> -> memref<50176x32xf32, #tpu.memory_space<vmem_shared>>
          tpu.enqueue_indirect_dma source(%dma_start3A_46 : memref<50176x32xf32, #tpu.memory_space<vmem_shared>>) target(%arg28 : memref<128x32xf32, #tpu.memory_space<vmem>>) offsets(%arg27 : memref<128xi32, #tpu.memory_space<vmem>>) semaphore(%run_scoped3A : memref<!tpu.dma_semaphore, #tpu.memory_space<semaphore_mem>>)
          %dma_wait3A = arith.constant 0 : i32
          %dma_wait3A_47 = arith.constant 0 : i32
          %dma_wait3A_48 = tpu.memref_slice %arg16[%dma_wait3A, %dma_wait3A_47] : memref<50176x32xf32, #tpu.memory_space<vmem_shared>> -> memref<50176x32xf32, #tpu.memory_space<vmem_shared>>
          tpu.wait_indirect_dma semaphore(%run_scoped3A : memref<!tpu.dma_semaphore, #tpu.memory_space<semaphore_mem>>) src(%dma_wait3A_48 : memref<50176x32xf32, #tpu.memory_space<vmem_shared>>) dst(%arg28 : memref<128x32xf32, #tpu.memory_space<vmem>>)
          tpu.yield
        }) : () -> ()
        "tpu.region"() ({
          %run_scoped3A = tpu.sem_alloc : memref<!tpu.dma_semaphore, #tpu.memory_space<semaphore_mem>>
          %dma_start3A = arith.constant 0 : i32
          %dma_start3A_45 = tpu.memref_slice %arg14[%add3A, %dma_start3A] : memref<8192x32xf32, #tpu.memory_space<hbm>> -> memref<128x32xf32, #tpu.memory_space<hbm>>
          %dma_start3A_46 = arith.constant 0 : i32
          %dma_start3A_47 = tpu.memref_slice %arg14[%add3A, %dma_start3A_46] : memref<8192x32xf32, #tpu.memory_space<hbm>> -> memref<128x32xf32, #tpu.memory_space<hbm>>
          tpu.enqueue_dma source(%arg28 : memref<128x32xf32, #tpu.memory_space<vmem>>) target(%dma_start3A_47 : memref<128x32xf32, #tpu.memory_space<hbm>>) target_semaphore(%run_scoped3A : memref<!tpu.dma_semaphore, #tpu.memory_space<semaphore_mem>>)
          %dma_wait3A = arith.constant 0 : i32
          %dma_wait3A_48 = tpu.memref_slice %arg14[%add3A, %dma_wait3A] : memref<8192x32xf32, #tpu.memory_space<hbm>> -> memref<128x32xf32, #tpu.memory_space<hbm>>
          %dma_wait3A_49 = arith.constant 0 : i32
          %dma_wait3A_50 = tpu.memref_slice %arg14[%add3A, %dma_wait3A_49] : memref<8192x32xf32, #tpu.memory_space<hbm>> -> memref<128x32xf32, #tpu.memory_space<hbm>>
          tpu.wait_dma2 semaphore(%run_scoped3A : memref<!tpu.dma_semaphore, #tpu.memory_space<semaphore_mem>>) src(%arg28 : memref<128x32xf32, #tpu.memory_space<vmem>>) dst(%dma_wait3A_50 : memref<128x32xf32, #tpu.memory_space<hbm>>)
          tpu.yield
        }) : () -> ()
      }
      %scan3A_41 = arith.constant 4 : i32
    } else {
    }
    %eq3A_21 = arith.constant 0 : i32
    %eq3A_22 = arith.cmpi eq, %arg0, %eq3A_21 : i32
    %lt3A = arith.constant 8 : i32
    %lt3A_23 = arith.cmpi slt, %arg1, %lt3A : i32
    %and3A = arith.andi %eq3A_22, %lt3A_23 : i1
    %convert_element_type3A_24 = arith.extui %and3A : i1 to i32
    %cond3A_25 = arith.constant 0 : i32
    %cond3A_26 = arith.cmpi ne, %convert_element_type3A_24, %cond3A_25 : i32
    scf.if %cond3A_26 {
      %scan3A = arith.constant 0 : i32
      %scan3A_35 = arith.constant 0 : i32
      %scan3A_36 = arith.constant 4 : i32
      %scan3A_37 = arith.addi %scan3A_35, %scan3A_36 : i32
      %scan3A_38 = arith.constant 1 : i32
      scf.for %scan3A_40 = %scan3A_35 to %scan3A_37 step %scan3A_38  : i32 {
        %mul3A_41 = arith.constant 512 : i32
        %mul3A_42 = arith.muli %arg1, %mul3A_41 : i32
        %mul3A_43 = arith.constant 128 : i32
        %mul3A_44 = arith.muli %scan3A_40, %mul3A_43 : i32
        %add3A = arith.addi %mul3A_42, %mul3A_44 : i32
        "tpu.region"() ({
          %run_scoped3A = tpu.sem_alloc : memref<!tpu.dma_semaphore, #tpu.memory_space<semaphore_mem>>
          %dma_start3A_51 = tpu.memref_slice %arg9[%add3A] : memref<4096xi32, #tpu.memory_space<hbm>> -> memref<128xi32, #tpu.memory_space<hbm>>
          %dma_start3A_52 = tpu.memref_slice %arg9[%add3A] : memref<4096xi32, #tpu.memory_space<hbm>> -> memref<128xi32, #tpu.memory_space<hbm>>
          tpu.enqueue_dma source(%dma_start3A_52 : memref<128xi32, #tpu.memory_space<hbm>>) target(%arg27 : memref<128xi32, #tpu.memory_space<vmem>>) target_semaphore(%run_scoped3A : memref<!tpu.dma_semaphore, #tpu.memory_space<semaphore_mem>>)
          %dma_wait3A_53 = tpu.memref_slice %arg9[%add3A] : memref<4096xi32, #tpu.memory_space<hbm>> -> memref<128xi32, #tpu.memory_space<hbm>>
          %dma_wait3A_54 = tpu.memref_slice %arg9[%add3A] : memref<4096xi32, #tpu.memory_space<hbm>> -> memref<128xi32, #tpu.memory_space<hbm>>
          tpu.wait_dma2 semaphore(%run_scoped3A : memref<!tpu.dma_semaphore, #tpu.memory_space<semaphore_mem>>) src(%dma_wait3A_54 : memref<128xi32, #tpu.memory_space<hbm>>) dst(%arg27 : memref<128xi32, #tpu.memory_space<vmem>>)
          tpu.yield
        }) : () -> ()
        %dma_start3A = arith.constant 0 : i32
        %dma_start3A_45 = arith.constant 0 : i32
        %dma_start3A_46 = tpu.memref_slice %arg11[%dma_start3A, %dma_start3A_45] : memref<10000x64xf32, #tpu.memory_space<hbm>> -> memref<10000x64xf32, #tpu.memory_space<hbm>>
        tpu.enqueue_indirect_dma source(%dma_start3A_46 : memref<10000x64xf32, #tpu.memory_space<hbm>>) target(%arg29 : memref<128x64xf32, #tpu.memory_space<vmem>>) offsets(%arg27 : memref<128xi32, #tpu.memory_space<vmem>>) semaphore(%arg38 : memref<!tpu.dma_semaphore, #tpu.memory_space<semaphore_mem>>)
        %dma_wait3A = arith.constant 0 : i32
        %dma_wait3A_47 = arith.constant 0 : i32
        %dma_wait3A_48 = tpu.memref_slice %arg11[%dma_wait3A, %dma_wait3A_47] : memref<10000x64xf32, #tpu.memory_space<hbm>> -> memref<10000x64xf32, #tpu.memory_space<hbm>>
        tpu.wait_indirect_dma semaphore(%arg38 : memref<!tpu.dma_semaphore, #tpu.memory_space<semaphore_mem>>) src(%dma_wait3A_48 : memref<10000x64xf32, #tpu.memory_space<hbm>>) dst(%arg29 : memref<128x64xf32, #tpu.memory_space<vmem>>)
        %add3A_49 = arith.constant 0 : i32
        %add3A_50 = arith.addi %add3A_49, %add3A : i32
        "tpu.region"() ({
          %run_scoped3A = tpu.sem_alloc : memref<!tpu.dma_semaphore, #tpu.memory_space<semaphore_mem>>
          %dma_start3A_51 = arith.constant 0 : i32
          %dma_start3A_52 = tpu.memref_slice %arg15[%add3A_50, %dma_start3A_51] : memref<8192x64xf32, #tpu.memory_space<hbm>> -> memref<128x64xf32, #tpu.memory_space<hbm>>
          %dma_start3A_53 = arith.constant 0 : i32
          %dma_start3A_54 = tpu.memref_slice %arg15[%add3A_50, %dma_start3A_53] : memref<8192x64xf32, #tpu.memory_space<hbm>> -> memref<128x64xf32, #tpu.memory_space<hbm>>
          tpu.enqueue_dma source(%arg29 : memref<128x64xf32, #tpu.memory_space<vmem>>) target(%dma_start3A_54 : memref<128x64xf32, #tpu.memory_space<hbm>>) target_semaphore(%run_scoped3A : memref<!tpu.dma_semaphore, #tpu.memory_space<semaphore_mem>>)
          %dma_wait3A_55 = arith.constant 0 : i32
          %dma_wait3A_56 = tpu.memref_slice %arg15[%add3A_50, %dma_wait3A_55] : memref<8192x64xf32, #tpu.memory_space<hbm>> -> memref<128x64xf32, #tpu.memory_space<hbm>>
          %dma_wait3A_57 = arith.constant 0 : i32
          %dma_wait3A_58 = tpu.memref_slice %arg15[%add3A_50, %dma_wait3A_57] : memref<8192x64xf32, #tpu.memory_space<hbm>> -> memref<128x64xf32, #tpu.memory_space<hbm>>
          tpu.wait_dma2 semaphore(%run_scoped3A : memref<!tpu.dma_semaphore, #tpu.memory_space<semaphore_mem>>) src(%arg29 : memref<128x64xf32, #tpu.memory_space<vmem>>) dst(%dma_wait3A_58 : memref<128x64xf32, #tpu.memory_space<hbm>>)
          tpu.yield
        }) : () -> ()
      }
      %scan3A_39 = arith.constant 4 : i32
    } else {
    }
    %eq3A_27 = arith.constant 1 : i32
    %eq3A_28 = arith.cmpi eq, %arg0, %eq3A_27 : i32
    %lt3A_29 = arith.constant 8 : i32
    %lt3A_30 = arith.cmpi slt, %arg1, %lt3A_29 : i32
    %and3A_31 = arith.andi %eq3A_28, %lt3A_30 : i1
    %convert_element_type3A_32 = arith.extui %and3A_31 : i1 to i32
    %cond3A_33 = arith.constant 0 : i32
    %cond3A_34 = arith.cmpi ne, %convert_element_type3A_32, %cond3A_33 : i32
    scf.if %cond3A_34 {
      %scan3A = arith.constant 0 : i32
      %scan3A_35 = arith.constant 0 : i32
      %scan3A_36 = arith.constant 4 : i32
      %scan3A_37 = arith.addi %scan3A_35, %scan3A_36 : i32
      %scan3A_38 = arith.constant 1 : i32
      scf.for %scan3A_40 = %scan3A_35 to %scan3A_37 step %scan3A_38  : i32 {
        %mul3A_41 = arith.constant 512 : i32
        %mul3A_42 = arith.muli %arg1, %mul3A_41 : i32
        %mul3A_43 = arith.constant 128 : i32
        %mul3A_44 = arith.muli %scan3A_40, %mul3A_43 : i32
        %add3A = arith.addi %mul3A_42, %mul3A_44 : i32
        "tpu.region"() ({
          %run_scoped3A = tpu.sem_alloc : memref<!tpu.dma_semaphore, #tpu.memory_space<semaphore_mem>>
          %dma_start3A_51 = tpu.memref_slice %arg10[%add3A] : memref<4096xi32, #tpu.memory_space<hbm>> -> memref<128xi32, #tpu.memory_space<hbm>>
          %dma_start3A_52 = tpu.memref_slice %arg10[%add3A] : memref<4096xi32, #tpu.memory_space<hbm>> -> memref<128xi32, #tpu.memory_space<hbm>>
          tpu.enqueue_dma source(%dma_start3A_52 : memref<128xi32, #tpu.memory_space<hbm>>) target(%arg27 : memref<128xi32, #tpu.memory_space<vmem>>) target_semaphore(%run_scoped3A : memref<!tpu.dma_semaphore, #tpu.memory_space<semaphore_mem>>)
          %dma_wait3A_53 = tpu.memref_slice %arg10[%add3A] : memref<4096xi32, #tpu.memory_space<hbm>> -> memref<128xi32, #tpu.memory_space<hbm>>
          %dma_wait3A_54 = tpu.memref_slice %arg10[%add3A] : memref<4096xi32, #tpu.memory_space<hbm>> -> memref<128xi32, #tpu.memory_space<hbm>>
          tpu.wait_dma2 semaphore(%run_scoped3A : memref<!tpu.dma_semaphore, #tpu.memory_space<semaphore_mem>>) src(%dma_wait3A_54 : memref<128xi32, #tpu.memory_space<hbm>>) dst(%arg27 : memref<128xi32, #tpu.memory_space<vmem>>)
          tpu.yield
        }) : () -> ()
        %dma_start3A = arith.constant 0 : i32
        %dma_start3A_45 = arith.constant 0 : i32
        %dma_start3A_46 = tpu.memref_slice %arg12[%dma_start3A, %dma_start3A_45] : memref<40000x64xf32, #tpu.memory_space<hbm>> -> memref<40000x64xf32, #tpu.memory_space<hbm>>
        tpu.enqueue_indirect_dma source(%dma_start3A_46 : memref<40000x64xf32, #tpu.memory_space<hbm>>) target(%arg29 : memref<128x64xf32, #tpu.memory_space<vmem>>) offsets(%arg27 : memref<128xi32, #tpu.memory_space<vmem>>) semaphore(%arg38 : memref<!tpu.dma_semaphore, #tpu.memory_space<semaphore_mem>>)
        %dma_wait3A = arith.constant 0 : i32
        %dma_wait3A_47 = arith.constant 0 : i32
        %dma_wait3A_48 = tpu.memref_slice %arg12[%dma_wait3A, %dma_wait3A_47] : memref<40000x64xf32, #tpu.memory_space<hbm>> -> memref<40000x64xf32, #tpu.memory_space<hbm>>
        tpu.wait_indirect_dma semaphore(%arg38 : memref<!tpu.dma_semaphore, #tpu.memory_space<semaphore_mem>>) src(%dma_wait3A_48 : memref<40000x64xf32, #tpu.memory_space<hbm>>) dst(%arg29 : memref<128x64xf32, #tpu.memory_space<vmem>>)
        %add3A_49 = arith.constant 4096 : i32
        %add3A_50 = arith.addi %add3A_49, %add3A : i32
        "tpu.region"() ({
          %run_scoped3A = tpu.sem_alloc : memref<!tpu.dma_semaphore, #tpu.memory_space<semaphore_mem>>
          %dma_start3A_51 = arith.constant 0 : i32
          %dma_start3A_52 = tpu.memref_slice %arg15[%add3A_50, %dma_start3A_51] : memref<8192x64xf32, #tpu.memory_space<hbm>> -> memref<128x64xf32, #tpu.memory_space<hbm>>
          %dma_start3A_53 = arith.constant 0 : i32
          %dma_start3A_54 = tpu.memref_slice %arg15[%add3A_50, %dma_start3A_53] : memref<8192x64xf32, #tpu.memory_space<hbm>> -> memref<128x64xf32, #tpu.memory_space<hbm>>
          tpu.enqueue_dma source(%arg29 : memref<128x64xf32, #tpu.memory_space<vmem>>) target(%dma_start3A_54 : memref<128x64xf32, #tpu.memory_space<hbm>>) target_semaphore(%run_scoped3A : memref<!tpu.dma_semaphore, #tpu.memory_space<semaphore_mem>>)
          %dma_wait3A_55 = arith.constant 0 : i32
          %dma_wait3A_56 = tpu.memref_slice %arg15[%add3A_50, %dma_wait3A_55] : memref<8192x64xf32, #tpu.memory_space<hbm>> -> memref<128x64xf32, #tpu.memory_space<hbm>>
          %dma_wait3A_57 = arith.constant 0 : i32
          %dma_wait3A_58 = tpu.memref_slice %arg15[%add3A_50, %dma_wait3A_57] : memref<8192x64xf32, #tpu.memory_space<hbm>> -> memref<128x64xf32, #tpu.memory_space<hbm>>
          tpu.wait_dma2 semaphore(%run_scoped3A : memref<!tpu.dma_semaphore, #tpu.memory_space<semaphore_mem>>) src(%arg29 : memref<128x64xf32, #tpu.memory_space<vmem>>) dst(%dma_wait3A_58 : memref<128x64xf32, #tpu.memory_space<hbm>>)
          tpu.yield
        }) : () -> ()
      }
      %scan3A_39 = arith.constant 4 : i32
    } else {
    }
    return
  }
}

module attributes {stable_mosaic.version = 14 : i64} {
  func.func @_tc_epilogue(%arg0: memref<4096x64xf32, #tpu.memory_space<vmem>>, %arg1: memref<4096x64xf32, #tpu.memory_space<vmem>>, %arg2: memref<4096x64xf32, #tpu.memory_space<vmem>>, %arg3: memref<4096x64xf32, #tpu.memory_space<vmem>>, %arg4: memref<64x64xf32, #tpu.memory_space<vmem>>, %arg5: memref<1x64xf32, #tpu.memory_space<vmem>>, %arg6: memref<64x64xf32, #tpu.memory_space<vmem>>, %arg7: memref<1x64xf32, #tpu.memory_space<vmem>>, %arg8: memref<64x64xf32, #tpu.memory_space<vmem>>, %arg9: memref<1x64xf32, #tpu.memory_space<vmem>>, %arg10: memref<64x64xf32, #tpu.memory_space<vmem>>, %arg11: memref<1x64xf32, #tpu.memory_space<vmem>>, %arg12: memref<4096xf32, #tpu.memory_space<vmem>>) attributes {dimension_semantics = [], scalar_prefetch = 0 : i64, scratch_operands = 0 : i64, tpu.core_type = #tpu.core_type<tc>} {
    %get3A = arith.constant 0 : index
    %get3A_0 = arith.constant 0 : index
    %get3A_1 = vector.load %arg0[%get3A, %get3A_0] : memref<4096x64xf32, #tpu.memory_space<vmem>>, vector<4096x64xf32>
    %get3A_2 = arith.constant 0 : index
    %get3A_3 = arith.constant 0 : index
    %get3A_4 = vector.load %arg1[%get3A_2, %get3A_3] : memref<4096x64xf32, #tpu.memory_space<vmem>>, vector<4096x64xf32>
    %get3A_5 = arith.constant 0 : index
    %get3A_6 = arith.constant 0 : index
    %get3A_7 = vector.load %arg2[%get3A_5, %get3A_6] : memref<4096x64xf32, #tpu.memory_space<vmem>>, vector<4096x64xf32>
    %get3A_8 = arith.constant 0 : index
    %get3A_9 = arith.constant 0 : index
    %get3A_10 = vector.load %arg3[%get3A_8, %get3A_9] : memref<4096x64xf32, #tpu.memory_space<vmem>>, vector<4096x64xf32>
    %mul3A = arith.mulf %get3A_1, %get3A_4 : vector<4096x64xf32>
    %reduce_sum3A = arith.constant dense<0.000000e+00> : vector<4096xf32>
    %reduce_sum3A_11 = vector.multi_reduction <add>, %mul3A, %reduce_sum3A [1] : vector<4096x64xf32> to vector<4096xf32>
    %get3A_12 = arith.constant 0 : index
    %get3A_13 = arith.constant 0 : index
    %get3A_14 = vector.load %arg4[%get3A_12, %get3A_13] : memref<64x64xf32, #tpu.memory_space<vmem>>, vector<64x64xf32>
    %get3A_15 = arith.constant 0 : index
    %get3A_16 = arith.constant 0 : index
    %get3A_17 = vector.load %arg6[%get3A_15, %get3A_16] : memref<64x64xf32, #tpu.memory_space<vmem>>, vector<64x64xf32>
    %dot_general3A = arith.constant dense<0.000000e+00> : vector<4096x64xf32>
    %dot_general3A_18 = tpu.matmul %get3A_7, %get3A_14, %dot_general3A {dimension_numbers = #tpu.dot_dimension_numbers<[1], [0], [0], [1], [0, 0, 1, 1], [], []>, transpose_lhs_hint = false} : vector<4096x64xf32>, vector<64x64xf32>, vector<4096x64xf32> -> vector<4096x64xf32>
    %get3A_19 = arith.constant 0 : index
    %get3A_20 = arith.constant 0 : index
    %get3A_21 = vector.load %arg5[%get3A_19, %get3A_20] : memref<1x64xf32, #tpu.memory_space<vmem>>, vector<1x64xf32>
    %add3A = vector.broadcast %get3A_21 : vector<1x64xf32> to vector<4096x64xf32>
    %add3A_22 = arith.addf %dot_general3A_18, %add3A : vector<4096x64xf32>
    %mul3A_23 = arith.mulf %get3A_1, %get3A_7 : vector<4096x64xf32>
    %dot_general3A_24 = arith.constant dense<0.000000e+00> : vector<4096x64xf32>
    %dot_general3A_25 = tpu.matmul %mul3A_23, %get3A_17, %dot_general3A_24 {dimension_numbers = #tpu.dot_dimension_numbers<[1], [0], [0], [1], [0, 0, 1, 1], [], []>, transpose_lhs_hint = false} : vector<4096x64xf32>, vector<64x64xf32>, vector<4096x64xf32> -> vector<4096x64xf32>
    %add3A_26 = arith.addf %add3A_22, %dot_general3A_25 : vector<4096x64xf32>
    %get3A_27 = arith.constant 0 : index
    %get3A_28 = arith.constant 0 : index
    %get3A_29 = vector.load %arg7[%get3A_27, %get3A_28] : memref<1x64xf32, #tpu.memory_space<vmem>>, vector<1x64xf32>
    %add3A_30 = vector.broadcast %get3A_29 : vector<1x64xf32> to vector<4096x64xf32>
    %add3A_31 = arith.addf %add3A_26, %add3A_30 : vector<4096x64xf32>
    %dot_general3A_32 = arith.constant dense<0.000000e+00> : vector<4096x64xf32>
    %dot_general3A_33 = tpu.matmul %get3A_10, %get3A_14, %dot_general3A_32 {dimension_numbers = #tpu.dot_dimension_numbers<[1], [0], [0], [1], [0, 0, 1, 1], [], []>, transpose_lhs_hint = false} : vector<4096x64xf32>, vector<64x64xf32>, vector<4096x64xf32> -> vector<4096x64xf32>
    %get3A_34 = arith.constant 0 : index
    %get3A_35 = arith.constant 0 : index
    %get3A_36 = vector.load %arg5[%get3A_34, %get3A_35] : memref<1x64xf32, #tpu.memory_space<vmem>>, vector<1x64xf32>
    %add3A_37 = vector.broadcast %get3A_36 : vector<1x64xf32> to vector<4096x64xf32>
    %add3A_38 = arith.addf %dot_general3A_33, %add3A_37 : vector<4096x64xf32>
    %mul3A_39 = arith.mulf %get3A_4, %get3A_10 : vector<4096x64xf32>
    %dot_general3A_40 = arith.constant dense<0.000000e+00> : vector<4096x64xf32>
    %dot_general3A_41 = tpu.matmul %mul3A_39, %get3A_17, %dot_general3A_40 {dimension_numbers = #tpu.dot_dimension_numbers<[1], [0], [0], [1], [0, 0, 1, 1], [], []>, transpose_lhs_hint = false} : vector<4096x64xf32>, vector<64x64xf32>, vector<4096x64xf32> -> vector<4096x64xf32>
    %add3A_42 = arith.addf %add3A_38, %dot_general3A_41 : vector<4096x64xf32>
    %get3A_43 = arith.constant 0 : index
    %get3A_44 = arith.constant 0 : index
    %get3A_45 = vector.load %arg7[%get3A_43, %get3A_44] : memref<1x64xf32, #tpu.memory_space<vmem>>, vector<1x64xf32>
    %add3A_46 = vector.broadcast %get3A_45 : vector<1x64xf32> to vector<4096x64xf32>
    %add3A_47 = arith.addf %add3A_42, %add3A_46 : vector<4096x64xf32>
    %ge3A = arith.constant 0.000000e+00 : f32
    %ge3A_48 = vector.broadcast %ge3A : f32 to vector<4096x64xf32>
    %ge3A_49 = arith.cmpf oge, %add3A_31, %ge3A_48 : vector<4096x64xf32>
    %mul3A_50 = arith.constant 2.000000e-01 : f32
    %mul3A_51 = vector.broadcast %mul3A_50 : f32 to vector<4096x64xf32>
    %mul3A_52 = arith.mulf %mul3A_51, %add3A_31 : vector<4096x64xf32>
    %select_n3A = arith.select %ge3A_49, %add3A_31, %mul3A_52 : vector<4096x64xi1>, vector<4096x64xf32>
    %ge3A_53 = arith.constant 0.000000e+00 : f32
    %ge3A_54 = vector.broadcast %ge3A_53 : f32 to vector<4096x64xf32>
    %ge3A_55 = arith.cmpf oge, %add3A_47, %ge3A_54 : vector<4096x64xf32>
    %mul3A_56 = arith.constant 2.000000e-01 : f32
    %mul3A_57 = vector.broadcast %mul3A_56 : f32 to vector<4096x64xf32>
    %mul3A_58 = arith.mulf %mul3A_57, %add3A_47 : vector<4096x64xf32>
    %select_n3A_59 = arith.select %ge3A_55, %add3A_47, %mul3A_58 : vector<4096x64xi1>, vector<4096x64xf32>
    %mul3A_60 = arith.mulf %select_n3A, %select_n3A : vector<4096x64xf32>
    %reduce_sum3A_61 = arith.constant dense<0.000000e+00> : vector<4096xf32>
    %reduce_sum3A_62 = vector.multi_reduction <add>, %mul3A_60, %reduce_sum3A_61 [1] : vector<4096x64xf32> to vector<4096xf32>
    %broadcast_in_dim3A = vector.shape_cast %reduce_sum3A_62 : vector<4096xf32> to vector<4096x1xf32>
    %sqrt3A = math.sqrt %broadcast_in_dim3A : vector<4096x1xf32>
    %max3A = arith.constant 9.99999996E-13 : f32
    %max3A_63 = vector.broadcast %max3A : f32 to vector<4096x1xf32>
    %max3A_64 = arith.maximumf %sqrt3A, %max3A_63 : vector<4096x1xf32>
    %div3A = vector.broadcast %max3A_64 : vector<4096x1xf32> to vector<4096x64xf32>
    %div3A_65 = arith.divf %select_n3A, %div3A : vector<4096x64xf32>
    %mul3A_66 = arith.mulf %select_n3A_59, %select_n3A_59 : vector<4096x64xf32>
    %reduce_sum3A_67 = arith.constant dense<0.000000e+00> : vector<4096xf32>
    %reduce_sum3A_68 = vector.multi_reduction <add>, %mul3A_66, %reduce_sum3A_67 [1] : vector<4096x64xf32> to vector<4096xf32>
    %broadcast_in_dim3A_69 = vector.shape_cast %reduce_sum3A_68 : vector<4096xf32> to vector<4096x1xf32>
    %sqrt3A_70 = math.sqrt %broadcast_in_dim3A_69 : vector<4096x1xf32>
    %max3A_71 = arith.constant 9.99999996E-13 : f32
    %max3A_72 = vector.broadcast %max3A_71 : f32 to vector<4096x1xf32>
    %max3A_73 = arith.maximumf %sqrt3A_70, %max3A_72 : vector<4096x1xf32>
    %div3A_74 = vector.broadcast %max3A_73 : vector<4096x1xf32> to vector<4096x64xf32>
    %div3A_75 = arith.divf %select_n3A_59, %div3A_74 : vector<4096x64xf32>
    %mul3A_76 = arith.mulf %div3A_65, %div3A_75 : vector<4096x64xf32>
    %reduce_sum3A_77 = arith.constant dense<0.000000e+00> : vector<4096xf32>
    %reduce_sum3A_78 = vector.multi_reduction <add>, %mul3A_76, %reduce_sum3A_77 [1] : vector<4096x64xf32> to vector<4096xf32>
    %add3A_79 = arith.addf %reduce_sum3A_11, %reduce_sum3A_78 : vector<4096xf32>
    %get3A_80 = arith.constant 0 : index
    %get3A_81 = arith.constant 0 : index
    %get3A_82 = vector.load %arg8[%get3A_80, %get3A_81] : memref<64x64xf32, #tpu.memory_space<vmem>>, vector<64x64xf32>
    %get3A_83 = arith.constant 0 : index
    %get3A_84 = arith.constant 0 : index
    %get3A_85 = vector.load %arg10[%get3A_83, %get3A_84] : memref<64x64xf32, #tpu.memory_space<vmem>>, vector<64x64xf32>
    %dot_general3A_86 = arith.constant dense<0.000000e+00> : vector<4096x64xf32>
    %dot_general3A_87 = tpu.matmul %get3A_7, %get3A_82, %dot_general3A_86 {dimension_numbers = #tpu.dot_dimension_numbers<[1], [0], [0], [1], [0, 0, 1, 1], [], []>, transpose_lhs_hint = false} : vector<4096x64xf32>, vector<64x64xf32>, vector<4096x64xf32> -> vector<4096x64xf32>
    %get3A_88 = arith.constant 0 : index
    %get3A_89 = arith.constant 0 : index
    %get3A_90 = vector.load %arg9[%get3A_88, %get3A_89] : memref<1x64xf32, #tpu.memory_space<vmem>>, vector<1x64xf32>
    %add3A_91 = vector.broadcast %get3A_90 : vector<1x64xf32> to vector<4096x64xf32>
    %add3A_92 = arith.addf %dot_general3A_87, %add3A_91 : vector<4096x64xf32>
    %mul3A_93 = arith.mulf %get3A_1, %get3A_7 : vector<4096x64xf32>
    %dot_general3A_94 = arith.constant dense<0.000000e+00> : vector<4096x64xf32>
    %dot_general3A_95 = tpu.matmul %mul3A_93, %get3A_85, %dot_general3A_94 {dimension_numbers = #tpu.dot_dimension_numbers<[1], [0], [0], [1], [0, 0, 1, 1], [], []>, transpose_lhs_hint = false} : vector<4096x64xf32>, vector<64x64xf32>, vector<4096x64xf32> -> vector<4096x64xf32>
    %add3A_96 = arith.addf %add3A_92, %dot_general3A_95 : vector<4096x64xf32>
    %get3A_97 = arith.constant 0 : index
    %get3A_98 = arith.constant 0 : index
    %get3A_99 = vector.load %arg11[%get3A_97, %get3A_98] : memref<1x64xf32, #tpu.memory_space<vmem>>, vector<1x64xf32>
    %add3A_100 = vector.broadcast %get3A_99 : vector<1x64xf32> to vector<4096x64xf32>
    %add3A_101 = arith.addf %add3A_96, %add3A_100 : vector<4096x64xf32>
    %dot_general3A_102 = arith.constant dense<0.000000e+00> : vector<4096x64xf32>
    %dot_general3A_103 = tpu.matmul %get3A_10, %get3A_82, %dot_general3A_102 {dimension_numbers = #tpu.dot_dimension_numbers<[1], [0], [0], [1], [0, 0, 1, 1], [], []>, transpose_lhs_hint = false} : vector<4096x64xf32>, vector<64x64xf32>, vector<4096x64xf32> -> vector<4096x64xf32>
    %get3A_104 = arith.constant 0 : index
    %get3A_105 = arith.constant 0 : index
    %get3A_106 = vector.load %arg9[%get3A_104, %get3A_105] : memref<1x64xf32, #tpu.memory_space<vmem>>, vector<1x64xf32>
    %add3A_107 = vector.broadcast %get3A_106 : vector<1x64xf32> to vector<4096x64xf32>
    %add3A_108 = arith.addf %dot_general3A_103, %add3A_107 : vector<4096x64xf32>
    %mul3A_109 = arith.mulf %get3A_4, %get3A_10 : vector<4096x64xf32>
    %dot_general3A_110 = arith.constant dense<0.000000e+00> : vector<4096x64xf32>
    %dot_general3A_111 = tpu.matmul %mul3A_109, %get3A_85, %dot_general3A_110 {dimension_numbers = #tpu.dot_dimension_numbers<[1], [0], [0], [1], [0, 0, 1, 1], [], []>, transpose_lhs_hint = false} : vector<4096x64xf32>, vector<64x64xf32>, vector<4096x64xf32> -> vector<4096x64xf32>
    %add3A_112 = arith.addf %add3A_108, %dot_general3A_111 : vector<4096x64xf32>
    %get3A_113 = arith.constant 0 : index
    %get3A_114 = arith.constant 0 : index
    %get3A_115 = vector.load %arg11[%get3A_113, %get3A_114] : memref<1x64xf32, #tpu.memory_space<vmem>>, vector<1x64xf32>
    %add3A_116 = vector.broadcast %get3A_115 : vector<1x64xf32> to vector<4096x64xf32>
    %add3A_117 = arith.addf %add3A_112, %add3A_116 : vector<4096x64xf32>
    %ge3A_118 = arith.constant 0.000000e+00 : f32
    %ge3A_119 = vector.broadcast %ge3A_118 : f32 to vector<4096x64xf32>
    %ge3A_120 = arith.cmpf oge, %add3A_101, %ge3A_119 : vector<4096x64xf32>
    %mul3A_121 = arith.constant 2.000000e-01 : f32
    %mul3A_122 = vector.broadcast %mul3A_121 : f32 to vector<4096x64xf32>
    %mul3A_123 = arith.mulf %mul3A_122, %add3A_101 : vector<4096x64xf32>
    %select_n3A_124 = arith.select %ge3A_120, %add3A_101, %mul3A_123 : vector<4096x64xi1>, vector<4096x64xf32>
    %ge3A_125 = arith.constant 0.000000e+00 : f32
    %ge3A_126 = vector.broadcast %ge3A_125 : f32 to vector<4096x64xf32>
    %ge3A_127 = arith.cmpf oge, %add3A_117, %ge3A_126 : vector<4096x64xf32>
    %mul3A_128 = arith.constant 2.000000e-01 : f32
    %mul3A_129 = vector.broadcast %mul3A_128 : f32 to vector<4096x64xf32>
    %mul3A_130 = arith.mulf %mul3A_129, %add3A_117 : vector<4096x64xf32>
    %select_n3A_131 = arith.select %ge3A_127, %add3A_117, %mul3A_130 : vector<4096x64xi1>, vector<4096x64xf32>
    %mul3A_132 = arith.mulf %select_n3A_124, %select_n3A_124 : vector<4096x64xf32>
    %reduce_sum3A_133 = arith.constant dense<0.000000e+00> : vector<4096xf32>
    %reduce_sum3A_134 = vector.multi_reduction <add>, %mul3A_132, %reduce_sum3A_133 [1] : vector<4096x64xf32> to vector<4096xf32>
    %broadcast_in_dim3A_135 = vector.shape_cast %reduce_sum3A_134 : vector<4096xf32> to vector<4096x1xf32>
    %sqrt3A_136 = math.sqrt %broadcast_in_dim3A_135 : vector<4096x1xf32>
    %max3A_137 = arith.constant 9.99999996E-13 : f32
    %max3A_138 = vector.broadcast %max3A_137 : f32 to vector<4096x1xf32>
    %max3A_139 = arith.maximumf %sqrt3A_136, %max3A_138 : vector<4096x1xf32>
    %div3A_140 = vector.broadcast %max3A_139 : vector<4096x1xf32> to vector<4096x64xf32>
    %div3A_141 = arith.divf %select_n3A_124, %div3A_140 : vector<4096x64xf32>
    %mul3A_142 = arith.mulf %select_n3A_131, %select_n3A_131 : vector<4096x64xf32>
    %reduce_sum3A_143 = arith.constant dense<0.000000e+00> : vector<4096xf32>
    %reduce_sum3A_144 = vector.multi_reduction <add>, %mul3A_142, %reduce_sum3A_143 [1] : vector<4096x64xf32> to vector<4096xf32>
    %broadcast_in_dim3A_145 = vector.shape_cast %reduce_sum3A_144 : vector<4096xf32> to vector<4096x1xf32>
    %sqrt3A_146 = math.sqrt %broadcast_in_dim3A_145 : vector<4096x1xf32>
    %max3A_147 = arith.constant 9.99999996E-13 : f32
    %max3A_148 = vector.broadcast %max3A_147 : f32 to vector<4096x1xf32>
    %max3A_149 = arith.maximumf %sqrt3A_146, %max3A_148 : vector<4096x1xf32>
    %div3A_150 = vector.broadcast %max3A_149 : vector<4096x1xf32> to vector<4096x64xf32>
    %div3A_151 = arith.divf %select_n3A_131, %div3A_150 : vector<4096x64xf32>
    %mul3A_152 = arith.mulf %div3A_141, %div3A_151 : vector<4096x64xf32>
    %reduce_sum3A_153 = arith.constant dense<0.000000e+00> : vector<4096xf32>
    %reduce_sum3A_154 = vector.multi_reduction <add>, %mul3A_152, %reduce_sum3A_153 [1] : vector<4096x64xf32> to vector<4096xf32>
    %add3A_155 = arith.addf %add3A_79, %reduce_sum3A_154 : vector<4096xf32>
    %swap3A = arith.constant 0 : index
    %swap3A_156 = vector.load %arg12[%swap3A] : memref<4096xf32, #tpu.memory_space<vmem>>, vector<4096xf32>
    tpu.vector_store %arg12[%swap3A], %add3A_155 {strides = array<i32>} : memref<4096xf32, #tpu.memory_space<vmem>>, vector<4096xf32>,
    return
  }
}

</mosaic_0001>

<sc_bundles>
// kernel: kernel.4.cloned.1.call-start
scs
__scs_entry_jumppad:
0x0: {  	(pc) =	sbr.rel $0x88, $3  }
0x1: {  	(tag) =	ssettag $0x0;
	lr =	simm.s32 $0x1  }
0x2: {  	[smem:$0x3F93] =	sst lr;
	_ =	strace $0xD0000000  }
0x3: {  	_ = 	snop  }
0x4: {  	_ = 	snop  }
0x5: {  	_ = 	snop  }
0x6: {  	_ = 	snop  }
0x7: {  	_ = 	snop  }
__scs_overlays_trampoline_lowered:
0x8: {  	[smem:$0x3FA2] =	sst s0  }
0x9: {  	[smem:$0x3FA3] =	sst s1  }
0xa: {  	[smem:$0x3FA4] =	sst s2  }
0xb: {  	[smem:$0x3FA5] =	sst s3  }
0xc: {  	[smem:$0x3FA6] =	sst s4  }
0xd: {  	[smem:$0x3FA7] =	sst s5  }
0xe: {  	[smem:$0x3FA8] =	sst s6  }
0xf: {  	[smem:$0x3FA9] =	sst s7  }
0x10: {  	[smem:$0x3FAA] =	sst s8  }
0x11: {  	[smem:$0x3FAB] =	sst s9;
	s0 =	simm.s32 @!p0 $0x0  }
0x12: {  	s1 =	sld [smem:$0x3F91];
	s0 =	simm.s32 @p0 $0x1  }
0x13: {  	[smem:$0x3FAC] =	sst s0;
	s0 =	simm.s32 @!p1 $0x0  }
0x14: {  	s2 =	sld [smem:$0x3F90];
	s0 =	simm.s32 @p1 $0x1  }
0x15: {  	[smem:$0x3FAD] =	sst s0;
	s0 =	simm.s32 @!p2 $0x0  }
0x16: {  	s3 =	sld [smem:$0x3FDB];
	s0 =	simm.s32 @p2 $0x1  }
0x17: {  	s4 =	simm.s32 $0x1BF5;
	[smem:$0x3FAF] =	sst s0  }
0x18: {  	s0 =	sld [smem:$0x3F92];
	_ =	swait.ge [sflag:s4], $0x0  }
0x19: {  	s7 =	sld [smem:$0x3F93]  }
0x1a: {  	s8 =	sadd.s32 $0xFFFFE003, lr  }
0x1b: {  	s9 =	sadd.s32 $0xFFFFFEF7, lr;
	s5 =	simm.s32 $0xFFFFFFFF;
	p2 =	slt.u32 s8, $0xFFFFF086  }
0x1c: {  	p1 =	slt.u32 s9, $0xF7A;
	s5 =	simm.s32 @!p2 $0x0  }
0x1d: {  	s5 =	simm.s32 @p1 $0x1;
	p0 =	seq.s32 s7, s2  }
0x1e: {  	s7 =	smul.u32 @!p0 $0xF7A, s2;
	p2 =	seq.s32 @!p0 s5, $0x0  }
0x1f: {  	s9 =	smul.u32 $0xF7A, s1;
	s8 =	simm.s32 @!p0 $0x1BF5;
	p2 =	por !p2, p0  }
0x20: {  	[sflag:s8] =	ssyncset.s32 @!p0 $0xFFFFF086;
	s6 =	sadd.s32 @!p0 s3, s7;
	s7 =	simm.s32 @!p0 $0x108  }
0x21: {  	s3 =	sadd.s32 s3, s9;
	s6 =	sadd.s32 @!p0 $0x88, s6;
	s7 =	simm.s32 @p2 $0x1082  }
0x22: {  	[simem:s7], [sflag:s8] =	dma.local @!p0 [hbm:s6], $0xF7A  }
0x23: {  	s9 =	sor.u32 $0xD0000000, s2;
	s6 =	simm.s32 $0x108;
	_ =	swait.ge @!p0 [sflag:s8], $0x0  }
0x24: {  	s3 =	sadd.s32 $0x88, s3;
	s6 =	simm.s32 @!p1 $0x1082;
	[sflag:s4] =	ssyncset.s32 $0xFFFFF086  }
0x25: {  	[simem:s6], [sflag:s4] =	dma.local [hbm:s3], $0xF7A  }
0x26: {  	[smem:$0x3F93] =	sst s1;
	(tag) =	ssettag s2;
	_ =	strace s9  }
0x27: {  	s1 =	sld [smem:$0x3FA3]  }
0x28: {  	s2 =	sld [smem:$0x3FA4]  }
0x29: {  	s4 =	sld [smem:$0x3FA6]  }
0x2a: {  	p0 =	seq.s32 s5, $0x0;
	s5 =	sld [smem:$0x3FA7]  }
0x2b: {  	s6 =	sld [smem:$0x3FA8]  }
0x2c: {  	s7 =	sld [smem:$0x3FA9]  }
0x2d: {  	s3 =	simm.s32 $0x108;
	s8 =	sld [smem:$0x3FAA]  }
0x2e: {  	s3 =	simm.s32 @!p0 $0x1082;
	s9 =	sld [smem:$0x3FAB]  }
0x2f: {  	lr =	sadd.s32 s0, s3;
	s0 =	sld [smem:$0x3FA2]  }
0x30: {  	s3 =	sld [smem:$0x3FA5]  }
0x31: {  	[smem:$0x3FAE] =	sst s10  }
0x32: {  	s10 =	sld [smem:$0x3FAC];
	_ =	sdelay $0x3  }
0x33: {  	p0 =	seq.s32 s10, $0x1;
	s10 =	sld [smem:$0x3FAE];
	_ =	sdelay $0x3  }
0x34: {  	[smem:$0x3FAE] =	sst s10  }
0x35: {  	s10 =	sld [smem:$0x3FAD];
	_ =	sdelay $0x3  }
0x36: {  	p1 =	seq.s32 s10, $0x1;
	s10 =	sld [smem:$0x3FAE];
	_ =	sdelay $0x3  }
0x37: {  	[smem:$0x3FAE] =	sst s10  }
0x38: {  	s10 =	sld [smem:$0x3FAF]  }
0x39: {  	_ = 	snop;
	(pc) =	sbr.ind lr, $3  }
0x3a: {  	_ = 	snop  }
0x3b: {  	_ = 	snop  }
0x3c: {  	p2 =	seq.s32 s10, $0x1;
	s10 =	sld [smem:$0x3FAE]  }
0x3d: {  	_ =	shalt  }
0x3e: {  	_ =	shalt  }
0x3f: {  	_ =	shalt  }
0x40: {  	_ =	shalt  }
0x41: {  	_ =	shalt  }
0x42: {  	_ =	shalt  }
0x43: {  	_ =	shalt  }
0x44: {  	_ =	shalt  }
0x45: {  	_ =	shalt  }
0x46: {  	_ =	shalt  }
0x47: {  	_ =	shalt  }
0x48: {  	_ =	shalt  }
0x49: {  	_ =	shalt  }
0x4a: {  	_ =	shalt  }
0x4b: {  	_ =	shalt  }
0x4c: {  	_ =	shalt  }
0x4d: {  	_ =	shalt  }
0x4e: {  	_ =	shalt  }
0x4f: {  	_ =	shalt  }
0x50: {  	_ =	shalt  }
0x51: {  	_ =	shalt  }
0x52: {  	_ =	shalt  }
0x53: {  	_ =	shalt  }
0x54: {  	_ =	shalt  }
0x55: {  	_ =	shalt  }
0x56: {  	_ =	shalt  }
0x57: {  	_ =	shalt  }
0x58: {  	_ =	shalt  }
0x59: {  	_ =	shalt  }
0x5a: {  	_ =	shalt  }
0x5b: {  	_ =	shalt  }
0x5c: {  	_ =	shalt  }
0x5d: {  	_ =	shalt  }
0x5e: {  	_ =	shalt  }
0x5f: {  	_ =	shalt  }
0x60: {  	_ =	shalt  }
0x61: {  	_ =	shalt  }
0x62: {  	_ =	shalt  }
0x63: {  	_ =	shalt  }
0x64: {  	_ =	shalt  }
0x65: {  	_ =	shalt  }
0x66: {  	_ =	shalt  }
0x67: {  	_ =	shalt  }
0x68: {  	_ =	shalt  }
0x69: {  	_ =	shalt  }
0x6a: {  	_ =	shalt  }
0x6b: {  	_ =	shalt  }
0x6c: {  	_ =	shalt  }
0x6d: {  	_ =	shalt  }
0x6e: {  	_ =	shalt  }
0x6f: {  	_ =	shalt  }
0x70: {  	_ =	shalt  }
0x71: {  	_ =	shalt  }
0x72: {  	_ =	shalt  }
0x73: {  	_ =	shalt  }
0x74: {  	_ =	shalt  }
0x75: {  	_ =	shalt  }
0x76: {  	_ =	shalt  }
0x77: {  	_ =	shalt  }
0x78: {  	_ =	shalt  }
0x79: {  	_ =	shalt  }
0x7a: {  	_ =	shalt  }
0x7b: {  	_ =	shalt  }
0x7c: {  	_ =	shalt  }
0x7d: {  	_ =	shalt  }
0x7e: {  	_ =	shalt  }
0x7f: {  	_ =	shalt  }
0x80: {  	_ =	shalt  }
0x81: {  	_ =	shalt  }
0x82: {  	_ =	shalt  }
0x83: {  	_ =	shalt  }
0x84: {  	_ =	shalt  }
0x85: {  	_ =	shalt  }
0x86: {  	_ =	shalt  }
0x87: {  	_ =	shalt  }
.Lfunc_end0:
.L_simem_size_0:
called_computation_lowered:
.L_overlay_start_0:
0x88: {  	s2 =	sld [smem:$0x3FD9]  }
0x89: {  	s3 =	sld [smem:$0x3FFE];
	_ =	sdelay $0x1  }
0x8a: {  	s1 =	srdreg.scid  }
0x8b: {  	s0 =	sand.u32 $0x1, s1  }
0x8c: {  	s17 =	sshll.u32 s0, $0xA;
	s2 =	sadd.s32 s3, s2  }
0x8d: {  	s2 =	sadd.s32 s2, s17  }
0x8e: {  	[smem:$0x3FBA] =	sst s2  }
0x8f: {  	_ = 	snop  }
0x90: {  	s2 =	sld [smem:$0x3FC7]  }
0x91: {  	s18 =	sld [smem:$0x3FC6];
	(tm) =	ssettm $0x1  }
0x92: {  	s4 =	sld [smem:$0x3FFB];
	_ =	sdelay $0x3  }
0x93: {  	_ =	strace s4  }
0x94: {  	s4 =	sld [smem:$0x3FFC];
	_ =	sdelay $0x3  }
0x95: {  	_ =	strace s4  }
0x96: {  	s4 =	sld [smem:$0x3FFD];
	_ =	sdelay $0x3  }
0x97: {  	_ =	strace s4  }
0x98: {  	_ =	strace $0x8FFFFFFF  }
0x99: {  	s19 =	sld [smem:$0x3FDB];
	_ =	sdelay $0x1  }
0x9a: {  	s5 =	simm.s32 $_scs_section_size  }
0x9b: {  	s6 =	simm.s32 $_size__tile_overlayer_lowered;
	s7 =	simm.s32 $_tile_overlayer_lowered  }
0x9c: {  	s22 =	simm.s32 $0x1BFF;
	s21 =	sshll.u32 s7, $0x1;
	s4 =	sadd.s32 s5, s19  }
0x9d: {  	s8 =	simm.s32 $0x0;
	s20 =	sshll.u32 s6, $0x1;
	s6 =	sadd.s32 s21, s4  }
0x9e: {  	[timem:s8], [sflag:s22] =	dma.local [hbm:s6], s20  }
0x9f: {  	_ =	swait.ge [sflag:s22], s20  }
0xa0: {  	s5 =	ssub.s32 $0x0, s20;
	[sflag:s22] =	ssyncset.done $0x0  }
0xa1: {  	[sflag:s22] =	ssyncadd.s32 s5;
	_ =	sdelay $0x1  }
0xa2: {  	s23 =	simm.s32 $0x1B8B  }
0xa3: {  	_ =	swait.ge [sflag:s23], $0x1  }
0xa4: {  	[sflag:s23] =	ssyncset.done $0x0  }
0xa5: {  	s25 =	simm.s32 $0x1B8E;
	s24 =	sld [smem:$0x3FFE];
	[sflag:s23] =	ssyncadd.s32 $0xFFFFFFFF  }
0xa6: {  	s26 =	simm.s32 $execute0_lowered;
	[smem:$0x3FD2] =	sst s25  }
0xa7: {  	s6 =	sshll.u32 s26, $0x1;
	_ =	strace $0x80000046;
	[dreg:$0x1] =	wrdreg $0xFFFFFFFF  }
0xa8: {  	s28 =	simm.s32 $_size_execute0_lowered;
	s4 =	sadd.s32 s4, s6;
	[dreg:$0x0] =	wrdreg $0x0  }
0xa9: {  	s6 =	sshll.u32 s28, $0x1;
	[dreg:$0x2] =	wrdreg s4  }
0xaa: {  	[dreg:$0x3] =	wrdreg s6  }
0xab: {  	[dreg:$0x4] =	wrdreg $0xC0  }
0xac: {  	_ =	task [dreg:s8], $0x5FFFF  }
0xad: {  	[dreg:$0x1] =	wrdreg $0xFFFFFFFF  }
0xae: {  	[dreg:$0x0] =	wrdreg $0x60  }
0xaf: {  	[dreg:$0x2] =	wrdreg s24  }
0xb0: {  	[dreg:$0x3] =	wrdreg s2  }
0xb1: {  	[dreg:$0x4] =	wrdreg s18  }
0xb2: {  	[dreg:$0x5] =	wrdreg $0x0  }
0xb3: {  	[dreg:$0x6] =	wrdreg $0x9  }
0xb4: {  	_ =	task.clear_ibuf [dreg:s8], $0x7FFFF;
	_ =	strace $0x90000046  }
0xb5: {  	s29 =	simm.s32 $0x9;
	_ =	strace $0x80000048  }
0xb6: {  	_ =	swait.ge [sflag:s29], $0x1  }
0xb7: {  	[sflag:s29] =	ssyncadd.s32 $0xFFFFFFFF  }
0xb8: {  	_ =	strace $0x90000048  }
0xb9: {  	_ =	sfence  }
0xba: {  	s30 =	sld [smem:$0x0];
	_ =	sdelay $0x2  }
0xbb: {  	s31 =	sshll.u32 s1, $0xD;
	s1 =	sshrl.u32 s1, $0x2  }
0xbc: {  	s3 =	sand.u32 $0x4000, s31;
	s1 =	sadd.s32 s1, s30  }
0xbd: {  	s0 =	sor.u32 s3, s0;
	s1 =	sshll.u32 s1, $0x11  }
0xbe: {  	s0 =	sor.u32 s1, s0  }
0xbf: {  	s0 =	sadd.s32 $0x8F2B, s0  }
0xc0: {  	[sflag:s0] =	ssyncadd.remote.s32 $0x1  }
0xc1: {  	_ =	sfence.sel $0xFFFF  }
0xc2: {  	[dreg:$0x0] =	wrdreg $0xFFFFFFFF;
	(pc) =	sbr.abs _section_cstart, $3  }
0xc3: {  	[dreg:$0x1] =	wrdreg $0xFFFFFFFF  }
0xc4: {  	_ =	task.clear_ibuf [dreg:s8], $0x2FFFF;
	_ =	strace $0x9FFFFFFF  }
0xc5: {  	(tm) =	ssettm $0x7FFFFFFF  }
tec
execute0_lowered:
.L_overlay_start_1:
0x0: {  	(tag) =	ssettag $0x1  }
0x1: {  	s3 =	rddreg [dreg:$0x0]  }
0x2: {  	s1 =	srdreg.scid;
	s2 =	rddreg [dreg:$0x1]  }
0x3: {  	s0 =	simm.s32 $0x0;
	s16 =	stileid.u32;
	s4 =	sand.u32 $0x1, s1  }
0x4: {  	[smem:$0x7FF] =	sst s0;
	s5 =	sadd.s32 $0x49000, s3;
	s6 =	sadd.s32 $0x11B800, s3  }
0x5: {  	s8 =	sadd.s32 $0x123800, s3;
	s26 =	sshll.u32 s16, $0x9;
	s10 =	sshll.u32 s16, $0xB  }
0x6: {  	s9 =	sadd.s32 $0x12B800, s3;
	s20 =	sshll.u32 s16, $0xC;
	s11 =	sadd.s32 s5, s10  }
0x7: {  	s12 =	sor.u32 $0x100, s26;
	s10 =	sadd.s32 s6, s10;
	[dreg:$0x5] =	wrdreg s11  }
0x8: {  	s21 =	sadd.s32 s8, s20;
	s14 =	sshll.u32 s12, $0x2;
	[dreg:$0x9] =	wrdreg s10  }
0x9: {  	s1 =	ssub.s32 $0x2, s4;
	[dreg:$0xd] =	wrdreg s21;
	s28 =	sadd.s32 s5, s14  }
0xa: {  	s23 =	sshll.u32 s12, $0x3;
	s18 =	sadd.s32 s6, s14;
	[dreg:$0x7] =	wrdreg s28  }
0xb: {  	s11 =	sor.u32 $0x80, s26;
	s25 =	sadd.s32 s8, s23;
	[dreg:$0xb] =	wrdreg s18  }
0xc: {  	s7 =	sshrl.u32 s1, $0x1;
	s13 =	sshll.u32 s11, $0x2;
	[dreg:$0xf] =	wrdreg s25  }
0xd: {  	s1 =	ssub.s32 s1, s7;
	s15 =	sadd.s32 s5, s13;
	s18 =	rddreg [dreg:$0x3]  }
0xe: {  	s22 =	sshll.u32 s11, $0x3;
	s17 =	sadd.s32 s6, s13;
	[dreg:$0x6] =	wrdreg s15  }
0xf: {  	s7 =	sor.u32 $0x180, s26;
	s24 =	sadd.s32 s8, s22;
	[dreg:$0xa] =	wrdreg s17  }
0x10: {  	s30 =	sshll.u32 s7, $0x2;
	s28 =	sadd.s32 s23, s9;
	[dreg:$0xe] =	wrdreg s24  }
0x11: {  	s31 =	simm.s32 $0x7;
	s5 =	sadd.s32 s5, s30;
	[dreg:$0x13] =	wrdreg s28  }
0x12: {  	s26 =	sshll.u32 s7, $0x3;
	s19 =	sadd.s32 s6, s30;
	[dreg:$0x8] =	wrdreg s5  }
0x13: {  	p3 =	slt.u32 s16, $0x8;
	s8 =	sadd.s32 s8, s26;
	[dreg:$0xc] =	wrdreg s19  }
0x14: {  	p2 =	seq.s32 s4, $0x0;
	s6 =	sadd.s32 s22, s9;
	[dreg:$0x10] =	wrdreg s8  }
0x15: {  	s10 =	sadd.s32 $0xEA800, s3;
	s30 =	sadd.s32 s26, s9;
	[dreg:$0x12] =	wrdreg s6  }
0x16: {  	s14 =	sadd.s32 $0x48C00, s3;
	s5 =	sadd.s32 s20, s9;
	[dreg:$0x14] =	wrdreg s30  }
0x17: {  	s13 =	sadd.s32 $0x51E00, s3;
	s23 =	sadd.s32 $0x6A600, s3;
	[dreg:$0x11] =	wrdreg s5  }
0x18: {  	s22 =	sadd.s32 $0x83600, s3;
	s6 =	sadd.s32 $0x3A00, s3;
	s5 =	rddreg [dreg:$0x2]  }
0x19: {  	s15 =	sadd.s32 $0x1C200, s3;
	_ =	strace $0x80000047;
	[dreg:$0x1e] =	wrdreg s6  }
0x1a: {  	s24 =	sadd.s32 $0x2FC00, s3;
	s3 =	sadd.s32 $0x9C600, s3;
	[dreg:$0x16] =	wrdreg s15  }
0x1b: {  	p0 =	seq.s32 s4, $0x1;
	s17 =	sshrl.u32 s11, $0x3;
	[dreg:$0x17] =	wrdreg s3  }
0x1c: {  	s19 =	sshrl.u32 s12, $0x3;
	s21 =	sadd.s32 s14, s17;
	[dreg:$0x15] =	wrdreg s10  }
0x1d: {  	p1 =	sne.s32 s4, $0x0;
	s25 =	sadd.s32 s14, s19;
	[dreg:$0x1a] =	wrdreg s21  }
0x1e: {  	p2 =	por !p2, !p3;
	s28 =	sadd.s32 s2, s17;
	[dreg:$0x1b] =	wrdreg s25  }
0x1f: {  	p3 =	por !p3, !p0;
	s30 =	sadd.s32 s2, s19;
	[smem:$0x7EE] =	sst s28  }
0x20: {  	p2 =	por !p2, !p2;
	s1 =	smax.u32 s1, $0x1;
	[smem:$0x7EF] =	sst s30  }
0x21: {  	s7 =	sshrl.u32 s7, $0x3;
	s8 =	smul.u32 $0x18800, s16;
	[smem:$0x7FC] =	sst s1  }
0x22: {  	p3 =	por !p3, !p3;
	s6 =	sadd.s32 s14, s7;
	[dreg:$0x1c] =	wrdreg s13  }
0x23: {  	s3 =	sadd.s32 s8, s18;
	s11 =	sadd.s32 s5, s17;
	[dreg:$0x1d] =	wrdreg s6  }
0x24: {  	s4 =	sshrl.u32 s8, $0x3;
	s12 =	sadd.s32 s5, s19;
	[smem:$0x7F1] =	sst s11  }
0x25: {  	s8 =	sshll.u32 s16, $0x6;
	s4 =	sadd.s32 s10, s4;
	[smem:$0x7F2] =	sst s12  }
0x26: {  	s9 =	simm.s32 $0x80;
	s20 =	sadd.s32 s14, s8;
	[dreg:$0x18] =	wrdreg s4  }
0x27: {  	s1 =	simm.s32 $0x4;
	s26 =	sadd.s32 s2, s8;
	[dreg:$0x19] =	wrdreg s20  }
0x28: {  	s6 =	smul.u32 $0xC800, s16;
	s2 =	sadd.s32 s2, s7;
	[dreg:$0x1f] =	wrdreg s26  }
0x29: {  	s14 =	sadd.s32 s5, s7;
	s17 =	sadd.s32 s5, s8;
	[smem:$0x7F0] =	sst s2  }
0x2a: {  	s19 =	sor.u32 $0x1C0A, s8;
	s30 =	sshrl.u32 s3, $0x3;
	[smem:$0x7F3] =	sst s14  }
0x2b: {  	s5 =	simm.s32 $0x18800;
	s7 =	simm.s32 $0x18900;
	[smem:$0x7F4] =	sst s17  }
0x2c: {  	s8 =	simm.s32 $0x1;
	s11 =	simm.s32 $0x18880;
	[smem:$0x7F5] =	sst s19  }
0x2d: {  	s16 =	simm.s32 $0x8;
	[smem:$0x7FD] =	sst s30;
	s14 =	simm.s32 $0x2  }
0x2e: {  	s4 =	simm.s32 $0x3;
	s17 =	simm.s32 $0x0;
	s15 =	sshrl.u32 s6, $0x3  }
0x2f: {  	s28 =	sor.u32 $0x80, s6;
	s19 =	sor.u32 $0x100, s6;
	s29 =	sor.u32 $0x180, s6  }
0x30: {  	v63 =	vimm.s32 $0x0;
	s20 =	sadd.s32 s22, s15;
	s21 =	sadd.s32 s24, s15;
	[smem:$0x7FB] =	sst s28  }
.Ltmp0:
0x31: {  	v61 =	vimm.s32 $0x1;
	v62 =	vimm.s32 $0x2;
	v58 =	vimm.s32 $0x3;
	s25 =	sadd.s32 s23, s15;
	[smem:$0x7F6] =	sst s20;
	(pc) =	sbr.rel .LBB2_1-.Ltmp0, $4  }
0x32: {  	v4 =	vimm.s32 $0x4;
	v5 =	vimm.s32 $0x5;
	v6 =	vimm.s32 $0x6;
	s2 =	sor.u32 $0x10, s15;
	s15 =	simm.s32 $0x6;
	[smem:$0x7F7] =	sst s21  }
0x33: {  	v7 =	vimm.s32 $0x7;
	v8 =	vimm.s32 $0x8;
	v9 =	vimm.s32 $0x9;
	[smem:$0x7F8] =	sst s25;
	s26 =	sadd.s32 s22, s2;
	s2 =	sadd.s32 s24, s2  }
0x34: {  	v10 =	vimm.s32 $0xA;
	v11 =	vimm.s32 $0xB;
	v12 =	vimm.s32 $0xC;
	s20 =	simm.s32 $0x18A00;
	s21 =	simm.s32 $0x18B00;
	[smem:$0x7F9] =	sst s26  }
0x35: {  	v13 =	vimm.s32 $0xD;
	v14 =	vimm.s32 $0xE;
	v15 =	vimm.s32 $0xF;
	s25 =	simm.s32 $0x5;
	[smem:$0x7FA] =	sst s2;
	s2 =	simm.s32 $0x18980  }
.LBB2_17:
0x36: {  	[bflag:$0x0] =	sbarrier.arrive $0xFFFF;
	s3 =	simm.s32 @!p1 $0x0  }
0x37: {  	s6 =	simm.s32 @!p1 $0x1BB00;
	s10 =	simm.s32 @!p1 $0xA;
	s13 =	rddreg [dreg:$0x19]  }
0x38: {  	[tilespmem:s6], [sflag:$0xA] =	stream.linear.gather @!p1 [hbm4b:s13+s3], $0x80, $0x38;
	[tilespmem:$0x1EB80] =	vst v63  }
0x39: {  	_ =	swait.ge @!p1 [sflag:s10], $0x80  }
0x3a: {  	[sflag:s10] =	ssyncset.done @!p1 $0x0  }
0x3b: {  	s12 =	simm.s32 @!p1 $0x80;
	s26 =	simm.s32 @!p1 $0x1BB80;
	[sflag:s10] =	ssyncadd.s32 @!p1 $0xFFFFFF80  }
0x3c: {  	[tilespmem:s26], [sflag:$0xA] =	stream.indirect.gather @!p1 [spmem:s18], $0x20, s6, s12, $0xb8;
	[tilespmem:$0x1EB80] =	vst v63  }
0x3d: {  	_ =	swait.ge @!p1 [sflag:s10], $0x1000  }
0x3e: {  	[sflag:s10] =	ssyncset.done @!p1 $0x0  }
0x3f: {  	s28 =	rddreg [dreg:$0x5];
	[sflag:s10] =	ssyncadd.s32 @!p1 $0xFFFFF000  }
0x40: {  	[hbm4b:s28+s3] =	stream.linear.scatter @!p1 [tilespmem:s26], [sflag:$0xA], $0x1000, $0x38;
	[tilespmem:$0x1EB80] =	vst v63  }
0x41: {  	_ =	swait.ge @!p1 [sflag:s10], $0x1000  }
0x42: {  	[sflag:s10] =	ssyncset.done @!p1 $0x0  }
0x43: {  	s30 =	rddreg [dreg:$0x1a];
	[sflag:s10] =	ssyncadd.s32 @!p1 $0xFFFFF000  }
0x44: {  	[tilespmem:s6], [sflag:$0xA] =	stream.linear.gather @!p1 [hbm4b:s30+s3], $0x80, $0x38;
	[tilespmem:$0x1EB80] =	vst v63  }
0x45: {  	_ =	swait.ge @!p1 [sflag:s10], $0x80  }
0x46: {  	[sflag:s10] =	ssyncset.done @!p1 $0x0  }
0x47: {  	[sflag:s10] =	ssyncadd.s32 @!p1 $0xFFFFFF80  }
0x48: {  	[tilespmem:s26], [sflag:$0xA] =	stream.indirect.gather @!p1 [spmem:s18], $0x20, s6, s12, $0xb8;
	[tilespmem:$0x1EB80] =	vst v63  }
0x49: {  	_ =	swait.ge @!p1 [sflag:s10], $0x1000  }
0x4a: {  	[sflag:s10] =	ssyncset.done @!p1 $0x0  }
0x4b: {  	s28 =	rddreg [dreg:$0x6];
	[sflag:s10] =	ssyncadd.s32 @!p1 $0xFFFFF000  }
0x4c: {  	[hbm4b:s28+s3] =	stream.linear.scatter @!p1 [tilespmem:s26], [sflag:$0xA], $0x1000, $0x38;
	[tilespmem:$0x1EB80] =	vst v63  }
0x4d: {  	_ =	swait.ge @!p1 [sflag:s10], $0x1000  }
0x4e: {  	[sflag:s10] =	ssyncset.done @!p1 $0x0  }
0x4f: {  	s20 =	rddreg [dreg:$0x1b];
	[sflag:s10] =	ssyncadd.s32 @!p1 $0xFFFFF000  }
0x50: {  	[tilespmem:s6], [sflag:$0xA] =	stream.linear.gather @!p1 [hbm4b:s20+s3], $0x80, $0x38;
	[tilespmem:$0x1EB80] =	vst v63  }
0x51: {  	_ =	swait.ge @!p1 [sflag:s10], $0x80  }
0x52: {  	[sflag:s10] =	ssyncset.done @!p1 $0x0  }
0x53: {  	[sflag:s10] =	ssyncadd.s32 @!p1 $0xFFFFFF80  }
0x54: {  	[tilespmem:s26], [sflag:$0xA] =	stream.indirect.gather @!p1 [spmem:s18], $0x20, s6, s12, $0xb8;
	[tilespmem:$0x1EB80] =	vst v63  }
0x55: {  	_ =	swait.ge @!p1 [sflag:s10], $0x1000  }
0x56: {  	[sflag:s10] =	ssyncset.done @!p1 $0x0  }
0x57: {  	s28 =	rddreg [dreg:$0x7];
	[sflag:s10] =	ssyncadd.s32 @!p1 $0xFFFFF000  }
0x58: {  	[hbm4b:s28+s3] =	stream.linear.scatter @!p1 [tilespmem:s26], [sflag:$0xA], $0x1000, $0x38;
	[tilespmem:$0x1EB80] =	vst v63  }
0x59: {  	_ =	swait.ge @!p1 [sflag:s10], $0x1000  }
0x5a: {  	[sflag:s10] =	ssyncset.done @!p1 $0x0  }
0x5b: {  	s21 =	rddreg [dreg:$0x1d];
	[sflag:s10] =	ssyncadd.s32 @!p1 $0xFFFFF000  }
0x5c: {  	[tilespmem:s6], [sflag:$0xA] =	stream.linear.gather @!p1 [hbm4b:s21+s3], $0x80, $0x38;
	[tilespmem:$0x1EB80] =	vst v63  }
0x5d: {  	_ =	swait.ge @!p1 [sflag:s10], $0x80  }
0x5e: {  	[sflag:s10] =	ssyncset.done @!p1 $0x0  }
0x5f: {  	[sflag:s10] =	ssyncadd.s32 @!p1 $0xFFFFFF80  }
0x60: {  	[tilespmem:s26], [sflag:$0xA] =	stream.indirect.gather @!p1 [spmem:s18], $0x20, s6, s12, $0xb8;
	[tilespmem:$0x1EB80] =	vst v63  }
0x61: {  	_ =	swait.ge @!p1 [sflag:s10], $0x1000  }
0x62: {  	[sflag:s10] =	ssyncset.done @!p1 $0x0  }
0x63: {  	s6 =	rddreg [dreg:$0x8];
	[sflag:s10] =	ssyncadd.s32 @!p1 $0xFFFFF000  }
0x64: {  	[hbm4b:s6+s3] =	stream.linear.scatter @!p1 [tilespmem:s26], [sflag:$0xA], $0x1000, $0x38;
	[tilespmem:$0x1EB80] =	vst v63  }
0x65: {  	_ =	swait.ge @!p1 [sflag:s10], $0x1000  }
0x66: {  	s3 =	simm.s32 @p0 $0x0;
	[sflag:s10] =	ssyncset.done @!p1 $0x0  }
0x67: {  	s6 =	simm.s32 @p0 $0x1BB00;
	[sflag:s10] =	ssyncadd.s32 @!p1 $0xFFFFF000;
	s10 =	simm.s32 @p0 $0xA  }
0x68: {  	[tilespmem:s6], [sflag:$0xA] =	stream.linear.gather @p0 [hbm4b:s13+s3], $0x80, $0x38;
	[tilespmem:$0x1EB80] =	vst v63  }
0x69: {  	_ =	swait.ge @p0 [sflag:s10], $0x80  }
0x6a: {  	[sflag:s10] =	ssyncset.done @p0 $0x0  }
0x6b: {  	s12 =	simm.s32 @p0 $0x80;
	s26 =	simm.s32 @p0 $0x1BB80;
	[sflag:s10] =	ssyncadd.s32 @p0 $0xFFFFFF80  }
0x6c: {  	[tilespmem:s26], [sflag:$0xA] =	stream.indirect.gather @p0 [spmem:s18], $0x20, s6, s12, $0xb8;
	[tilespmem:$0x1EB80] =	vst v63  }
0x6d: {  	_ =	swait.ge @p0 [sflag:s10], $0x1000  }
0x6e: {  	[sflag:s10] =	ssyncset.done @p0 $0x0  }
0x6f: {  	s28 =	rddreg [dreg:$0x9];
	[sflag:s10] =	ssyncadd.s32 @p0 $0xFFFFF000  }
0x70: {  	[hbm4b:s28+s3] =	stream.linear.scatter @p0 [tilespmem:s26], [sflag:$0xA], $0x1000, $0x38;
	[tilespmem:$0x1EB80] =	vst v63  }
0x71: {  	_ =	swait.ge @p0 [sflag:s10], $0x1000  }
0x72: {  	[sflag:s10] =	ssyncset.done @p0 $0x0  }
0x73: {  	[sflag:s10] =	ssyncadd.s32 @p0 $0xFFFFF000  }
0x74: {  	[tilespmem:s6], [sflag:$0xA] =	stream.linear.gather @p0 [hbm4b:s30+s3], $0x80, $0x38;
	[tilespmem:$0x1EB80] =	vst v63  }
0x75: {  	_ =	swait.ge @p0 [sflag:s10], $0x80  }
0x76: {  	[sflag:s10] =	ssyncset.done @p0 $0x0  }
0x77: {  	[sflag:s10] =	ssyncadd.s32 @p0 $0xFFFFFF80  }
0x78: {  	[tilespmem:s26], [sflag:$0xA] =	stream.indirect.gather @p0 [spmem:s18], $0x20, s6, s12, $0xb8;
	[tilespmem:$0x1EB80] =	vst v63  }
0x79: {  	_ =	swait.ge @p0 [sflag:s10], $0x1000  }
0x7a: {  	[sflag:s10] =	ssyncset.done @p0 $0x0  }
0x7b: {  	s28 =	rddreg [dreg:$0xa];
	[sflag:s10] =	ssyncadd.s32 @p0 $0xFFFFF000  }
0x7c: {  	[hbm4b:s28+s3] =	stream.linear.scatter @p0 [tilespmem:s26], [sflag:$0xA], $0x1000, $0x38;
	[tilespmem:$0x1EB80] =	vst v63  }
0x7d: {  	_ =	swait.ge @p0 [sflag:s10], $0x1000  }
0x7e: {  	[sflag:s10] =	ssyncset.done @p0 $0x0  }
0x7f: {  	[sflag:s10] =	ssyncadd.s32 @p0 $0xFFFFF000  }
0x80: {  	[tilespmem:s6], [sflag:$0xA] =	stream.linear.gather @p0 [hbm4b:s20+s3], $0x80, $0x38;
	[tilespmem:$0x1EB80] =	vst v63  }
0x81: {  	_ =	swait.ge @p0 [sflag:s10], $0x80  }
0x82: {  	[sflag:s10] =	ssyncset.done @p0 $0x0  }
0x83: {  	[sflag:s10] =	ssyncadd.s32 @p0 $0xFFFFFF80  }
0x84: {  	[tilespmem:s26], [sflag:$0xA] =	stream.indirect.gather @p0 [spmem:s18], $0x20, s6, s12, $0xb8;
	[tilespmem:$0x1EB80] =	vst v63  }
0x85: {  	_ =	swait.ge @p0 [sflag:s10], $0x1000  }
0x86: {  	[sflag:s10] =	ssyncset.done @p0 $0x0  }
0x87: {  	s28 =	rddreg [dreg:$0xb];
	[sflag:s10] =	ssyncadd.s32 @p0 $0xFFFFF000  }
0x88: {  	[hbm4b:s28+s3] =	stream.linear.scatter @p0 [tilespmem:s26], [sflag:$0xA], $0x1000, $0x38;
	[tilespmem:$0x1EB80] =	vst v63  }
0x89: {  	_ =	swait.ge @p0 [sflag:s10], $0x1000  }
0x8a: {  	[sflag:s10] =	ssyncset.done @p0 $0x0  }
0x8b: {  	[sflag:s10] =	ssyncadd.s32 @p0 $0xFFFFF000  }
0x8c: {  	[tilespmem:s6], [sflag:$0xA] =	stream.linear.gather @p0 [hbm4b:s21+s3], $0x80, $0x38;
	[tilespmem:$0x1EB80] =	vst v63  }
0x8d: {  	_ =	swait.ge @p0 [sflag:s10], $0x80  }
0x8e: {  	[sflag:s10] =	ssyncset.done @p0 $0x0  }
0x8f: {  	[sflag:s10] =	ssyncadd.s32 @p0 $0xFFFFFF80  }
0x90: {  	[tilespmem:s26], [sflag:$0xA] =	stream.indirect.gather @p0 [spmem:s18], $0x20, s6, s12, $0xb8;
	[tilespmem:$0x1EB80] =	vst v63  }
0x91: {  	_ =	swait.ge @p0 [sflag:s10], $0x1000  }
0x92: {  	[sflag:s10] =	ssyncset.done @p0 $0x0  }
0x93: {  	s6 =	rddreg [dreg:$0xc];
	[sflag:s10] =	ssyncadd.s32 @p0 $0xFFFFF000  }
0x94: {  	[hbm4b:s6+s3] =	stream.linear.scatter @p0 [tilespmem:s26], [sflag:$0xA], $0x1000, $0x38;
	[tilespmem:$0x1EB80] =	vst v63  }
0x95: {  	_ =	swait.ge @p0 [sflag:s10], $0x1000  }
0x96: {  	s3 =	simm.s32 @p2 $0x0;
	[sflag:s10] =	ssyncset.done @p0 $0x0  }
0x97: {  	s6 =	simm.s32 @p2 $0x1BB00;
	[sflag:s10] =	ssyncadd.s32 @p0 $0xFFFFF000;
	s10 =	rddreg [dreg:$0x1f]  }
0x98: {  	[tilespmem:s6], [sflag:$0xA] =	stream.linear.gather @p2 [hbm4b:s10+s3], $0x80, $0x38;
	[tilespmem:$0x1EB80] =	vst v63  }
0x99: {  	s10 =	simm.s32 @p2 $0xA  }
0x9a: {  	_ =	swait.ge @p2 [sflag:s10], $0x80  }
0x9b: {  	s28 =	simm.s32 @p2 $0x9;
	s12 =	simm.s32 @p2 $0x80;
	[sflag:s10] =	ssyncset.done @p2 $0x0  }
0x9c: {  	s26 =	simm.s32 @p2 $0x1CB80;
	s13 =	rddreg [dreg:$0x16];
	[sflag:s10] =	ssyncadd.s32 @p2 $0xFFFFFF80  }
0x9d: {  	[tilespmem:s26], [sflag:$0x9] =	stream.indirect.gather @p2 [hbm4b:s13+s12], $0x40, s6, s12, $0xb8;
	[tilespmem:$0x1EB80] =	vst v63  }
0x9e: {  	_ =	swait.ge @p2 [sflag:s28], $0x2000  }
0x9f: {  	[sflag:s28] =	ssyncset.done @p2 $0x0  }
0xa0: {  	s30 =	rddreg [dreg:$0xd];
	[sflag:s28] =	ssyncadd.s32 @p2 $0xFFFFE000  }
0xa1: {  	[hbm4b:s30+s3] =	stream.linear.scatter @p2 [tilespmem:s26], [sflag:$0xA], $0x2000, $0x38;
	[tilespmem:$0x1EB80] =	vst v63  }
0xa2: {  	_ =	swait.ge @p2 [sflag:s10], $0x2000  }
0xa3: {  	s20 =	sld [smem:$0x7EE]  }
0xa4: {  	[sflag:s10] =	ssyncset.done @p2 $0x0  }
0xa5: {  	[sflag:s10] =	ssyncadd.s32 @p2 $0xFFFFE000  }
0xa6: {  	[tilespmem:s6], [sflag:$0xA] =	stream.linear.gather @p2 [hbm4b:s20+s3], $0x80, $0x38;
	[tilespmem:$0x1EB80] =	vst v63  }
0xa7: {  	_ =	swait.ge @p2 [sflag:s10], $0x80  }
0xa8: {  	[sflag:s10] =	ssyncset.done @p2 $0x0  }
0xa9: {  	[sflag:s10] =	ssyncadd.s32 @p2 $0xFFFFFF80  }
0xaa: {  	[tilespmem:s26], [sflag:$0x9] =	stream.indirect.gather @p2 [hbm4b:s13+s12], $0x40, s6, s12, $0xb8;
	[tilespmem:$0x1EB80] =	vst v63  }
0xab: {  	_ =	swait.ge @p2 [sflag:s28], $0x2000  }
0xac: {  	[sflag:s28] =	ssyncset.done @p2 $0x0  }
0xad: {  	s30 =	rddreg [dreg:$0xe];
	[sflag:s28] =	ssyncadd.s32 @p2 $0xFFFFE000  }
0xae: {  	[hbm4b:s30+s3] =	stream.linear.scatter @p2 [tilespmem:s26], [sflag:$0xA], $0x2000, $0x38;
	[tilespmem:$0x1EB80] =	vst v63  }
0xaf: {  	_ =	swait.ge @p2 [sflag:s10], $0x2000  }
0xb0: {  	s20 =	sld [smem:$0x7EF]  }
0xb1: {  	[sflag:s10] =	ssyncset.done @p2 $0x0  }
0xb2: {  	[sflag:s10] =	ssyncadd.s32 @p2 $0xFFFFE000  }
0xb3: {  	[tilespmem:s6], [sflag:$0xA] =	stream.linear.gather @p2 [hbm4b:s20+s3], $0x80, $0x38;
	[tilespmem:$0x1EB80] =	vst v63  }
0xb4: {  	_ =	swait.ge @p2 [sflag:s10], $0x80  }
0xb5: {  	[sflag:s10] =	ssyncset.done @p2 $0x0  }
0xb6: {  	[sflag:s10] =	ssyncadd.s32 @p2 $0xFFFFFF80  }
0xb7: {  	[tilespmem:s26], [sflag:$0x9] =	stream.indirect.gather @p2 [hbm4b:s13+s12], $0x40, s6, s12, $0xb8;
	[tilespmem:$0x1EB80] =	vst v63  }
0xb8: {  	_ =	swait.ge @p2 [sflag:s28], $0x2000  }
0xb9: {  	[sflag:s28] =	ssyncset.done @p2 $0x0  }
0xba: {  	s30 =	rddreg [dreg:$0xf];
	[sflag:s28] =	ssyncadd.s32 @p2 $0xFFFFE000  }
0xbb: {  	[hbm4b:s30+s3] =	stream.linear.scatter @p2 [tilespmem:s26], [sflag:$0xA], $0x2000, $0x38;
	[tilespmem:$0x1EB80] =	vst v63  }
0xbc: {  	_ =	swait.ge @p2 [sflag:s10], $0x2000  }
0xbd: {  	s20 =	sld [smem:$0x7F0]  }
0xbe: {  	[sflag:s10] =	ssyncset.done @p2 $0x0  }
0xbf: {  	[sflag:s10] =	ssyncadd.s32 @p2 $0xFFFFE000  }
0xc0: {  	[tilespmem:s6], [sflag:$0xA] =	stream.linear.gather @p2 [hbm4b:s20+s3], $0x80, $0x38;
	[tilespmem:$0x1EB80] =	vst v63  }
0xc1: {  	_ =	swait.ge @p2 [sflag:s10], $0x80  }
0xc2: {  	[sflag:s10] =	ssyncset.done @p2 $0x0  }
0xc3: {  	[sflag:s10] =	ssyncadd.s32 @p2 $0xFFFFFF80  }
0xc4: {  	[tilespmem:s26], [sflag:$0x9] =	stream.indirect.gather @p2 [hbm4b:s13+s12], $0x40, s6, s12, $0xb8;
	[tilespmem:$0x1EB80] =	vst v63  }
0xc5: {  	_ =	swait.ge @p2 [sflag:s28], $0x2000  }
0xc6: {  	[sflag:s28] =	ssyncset.done @p2 $0x0  }
0xc7: {  	s6 =	rddreg [dreg:$0x10];
	[sflag:s28] =	ssyncadd.s32 @p2 $0xFFFFE000  }
0xc8: {  	[hbm4b:s6+s3] =	stream.linear.scatter @p2 [tilespmem:s26], [sflag:$0xA], $0x2000, $0x38;
	[tilespmem:$0x1EB80] =	vst v63  }
0xc9: {  	_ =	swait.ge @p2 [sflag:s10], $0x2000  }
0xca: {  	[sflag:s10] =	ssyncset.done @p2 $0x0  }
0xcb: {  	[sflag:s10] =	ssyncadd.s32 @p2 $0xFFFFE000;
	s10 =	sld [smem:$0x7F4];
	_ =	sdelay $0x1  }
0xcc: {  	s3 =	simm.s32 @p3 $0x0;
	s6 =	simm.s32 @p3 $0x1BB00  }
0xcd: {  	[tilespmem:s6], [sflag:$0xA] =	stream.linear.gather @p3 [hbm4b:s10+s3], $0x80, $0x38;
	[tilespmem:$0x1EB80] =	vst v63  }
0xce: {  	s10 =	simm.s32 @p3 $0xA  }
0xcf: {  	_ =	swait.ge @p3 [sflag:s10], $0x80  }
0xd0: {  	s12 =	simm.s32 @p3 $0x80;
	s28 =	simm.s32 @p3 $0x9;
	[sflag:s10] =	ssyncset.done @p3 $0x0  }
0xd1: {  	s26 =	simm.s32 @p3 $0x1CB80;
	s13 =	rddreg [dreg:$0x17];
	[sflag:s10] =	ssyncadd.s32 @p3 $0xFFFFFF80  }
0xd2: {  	[tilespmem:s26], [sflag:$0x9] =	stream.indirect.gather @p3 [hbm4b:s13+s12], $0x40, s6, s12, $0xb8;
	[tilespmem:$0x1EB80] =	vst v63  }
0xd3: {  	_ =	swait.ge @p3 [sflag:s28], $0x2000  }
0xd4: {  	[sflag:s28] =	ssyncset.done @p3 $0x0  }
0xd5: {  	s30 =	rddreg [dreg:$0x11];
	[sflag:s28] =	ssyncadd.s32 @p3 $0xFFFFE000  }
0xd6: {  	[hbm4b:s30+s3] =	stream.linear.scatter @p3 [tilespmem:s26], [sflag:$0xA], $0x2000, $0x38;
	[tilespmem:$0x1EB80] =	vst v63  }
0xd7: {  	_ =	swait.ge @p3 [sflag:s10], $0x2000  }
0xd8: {  	s20 =	sld [smem:$0x7F1]  }
0xd9: {  	[sflag:s10] =	ssyncset.done @p3 $0x0  }
0xda: {  	[sflag:s10] =	ssyncadd.s32 @p3 $0xFFFFE000  }
0xdb: {  	[tilespmem:s6], [sflag:$0xA] =	stream.linear.gather @p3 [hbm4b:s20+s3], $0x80, $0x38;
	[tilespmem:$0x1EB80] =	vst v63  }
0xdc: {  	_ =	swait.ge @p3 [sflag:s10], $0x80  }
0xdd: {  	[sflag:s10] =	ssyncset.done @p3 $0x0  }
0xde: {  	[sflag:s10] =	ssyncadd.s32 @p3 $0xFFFFFF80  }
0xdf: {  	[tilespmem:s26], [sflag:$0x9] =	stream.indirect.gather @p3 [hbm4b:s13+s12], $0x40, s6, s12, $0xb8;
	[tilespmem:$0x1EB80] =	vst v63  }
0xe0: {  	_ =	swait.ge @p3 [sflag:s28], $0x2000  }
0xe1: {  	[sflag:s28] =	ssyncset.done @p3 $0x0  }
0xe2: {  	s30 =	rddreg [dreg:$0x12];
	[sflag:s28] =	ssyncadd.s32 @p3 $0xFFFFE000  }
0xe3: {  	[hbm4b:s30+s3] =	stream.linear.scatter @p3 [tilespmem:s26], [sflag:$0xA], $0x2000, $0x38;
	[tilespmem:$0x1EB80] =	vst v63  }
0xe4: {  	_ =	swait.ge @p3 [sflag:s10], $0x2000  }
0xe5: {  	s20 =	sld [smem:$0x7F2]  }
0xe6: {  	[sflag:s10] =	ssyncset.done @p3 $0x0  }
0xe7: {  	[sflag:s10] =	ssyncadd.s32 @p3 $0xFFFFE000  }
0xe8: {  	[tilespmem:s6], [sflag:$0xA] =	stream.linear.gather @p3 [hbm4b:s20+s3], $0x80, $0x38;
	[tilespmem:$0x1EB80] =	vst v63  }
0xe9: {  	_ =	swait.ge @p3 [sflag:s10], $0x80  }
0xea: {  	[sflag:s10] =	ssyncset.done @p3 $0x0  }
0xeb: {  	[sflag:s10] =	ssyncadd.s32 @p3 $0xFFFFFF80  }
0xec: {  	[tilespmem:s26], [sflag:$0x9] =	stream.indirect.gather @p3 [hbm4b:s13+s12], $0x40, s6, s12, $0xb8;
	[tilespmem:$0x1EB80] =	vst v63  }
0xed: {  	_ =	swait.ge @p3 [sflag:s28], $0x2000  }
0xee: {  	[sflag:s28] =	ssyncset.done @p3 $0x0  }
0xef: {  	s30 =	rddreg [dreg:$0x13];
	[sflag:s28] =	ssyncadd.s32 @p3 $0xFFFFE000  }
0xf0: {  	[hbm4b:s30+s3] =	stream.linear.scatter @p3 [tilespmem:s26], [sflag:$0xA], $0x2000, $0x38;
	[tilespmem:$0x1EB80] =	vst v63  }
0xf1: {  	_ =	swait.ge @p3 [sflag:s10], $0x2000  }
0xf2: {  	s20 =	sld [smem:$0x7F3]  }
0xf3: {  	[sflag:s10] =	ssyncset.done @p3 $0x0  }
0xf4: {  	[sflag:s10] =	ssyncadd.s32 @p3 $0xFFFFE000  }
0xf5: {  	[tilespmem:s6], [sflag:$0xA] =	stream.linear.gather @p3 [hbm4b:s20+s3], $0x80, $0x38;
	[tilespmem:$0x1EB80] =	vst v63  }
0xf6: {  	_ =	swait.ge @p3 [sflag:s10], $0x80  }
0xf7: {  	[sflag:s10] =	ssyncset.done @p3 $0x0  }
0xf8: {  	[sflag:s10] =	ssyncadd.s32 @p3 $0xFFFFFF80  }
0xf9: {  	[tilespmem:s26], [sflag:$0x9] =	stream.indirect.gather @p3 [hbm4b:s13+s12], $0x40, s6, s12, $0xb8;
	[tilespmem:$0x1EB80] =	vst v63  }
0xfa: {  	_ =	swait.ge @p3 [sflag:s28], $0x2000  }
0xfb: {  	[sflag:s28] =	ssyncset.done @p3 $0x0  }
0xfc: {  	s6 =	rddreg [dreg:$0x14];
	[sflag:s28] =	ssyncadd.s32 @p3 $0xFFFFE000  }
0xfd: {  	[hbm4b:s6+s3] =	stream.linear.scatter @p3 [tilespmem:s26], [sflag:$0xA], $0x2000, $0x38;
	[tilespmem:$0x1EB80] =	vst v63  }
0xfe: {  	_ =	swait.ge @p3 [sflag:s10], $0x2000  }
0xff: {  	s30 =	sld [smem:$0x7FC];
	_ =	sdelay $0x1  }
0x100: {  	s17 =	sadd.s32 $0x1, s17  }
0x101: {  	p4 =	sne.s32 s17, s30  }
.Ltmp1:
0x102: {  	_ = 	snop;
	(pc) =	sbr.rel @!p4 .LBB2_18-.Ltmp1, $3  }
0x103: {  	_ =	sdelay $0x1  }
0x104: {  	s21 =	simm.s32 $0x18B00;
	[sflag:s10] =	ssyncset.done @p3 $0x0  }
0x105: {  	s20 =	simm.s32 $0x18A00;
	s13 =	rddreg [dreg:$0x1c];
	[sflag:s10] =	ssyncadd.s32 @p3 $0xFFFFE000  }
.LBB2_1:
0x106: {  	s6 =	sld [smem:$0x7F5]  }
0x107: {  	s10 =	sld [smem:$0x7FD]  }
0x108: {  	[smem:$0x7ED] =	sst s17  }
0x109: {  	s3 =	rddreg [dreg:$0x18];
	s30 =	simm.s32 $0xA  }
0x10a: {  	[spmem:s10], [sflag:s6] =	dma.local [hbm:s3], $0x3100  }
.Ltmp2:
0x10b: {  	_ =	swait.ge [sflag:s30], $0x3100;
	(pc) =	sbr.rel @p1 .LBB2_9-.Ltmp2, $3  }
0x10c: {  	[sflag:s30] =	ssyncset.done $0x0  }
0x10d: {  	[sflag:s30] =	ssyncadd.s32 $0xFFFFCF00  }
0x10e: {  	[bflag:$0x0] =	sbarrier.arrive $0xFFFF;
	_ =	sdelay $0x1  }
0x10f: {  	s3 =	sld [smem:$0x7F6];
	_ =	sdelay $0x1  }
0x110: {  	s28 =	simm.s32 $0x0;
	s6 =	sld [smem:$0x7F7]  }
0x111: {  	[tilespmem:s5], [sflag:$0x1] =	stream.linear.gather [hbm4b:s3+s28], $0x80, $0x38;
	[tilespmem:$0x1EB80] =	vst v63  }
0x112: {  	s10 =	sld [smem:$0x7F8]  }
0x113: {  	[tilespmem:s20], [sflag:$0x1] =	stream.linear.gather [hbm4b:s6+s28], $0x80, $0x38;
	[tilespmem:$0x1EB80] =	vst v63  }
0x114: {  	_ = 	snop  }
0x115: {  	[tilespmem:s7], [sflag:$0x3] =	stream.linear.gather [hbm4b:s10+s28], $0x80, $0x38;
	[tilespmem:$0x1EB80] =	vst v63  }
0x116: {  	_ =	swait.ge [sflag:s8], $0x80  }
0x117: {  	[sflag:s8] =	ssyncset.done $0x0  }
0x118: {  	[sflag:s8] =	ssyncadd.s32 $0xFFFFFF80  }
0x119: {  	_ =	swait.ge [sflag:s8], $0x80  }
0x11a: {  	[sflag:s8] =	ssyncset.done $0x0  }
0x11b: {  	s12 =	sld [smem:$0x7F9];
	[sflag:s8] =	ssyncadd.s32 $0xFFFFFF80  }
0x11c: {  	[tilespmem:s21], [sflag:$0x5] =	stream.indirect.gather [hbm4b:s13+s9], $0x10, s5, s9, $0xb8;
	[tilespmem:$0x1EB80] =	vst v63  }
0x11d: {  	s17 =	sld [smem:$0x7FA]  }
0x11e: {  	[tilespmem:s11], [sflag:$0x2] =	stream.linear.gather [hbm4b:s12+s28], $0x80, $0x38;
	[tilespmem:$0x1EB80] =	vst v63  }
0x11f: {  	s6 =	simm.s32 $0x18A80;
	s26 =	rddreg [dreg:$0x15]  }
0x120: {  	[tilespmem:s6], [sflag:$0x2] =	stream.linear.gather [hbm4b:s17+s28], $0x80, $0x38;
	[tilespmem:$0x1EB80] =	vst v63  }
0x121: {  	s30 =	simm.s32 $0x1AB00;
	s17 =	sld [smem:$0x7FB]  }
0x122: {  	[tilespmem:s30], [sflag:$0x8] =	stream.linear.gather [hbm4b:s26+s28], $0x1000, $0x38;
	[tilespmem:$0x1EB80] =	vst v63  }
.LBB2_3:
0x123: {  	_ =	swait.ge [sflag:s14], $0x80  }
0x124: {  	[sflag:s14] =	ssyncset.done $0x0  }
0x125: {  	[sflag:s14] =	ssyncadd.s32 $0xFFFFFF80  }
0x126: {  	_ =	swait.ge [sflag:s14], $0x80  }
0x127: {  	[sflag:s14] =	ssyncset.done $0x0  }
0x128: {  	s3 =	sshll.u32 s28, $0x8;
	[sflag:s14] =	ssyncadd.s32 $0xFFFFFF80  }
0x129: {  	s3 =	sadd.s32 s3, s17;
	_ =	swait.ge [sflag:s16], $0x1000  }
0x12a: {  	s3 =	sshrl.u32 s3, $0x3;
	[sflag:s16] =	ssyncset.done $0x0  }
0x12b: {  	s3 =	sadd.s32 s23, s3;
	[sflag:s16] =	ssyncadd.s32 $0xFFFFF000  }
0x12c: {  	[tilespmem:s2], [sflag:$0x4] =	stream.linear.gather [hbm4b:s3+s0], $0x80, $0x38;
	[tilespmem:$0x1EB80] =	vst v63  }
0x12d: {  	s10 =	simm.s32 $0x19300  }
0x12e: {  	[tilespmem:s10], [sflag:$0x6] =	stream.indirect.gather [hbm4b:s13+s9], $0x10, s11, s9, $0xb8;
	[tilespmem:$0x1EB80] =	vst v63  }
0x12f: {  	_ =	swait.ge [sflag:s25], $0x800  }
0x130: {  	[sflag:s25] =	ssyncset.done $0x0  }
0x131: {  	s12 =	simm.s32 $0x18A00;
	[sflag:s25] =	ssyncadd.s32 $0xFFFFF800  }
0x132: {  	s26 =	simm.s32 $0x18B80;
	v18 =	vld [tilespmem:s12+$0x0]  }
0x133: {  	v25 =	vld [tilespmem:s26+$0x70]  }
0x134: {  	v17 =	vld [tilespmem:s26+$0xFFFFFF80];
	_ =	sdelay $0x1  }
0x135: {  	v19 =	vld [tilespmem:s26+$0xFFFFFF90]  }
0x136: {  	v22 =	vld [tilespmem:s26+$0xFFFFFFA0];
	v24 =	vperm.xlane v18, v63;
	v16 =	vperm.xlane v18, v15  }
0x137: {  	v23 =	vld [tilespmem:s26+$0xFFFFFFB0];
	v26 =	vperm.xlane v18, v61;
	v28 =	vperm.xlane v18, v62  }
0x138: {  	v27 =	vld [tilespmem:s26+$0xFFFFFFC0];
	v20 =	vunpack.i.u.bf16.f32 v25;
	v29 =	vunpack.i.u.bf16.f32 v17;
	v30 =	vperm.xlane v18, v58  }
0x139: {  	v31 =	vld [tilespmem:s26+$0xFFFFFFD0];
	v33 =	vunpack.i.l.bf16.f32 v17;
	v34 =	vperm.xlane v18, v4;
	v35 =	vperm.xlane v18, v5  }
0x13a: {  	v36 =	vld [tilespmem:s26+$0xFFFFFFE0];
	v37 =	vunpack.i.u.bf16.f32 v19;
	v38 =	vperm.xlane v18, v6;
	v44 =	vperm.xlane v18, v7  }
0x13b: {  	v39 =	vld [tilespmem:s26+$0xFFFFFFF0];
	v40 =	vunpack.i.l.bf16.f32 v19;
	v45 =	vperm.xlane v18, v8;
	v46 =	vperm.xlane v18, v9  }
0x13c: {  	v41 =	vld [tilespmem:s26+$0x0];
	v42 =	vunpack.i.u.bf16.f32 v22;
	v21 =	vperm.xlane v18, v10;
	v47 =	vunpack.i.l.bf16.f32 v22  }
0x13d: {  	v19 =	vperm.xlane v18, v12;
	v17 =	vperm.xlane v18, v13;
	v48 =	vunpack.i.u.bf16.f32 v23  }
0x13e: {  	v49 =	vunpack.i.l.bf16.f32 v23;
	v50 =	vunpack.i.u.bf16.f32 v27;
	v51 =	vunpack.i.l.bf16.f32 v27  }
0x13f: {  	v52 =	vunpack.i.u.bf16.f32 v31;
	v31 =	vunpack.i.l.bf16.f32 v31;
	v53 =	vunpack.i.u.bf16.f32 v36  }
0x140: {  	v36 =	vunpack.i.l.bf16.f32 v36;
	v54 =	vunpack.i.u.bf16.f32 v39;
	v55 =	vunpack.i.l.bf16.f32 v39  }
0x141: {  	v56 =	vunpack.i.u.bf16.f32 v41;
	v57 =	vunpack.i.l.bf16.f32 v41;
	v15 =	vimm.s32 $0xF  }
0x142: {  	v43 =	vld [tilespmem:s26+$0x10];
	v13 =	vimm.s32 $0xC;
	v12 =	vimm.s32 $0xB;
	v10 =	vimm.s32 $0x9  }
0x143: {  	v9 =	vimm.s32 $0x8;
	v8 =	vimm.s32 $0x7;
	v7 =	vimm.s32 $0x6  }
0x144: {  	v6 =	vimm.s32 $0x5;
	v32 =	vmul.f32 v20, v16;
	v20 =	vperm.xlane v18, v11  }
0x145: {  	v5 =	vimm.s32 $0x4;
	v18 =	vperm.xlane v18, v14;
	v33 =	vmul.f32 v33, v24  }
0x146: {  	v2 =	vld [tilespmem:s26+$0x60];
	v4 =	vimm.s32 $0x3;
	v24 =	vmul.f32 v29, v24;
	v29 =	vmul.f32 v40, v26  }
0x147: {  	s3 =	simm.s32 $0x19C00;
	v22 =	vld [tilespmem:s26+$0x20];
	v58 =	vunpack.i.u.bf16.f32 v43;
	v26 =	vmul.f32 v37, v26;
	v0 =	vmul.f32 v42, v28  }
0x148: {  	v27 =	vld [tilespmem:s26+$0x30];
	v59 =	vunpack.i.l.bf16.f32 v43;
	v1 =	vmul.f32 v49, v30;
	v48 =	vmul.f32 v48, v30;
	[tilespmem:s3+$0xF0] =	vst v32  }
0x149: {  	v39 =	vld [tilespmem:s26+$0x40];
	v25 =	vunpack.i.l.bf16.f32 v25;
	v51 =	vmul.f32 v51, v34;
	v43 =	vmul.f32 v50, v34;
	[tilespmem:s3+$0xFFFFFF00] =	vst v33  }
0x14a: {  	v14 =	vimm.s32 $0xD;
	v41 =	vmul.f32 v31, v35;
	v42 =	vmul.f32 v52, v35;
	[tilespmem:s3+$0xFFFFFF10] =	vst v24  }
0x14b: {  	v11 =	vimm.s32 $0xA;
	v40 =	vmul.f32 v53, v38;
	v37 =	vmul.f32 v54, v44;
	[tilespmem:s3+$0xFFFFFF20] =	vst v29  }
0x14c: {  	v35 =	vmul.f32 v56, v45;
	v34 =	vmul.f32 v59, v46;
	v31 =	vunpack.i.l.bf16.f32 v2;
	v32 =	vld [tilespmem:s26+$0x50];
	[tilespmem:s3+$0xFFFFFF30] =	vst v26  }
0x14d: {  	v33 =	vmul.f32 v47, v28;
	[tilespmem:s3+$0xFFFFFF50] =	vst v0;
	v29 =	vunpack.i.u.bf16.f32 v2;
	v23 =	vunpack.i.u.bf16.f32 v22  }
0x14e: {  	[tilespmem:s3+$0xFFFFFF60] =	vst v1;
	v60 =	vunpack.i.l.bf16.f32 v22;
	v22 =	vunpack.i.u.bf16.f32 v27;
	v24 =	vunpack.i.u.bf16.f32 v39  }
0x14f: {  	[tilespmem:s3+$0xFFFFFF70] =	vst v48;
	v28 =	vunpack.i.l.bf16.f32 v39;
	v39 =	vmul.f32 v36, v38;
	v38 =	vmul.f32 v55, v44  }
0x150: {  	v27 =	vunpack.i.l.bf16.f32 v27;
	v36 =	vmul.f32 v57, v45;
	[tilespmem:s3+$0xFFFFFF40] =	vst v33;
	v33 =	vmul.f32 v58, v46  }
0x151: {  	s6 =	simm.s32 $0x0;
	s30 =	simm.s32 $0x19C00;
	s10 =	simm.s32 $0x18A10;
	[tilespmem:s3+$0xFFFFFF80] =	vst v51;
	v26 =	vunpack.i.u.bf16.f32 v32;
	v30 =	vunpack.i.l.bf16.f32 v32;
	v32 =	vmul.f32 v60, v21  }
.LBB2_4:
0x152: {  	v44 =	vld [tilespmem:s10+$0x0];
	s6 =	sadd.s32 $0x10, s6;
	[tilespmem:s3+$0xFFFFFF90] =	vst v43;
	v23 =	vmul.f32 v23, v21;
	v27 =	vmul.f32 v27, v20;
	s26 =	sadd.s32 $0x100, s26  }
0x153: {  	v22 =	vmul.f32 v22, v20;
	v28 =	vmul.f32 v28, v19;
	v43 =	vld [tilespmem:s26+$0x70];
	p4 =	slt.u32 s6, $0x70;
	[tilespmem:s3+$0xFFFFFFA0] =	vst v41  }
0x154: {  	v24 =	vmul.f32 v24, v19;
	v30 =	vmul.f32 v30, v17;
	v20 =	vld [tilespmem:s26+$0xFFFFFF80];
	[tilespmem:s3+$0xFFFFFFB0] =	vst v42  }
0x155: {  	v26 =	vmul.f32 v26, v17;
	v31 =	vmul.f32 v31, v18;
	v19 =	vld [tilespmem:s26+$0xFFFFFF90];
	[tilespmem:s3+$0xFFFFFFC0] =	vst v39  }
0x156: {  	v39 =	vmul.f32 v29, v18;
	v17 =	vld [tilespmem:s26+$0xFFFFFFA0];
	[tilespmem:s3+$0xFFFFFFD0] =	vst v40;
	v40 =	vmul.f32 v25, v16  }
0x157: {  	v0 =	vimm.s32 $0xE;
	v41 =	vperm.xlane v44, v63;
	v18 =	vld [tilespmem:s26+$0xFFFFFFB0];
	v16 =	vperm.xlane v44, v15;
	[tilespmem:s3+$0xFFFFFFE0] =	vst v38  }
0x158: {  	v38 =	vperm.xlane v44, v61;
	v42 =	vperm.xlane v44, v62;
	v25 =	vld [tilespmem:s26+$0xFFFFFFC0];
	v21 =	vunpack.i.u.bf16.f32 v43;
	[tilespmem:s3+$0xFFFFFFF0] =	vst v37  }
0x159: {  	v45 =	vperm.xlane v44, v4;
	v37 =	vunpack.i.u.bf16.f32 v20;
	v29 =	vld [tilespmem:s26+$0xFFFFFFD0];
	v21 =	vmul.f32 v21, v16;
	[tilespmem:s3+$0x0] =	vst v36  }
0x15a: {  	v46 =	vperm.xlane v44, v5;
	v47 =	vperm.xlane v44, v6;
	v36 =	vunpack.i.l.bf16.f32 v20;
	s3 =	sadd.s32 $0x200, s3;
	v48 =	vld [tilespmem:s26+$0xFFFFFFE0];
	[tilespmem:s30+$0x10] =	vst v35  }
0x15b: {  	v49 =	vperm.xlane v44, v7;
	v50 =	vperm.xlane v44, v8;
	v35 =	vunpack.i.u.bf16.f32 v19;
	v51 =	vld [tilespmem:s26+$0xFFFFFFF0];
	[tilespmem:s3+$0xF0] =	vst v21  }
0x15c: {  	v53 =	vperm.xlane v44, v9;
	v55 =	vperm.xlane v44, v10;
	v52 =	vunpack.i.l.bf16.f32 v19;
	v54 =	vld [tilespmem:s26+$0x0];
	[tilespmem:s30+$0x20] =	vst v34  }
0x15d: {  	v20 =	vperm.xlane v44, v12;
	v21 =	vperm.xlane v44, v11;
	v34 =	vunpack.i.u.bf16.f32 v17;
	v56 =	vld [tilespmem:s26+$0x10];
	[tilespmem:s30+$0x30] =	vst v33  }
0x15e: {  	v19 =	vperm.xlane v44, v13;
	v33 =	vunpack.i.l.bf16.f32 v17;
	v17 =	vperm.xlane v44, v14;
	v57 =	vld [tilespmem:s26+$0x20];
	[tilespmem:s30+$0x40] =	vst v32  }
0x15f: {  	v58 =	vunpack.i.l.bf16.f32 v18;
	v32 =	vunpack.i.u.bf16.f32 v18;
	v18 =	vperm.xlane v44, v0;
	v59 =	vld [tilespmem:s26+$0x30];
	[tilespmem:s30+$0x50] =	vst v23  }
0x160: {  	v60 =	vunpack.i.l.bf16.f32 v25;
	v44 =	vunpack.i.u.bf16.f32 v25;
	v61 =	vunpack.i.u.bf16.f32 v29;
	v25 =	vld [tilespmem:s26+$0x40];
	[tilespmem:s30+$0x60] =	vst v27  }
0x161: {  	v62 =	vunpack.i.l.bf16.f32 v29;
	v63 =	vunpack.i.u.bf16.f32 v48;
	v48 =	vunpack.i.l.bf16.f32 v48;
	v29 =	vld [tilespmem:s26+$0x50];
	[tilespmem:s30+$0x70] =	vst v22  }
0x162: {  	v0 =	vunpack.i.u.bf16.f32 v51;
	v51 =	vunpack.i.l.bf16.f32 v51;
	v1 =	vunpack.i.u.bf16.f32 v54;
	v2 =	vld [tilespmem:s26+$0x60];
	[tilespmem:s30+$0x80] =	vst v28  }
0x163: {  	v54 =	vunpack.i.l.bf16.f32 v54;
	v3 =	vunpack.i.u.bf16.f32 v56;
	v56 =	vunpack.i.l.bf16.f32 v56;
	[tilespmem:s30+$0x90] =	vst v24  }
0x164: {  	v23 =	vunpack.i.u.bf16.f32 v57;
	v57 =	vunpack.i.l.bf16.f32 v57;
	v22 =	vunpack.i.u.bf16.f32 v59;
	[tilespmem:s30+$0xA0] =	vst v30  }
0x165: {  	v27 =	vunpack.i.l.bf16.f32 v59;
	v24 =	vunpack.i.u.bf16.f32 v25;
	v28 =	vunpack.i.l.bf16.f32 v25;
	[tilespmem:s30+$0xB0] =	vst v26  }
0x166: {  	v25 =	vunpack.i.l.bf16.f32 v43;
	v26 =	vunpack.i.u.bf16.f32 v29;
	v30 =	vunpack.i.l.bf16.f32 v29;
	[tilespmem:s30+$0xC0] =	vst v31  }
0x167: {  	v36 =	vmul.f32 v36, v41;
	v29 =	vunpack.i.u.bf16.f32 v2;
	v31 =	vunpack.i.l.bf16.f32 v2;
	[tilespmem:s30+$0xD0] =	vst v39  }
0x168: {  	v2 =	vmul.f32 v37, v41;
	v37 =	vmul.f32 v52, v38;
	[tilespmem:s30+$0xE0] =	vst v40;
	s30 =	smov.u32 s3  }
0x169: {  	v35 =	vmul.f32 v35, v38;
	v33 =	vmul.f32 v33, v42;
	[tilespmem:s3+$0xFFFFFF00] =	vst v36  }
0x16a: {  	[tilespmem:s3+$0xFFFFFF10] =	vst v2;
	v2 =	vmul.f32 v34, v42;
	v34 =	vmul.f32 v58, v45  }
0x16b: {  	v32 =	vmul.f32 v32, v45;
	v45 =	vmul.f32 v60, v46;
	[tilespmem:s3+$0xFFFFFF20] =	vst v37  }
0x16c: {  	v43 =	vmul.f32 v44, v46;
	v41 =	vmul.f32 v62, v47;
	v62 =	vimm.s32 $0x2;
	[tilespmem:s3+$0xFFFFFF30] =	vst v35  }
.Ltmp3:
0x16d: {  	v39 =	vmul.f32 v48, v49;
	v42 =	vmul.f32 v61, v47;
	v61 =	vimm.s32 $0x1;
	[tilespmem:s3+$0xFFFFFF40] =	vst v33;
	(pc) =	sbr.rel @p4 .LBB2_4-.Ltmp3, $4  }
0x16e: {  	v38 =	vmul.f32 v51, v50;
	v40 =	vmul.f32 v63, v49;
	v63 =	vimm.s32 $0x0;
	[tilespmem:s3+$0xFFFFFF50] =	vst v2  }
0x16f: {  	v36 =	vmul.f32 v54, v53;
	v37 =	vmul.f32 v0, v50;
	[tilespmem:s3+$0xFFFFFF60] =	vst v34  }
0x170: {  	v35 =	vmul.f32 v1, v53;
	v34 =	vmul.f32 v56, v55;
	[tilespmem:s3+$0xFFFFFF70] =	vst v32  }
0x171: {  	s10 =	sadd.s32 $0x10, s10;
	v33 =	vmul.f32 v3, v55;
	v32 =	vmul.f32 v57, v21;
	[tilespmem:s3+$0xFFFFFF80] =	vst v45  }
0x172: {  	[tilespmem:s3+$0xFFFFFF90] =	vst v43  }
0x173: {  	[tilespmem:s3+$0xFFFFFFA0] =	vst v41  }
0x174: {  	[tilespmem:s3+$0xFFFFFFB0] =	vst v42  }
0x175: {  	[tilespmem:s3+$0xFFFFFFC0] =	vst v39  }
0x176: {  	[tilespmem:s3+$0xFFFFFFD0] =	vst v40  }
0x177: {  	[tilespmem:s3+$0xFFFFFFE0] =	vst v38  }
0x178: {  	[tilespmem:s3+$0xFFFFFFF0] =	vst v37  }
0x179: {  	[tilespmem:s3+$0x0] =	vst v36  }
0x17a: {  	[tilespmem:s30+$0x20] =	vst v34  }
0x17b: {  	[tilespmem:s30+$0x10] =	vst v35  }
0x17c: {  	v0 =	vmul.f32 v23, v21;
	[tilespmem:s30+$0x30] =	vst v33  }
0x17d: {  	v1 =	vmul.f32 v27, v20;
	[tilespmem:s30+$0x40] =	vst v32  }
0x17e: {  	v2 =	vmul.f32 v22, v20;
	[tilespmem:s30+$0x50] =	vst v0  }
0x17f: {  	v47 =	vmul.f32 v28, v19;
	[tilespmem:s30+$0x60] =	vst v1  }
0x180: {  	v48 =	vmul.f32 v24, v19;
	[tilespmem:s30+$0x70] =	vst v2  }
0x181: {  	v49 =	vmul.f32 v30, v17;
	[tilespmem:s30+$0x80] =	vst v47  }
0x182: {  	v50 =	vmul.f32 v26, v17;
	[tilespmem:s30+$0x90] =	vst v48  }
0x183: {  	v51 =	vmul.f32 v31, v18;
	[tilespmem:s30+$0xA0] =	vst v49  }
0x184: {  	v52 =	vmul.f32 v29, v18;
	[tilespmem:s30+$0xB0] =	vst v50  }
0x185: {  	v53 =	vmul.f32 v25, v16;
	[tilespmem:s30+$0xC0] =	vst v51  }
0x186: {  	s26 =	sshll.u32 s28, $0x1;
	[tilespmem:s30+$0xD0] =	vst v52  }
0x187: {  	s6 =	smin.u32 s26, $0x18D;
	[tilespmem:s30+$0xE0] =	vst v53  }
0x188: {  	s3 =	sshll.u32 s6, $0x7;
	_ =	swait.ge [sflag:s4], $0x80  }
0x189: {  	s3 =	sadd.s32 s3, s19;
	[sflag:s4] =	ssyncset.done $0x0  }
0x18a: {  	s12 =	simm.s32 $0x19B00;
	s3 =	sshrl.u32 s3, $0x3;
	[sflag:s4] =	ssyncadd.s32 $0xFFFFFF80  }
0x18b: {  	[spmem:s18] =	stream.indirect.scatter.add.f32 [tilespmem:s12], [sflag:$0x7], $0x20, s7, s9, $0xb8;
	[tilespmem:$0x1EB80] =	vst v63  }
0x18c: {  	s6 =	sadd.s32 s22, s3  }
0x18d: {  	[tilespmem:s5], [sflag:$0x1] =	stream.linear.gather [hbm4b:s6+s0], $0x80, $0x38;
	[tilespmem:$0x1EB80] =	vst v63  }
0x18e: {  	s10 =	sadd.s32 s24, s3  }
0x18f: {  	[tilespmem:s20], [sflag:$0x1] =	stream.linear.gather [hbm4b:s10+s0], $0x80, $0x38;
	[tilespmem:$0x1EB80] =	vst v63  }
0x190: {  	_ =	swait.ge [sflag:s8], $0x80  }
0x191: {  	[sflag:s8] =	ssyncset.done $0x0  }
0x192: {  	[sflag:s8] =	ssyncadd.s32 $0xFFFFFF80  }
0x193: {  	_ =	swait.ge [sflag:s8], $0x80  }
0x194: {  	[sflag:s8] =	ssyncset.done $0x0  }
0x195: {  	[sflag:s8] =	ssyncadd.s32 $0xFFFFFF80  }
0x196: {  	_ =	swait.ge [sflag:s31], $0x1000  }
0x197: {  	[sflag:s31] =	ssyncset.done $0x0  }
0x198: {  	s3 =	sadd.s32 s23, s3;
	[sflag:s31] =	ssyncadd.s32 $0xFFFFF000  }
0x199: {  	[tilespmem:s7], [sflag:$0x3] =	stream.linear.gather [hbm4b:s3+s0], $0x80, $0x38;
	[tilespmem:$0x1EB80] =	vst v63  }
0x19a: {  	_ = 	snop  }
0x19b: {  	[tilespmem:s21], [sflag:$0x5] =	stream.indirect.gather [hbm4b:s13+s9], $0x10, s5, s9, $0xb8;
	[tilespmem:$0x1EB80] =	vst v63  }
0x19c: {  	_ =	swait.ge [sflag:s15], $0x800  }
0x19d: {  	[sflag:s15] =	ssyncset.done $0x0  }
0x19e: {  	s12 =	simm.s32 $0x18A80;
	[sflag:s15] =	ssyncadd.s32 $0xFFFFF800  }
0x19f: {  	s3 =	simm.s32 $0x19380;
	v54 =	vld [tilespmem:s12+$0x0]  }
0x1a0: {  	v1 =	vld [tilespmem:s3+$0x70]  }
0x1a1: {  	v55 =	vld [tilespmem:s3+$0xFFFFFF80]  }
0x1a2: {  	v3 =	vld [tilespmem:s3+$0xFFFFFF90]  }
0x1a3: {  	v17 =	vld [tilespmem:s3+$0xFFFFFFA0]  }
0x1a4: {  	v18 =	vld [tilespmem:s3+$0xFFFFFFB0];
	v22 =	vperm.xlane v54, v63  }
0x1a5: {  	v23 =	vld [tilespmem:s3+$0xFFFFFFC0];
	v16 =	vperm.xlane v54, v15;
	v24 =	vperm.xlane v54, v61  }
0x1a6: {  	v27 =	vld [tilespmem:s3+$0xFFFFFFD0];
	v25 =	vperm.xlane v54, v62;
	v19 =	vunpack.i.u.bf16.f32 v1;
	v26 =	vunpack.i.u.bf16.f32 v55  }
0x1a7: {  	v56 =	vld [tilespmem:s3+$0xFFFFFFE0];
	v28 =	vperm.xlane v54, v4;
	v2 =	vunpack.i.l.bf16.f32 v55;
	v30 =	vperm.xlane v54, v5  }
0x1a8: {  	v57 =	vld [tilespmem:s3+$0xFFFFFFF0];
	v31 =	vperm.xlane v54, v6;
	v33 =	vunpack.i.u.bf16.f32 v3;
	v34 =	vperm.xlane v54, v7  }
0x1a9: {  	v58 =	vld [tilespmem:s3+$0x0];
	v35 =	vperm.xlane v54, v8;
	v3 =	vunpack.i.l.bf16.f32 v3;
	v44 =	vperm.xlane v54, v9  }
0x1aa: {  	v59 =	vld [tilespmem:s3+$0x10];
	v45 =	vperm.xlane v54, v10;
	v38 =	vunpack.i.u.bf16.f32 v17;
	v21 =	vperm.xlane v54, v11  }
0x1ab: {  	v41 =	vld [tilespmem:s3+$0x20];
	v20 =	vperm.xlane v54, v12;
	v40 =	vunpack.i.l.bf16.f32 v17;
	v17 =	vperm.xlane v54, v14  }
0x1ac: {  	v47 =	vld [tilespmem:s3+$0x30];
	v42 =	vunpack.i.u.bf16.f32 v18;
	v60 =	vunpack.i.l.bf16.f32 v18;
	v4 =	vimm.s32 $0xE  }
0x1ad: {  	v0 =	vunpack.i.u.bf16.f32 v23;
	v46 =	vunpack.i.l.bf16.f32 v23;
	v48 =	vunpack.i.u.bf16.f32 v27  }
0x1ae: {  	v49 =	vunpack.i.l.bf16.f32 v27;
	v50 =	vunpack.i.u.bf16.f32 v56;
	v32 =	vunpack.i.l.bf16.f32 v56  }
0x1af: {  	v51 =	vunpack.i.u.bf16.f32 v57;
	v36 =	vunpack.i.l.bf16.f32 v57;
	v53 =	vunpack.i.u.bf16.f32 v58  }
0x1b0: {  	v55 =	vunpack.i.u.bf16.f32 v59;
	v56 =	vunpack.i.l.bf16.f32 v59;
	v23 =	vunpack.i.u.bf16.f32 v41  }
0x1b1: {  	v57 =	vunpack.i.l.bf16.f32 v41;
	v27 =	vunpack.i.l.bf16.f32 v47;
	v5 =	vimm.s32 $0x5  }
0x1b2: {  	v6 =	vimm.s32 $0x6;
	v7 =	vimm.s32 $0x7;
	v8 =	vimm.s32 $0x8  }
0x1b3: {  	v9 =	vimm.s32 $0x9;
	v18 =	vperm.xlane v54, v4;
	v29 =	vmul.f32 v19, v16  }
0x1b4: {  	v10 =	vimm.s32 $0xA;
	v19 =	vperm.xlane v54, v13;
	v2 =	vmul.f32 v2, v22  }
0x1b5: {  	v11 =	vimm.s32 $0xB;
	v26 =	vmul.f32 v26, v22;
	v3 =	vmul.f32 v3, v24  }
0x1b6: {  	s30 =	simm.s32 $0x1AC00;
	v54 =	vunpack.i.l.bf16.f32 v58;
	v41 =	vmul.f32 v33, v24;
	v58 =	vmul.f32 v40, v25  }
0x1b7: {  	v52 =	vld [tilespmem:s3+$0x40];
	v12 =	vimm.s32 $0xC;
	v25 =	vmul.f32 v38, v25;
	v59 =	vmul.f32 v60, v28;
	[tilespmem:s30+$0xF0] =	vst v29  }
0x1b8: {  	v14 =	vimm.s32 $0xE;
	v46 =	vmul.f32 v46, v30;
	v43 =	vmul.f32 v0, v30;
	[tilespmem:s30+$0xFFFFFF00] =	vst v2  }
0x1b9: {  	v15 =	vimm.s32 $0xF;
	v39 =	vmul.f32 v32, v34;
	v40 =	vmul.f32 v50, v34;
	[tilespmem:s30+$0xFFFFFF10] =	vst v26  }
0x1ba: {  	v4 =	vimm.s32 $0x4;
	v60 =	vld [tilespmem:s3+$0x60];
	v38 =	vmul.f32 v36, v35;
	v37 =	vmul.f32 v51, v35;
	[tilespmem:s30+$0xFFFFFF20] =	vst v3  }
0x1bb: {  	v22 =	vunpack.i.u.bf16.f32 v47;
	v35 =	vmul.f32 v53, v44;
	v34 =	vmul.f32 v56, v45;
	v29 =	vld [tilespmem:s3+$0x50];
	[tilespmem:s30+$0xFFFFFF30] =	vst v41  }
0x1bc: {  	v24 =	vunpack.i.u.bf16.f32 v52;
	v33 =	vmul.f32 v55, v45;
	v32 =	vmul.f32 v57, v21;
	[tilespmem:s30+$0xFFFFFF40] =	vst v58  }
0x1bd: {  	v13 =	vimm.s32 $0xD;
	v36 =	vmul.f32 v54, v44;
	v3 =	vmul.f32 v42, v28;
	[tilespmem:s30+$0xFFFFFF50] =	vst v25  }
0x1be: {  	v28 =	vunpack.i.l.bf16.f32 v52;
	v41 =	vmul.f32 v49, v31;
	v42 =	vmul.f32 v48, v31;
	[tilespmem:s30+$0xFFFFFF60] =	vst v59  }
0x1bf: {  	v25 =	vunpack.i.l.bf16.f32 v1;
	[tilespmem:s30+$0xFFFFFF80] =	vst v46;
	v58 =	vimm.s32 $0x3;
	v31 =	vunpack.i.l.bf16.f32 v60  }
0x1c0: {  	s6 =	simm.s32 $0x1AC00;
	s10 =	simm.s32 $0x0;
	s12 =	simm.s32 $0x18A90;
	[tilespmem:s30+$0xFFFFFF70] =	vst v3;
	v26 =	vunpack.i.u.bf16.f32 v29;
	v30 =	vunpack.i.l.bf16.f32 v29;
	v29 =	vunpack.i.u.bf16.f32 v60  }
.LBB2_6:
0x1c1: {  	v0 =	vld [tilespmem:s12+$0x0];
	v1 =	vmul.f32 v23, v21  }
0x1c2: {  	s10 =	sadd.s32 $0x10, s10;
	[tilespmem:s30+$0xFFFFFF90] =	vst v43;
	v2 =	vmul.f32 v27, v20;
	s3 =	sadd.s32 $0x100, s3;
	v22 =	vmul.f32 v22, v20  }
0x1c3: {  	v23 =	vmul.f32 v28, v19;
	v24 =	vmul.f32 v24, v19;
	v3 =	vld [tilespmem:s3+$0x70];
	p4 =	slt.u32 s10, $0x70;
	[tilespmem:s30+$0xFFFFFFA0] =	vst v41  }
0x1c4: {  	v27 =	vmul.f32 v30, v17;
	v26 =	vmul.f32 v26, v17;
	v20 =	vld [tilespmem:s3+$0xFFFFFF80];
	[tilespmem:s30+$0xFFFFFFB0] =	vst v42  }
0x1c5: {  	v31 =	vmul.f32 v31, v18;
	v19 =	vld [tilespmem:s3+$0xFFFFFF90];
	[tilespmem:s30+$0xFFFFFFC0] =	vst v39;
	v39 =	vmul.f32 v29, v18  }
0x1c6: {  	v17 =	vld [tilespmem:s3+$0xFFFFFFA0];
	[tilespmem:s30+$0xFFFFFFD0] =	vst v40;
	v40 =	vmul.f32 v25, v16;
	v41 =	vperm.xlane v0, v63  }
0x1c7: {  	v18 =	vld [tilespmem:s3+$0xFFFFFFB0];
	v16 =	vperm.xlane v0, v15;
	[tilespmem:s30+$0xFFFFFFE0] =	vst v38;
	v38 =	vperm.xlane v0, v61  }
0x1c8: {  	v42 =	vperm.xlane v0, v62;
	v43 =	vperm.xlane v0, v58;
	v25 =	vld [tilespmem:s3+$0xFFFFFFC0];
	v21 =	vunpack.i.u.bf16.f32 v3;
	[tilespmem:s30+$0xFFFFFFF0] =	vst v37  }
0x1c9: {  	v44 =	vperm.xlane v0, v5;
	v37 =	vunpack.i.u.bf16.f32 v20;
	v28 =	vld [tilespmem:s3+$0xFFFFFFD0];
	v21 =	vmul.f32 v21, v16;
	[tilespmem:s30+$0x0] =	vst v36  }
0x1ca: {  	v45 =	vperm.xlane v0, v6;
	v29 =	vunpack.i.l.bf16.f32 v20;
	v36 =	vperm.xlane v0, v4;
	s30 =	sadd.s32 $0x200, s30;
	v30 =	vld [tilespmem:s3+$0xFFFFFFE0];
	[tilespmem:s6+$0x10] =	vst v35  }
0x1cb: {  	v46 =	vperm.xlane v0, v7;
	v49 =	vperm.xlane v0, v8;
	v35 =	vunpack.i.u.bf16.f32 v19;
	v47 =	vld [tilespmem:s3+$0xFFFFFFF0];
	[tilespmem:s30+$0xF0] =	vst v21  }
0x1cc: {  	v51 =	vperm.xlane v0, v9;
	v20 =	vperm.xlane v0, v11;
	v48 =	vunpack.i.l.bf16.f32 v19;
	v50 =	vld [tilespmem:s3+$0x0];
	[tilespmem:s6+$0x20] =	vst v34  }
0x1cd: {  	v19 =	vperm.xlane v0, v12;
	v21 =	vperm.xlane v0, v10;
	v34 =	vunpack.i.u.bf16.f32 v17;
	v52 =	vld [tilespmem:s3+$0x10];
	[tilespmem:s6+$0x30] =	vst v33  }
0x1ce: {  	v54 =	vunpack.i.l.bf16.f32 v18;
	v33 =	vunpack.i.l.bf16.f32 v17;
	v17 =	vperm.xlane v0, v13;
	v53 =	vld [tilespmem:s3+$0x20];
	[tilespmem:s6+$0x40] =	vst v32  }
0x1cf: {  	v32 =	vunpack.i.u.bf16.f32 v18;
	v18 =	vperm.xlane v0, v14;
	v0 =	vunpack.i.u.bf16.f32 v25;
	v55 =	vld [tilespmem:s3+$0x30];
	[tilespmem:s6+$0x50] =	vst v1  }
0x1d0: {  	v56 =	vunpack.i.u.bf16.f32 v28;
	v1 =	vunpack.i.l.bf16.f32 v25;
	v57 =	vunpack.i.u.bf16.f32 v30;
	v25 =	vld [tilespmem:s3+$0x40];
	[tilespmem:s6+$0x60] =	vst v2  }
0x1d1: {  	v58 =	vunpack.i.l.bf16.f32 v30;
	v2 =	vunpack.i.l.bf16.f32 v28;
	v59 =	vunpack.i.u.bf16.f32 v47;
	v30 =	vld [tilespmem:s3+$0x50];
	[tilespmem:s6+$0x70] =	vst v22  }
0x1d2: {  	v47 =	vunpack.i.l.bf16.f32 v47;
	v60 =	vunpack.i.u.bf16.f32 v50;
	v50 =	vunpack.i.l.bf16.f32 v50;
	v61 =	vld [tilespmem:s3+$0x60];
	[tilespmem:s6+$0x80] =	vst v23  }
0x1d3: {  	v62 =	vunpack.i.u.bf16.f32 v52;
	v52 =	vunpack.i.l.bf16.f32 v52;
	[tilespmem:s6+$0x90] =	vst v24;
	v23 =	vunpack.i.u.bf16.f32 v53  }
0x1d4: {  	v53 =	vunpack.i.l.bf16.f32 v53;
	v22 =	vunpack.i.u.bf16.f32 v55;
	[tilespmem:s6+$0xA0] =	vst v27;
	v27 =	vunpack.i.l.bf16.f32 v55  }
0x1d5: {  	v24 =	vunpack.i.u.bf16.f32 v25;
	v28 =	vunpack.i.l.bf16.f32 v25;
	[tilespmem:s6+$0xB0] =	vst v26;
	v25 =	vunpack.i.l.bf16.f32 v3  }
0x1d6: {  	v3 =	vmul.f32 v29, v41;
	v26 =	vunpack.i.u.bf16.f32 v30;
	v30 =	vunpack.i.l.bf16.f32 v30;
	[tilespmem:s6+$0xC0] =	vst v31  }
0x1d7: {  	v29 =	vunpack.i.u.bf16.f32 v61;
	v31 =	vunpack.i.l.bf16.f32 v61;
	v61 =	vimm.s32 $0x1;
	[tilespmem:s6+$0xD0] =	vst v39  }
0x1d8: {  	v37 =	vmul.f32 v37, v41;
	v39 =	vmul.f32 v48, v38;
	[tilespmem:s6+$0xE0] =	vst v40;
	s6 =	smov.u32 s30  }
0x1d9: {  	v33 =	vmul.f32 v33, v42;
	[tilespmem:s30+$0xFFFFFF00] =	vst v3;
	v3 =	vmul.f32 v35, v38  }
0x1da: {  	v34 =	vmul.f32 v34, v42;
	v35 =	vmul.f32 v54, v43;
	[tilespmem:s30+$0xFFFFFF10] =	vst v37  }
0x1db: {  	v32 =	vmul.f32 v32, v43;
	v1 =	vmul.f32 v1, v36;
	[tilespmem:s30+$0xFFFFFF20] =	vst v39  }
0x1dc: {  	v41 =	vmul.f32 v2, v44;
	v43 =	vmul.f32 v0, v36;
	[tilespmem:s30+$0xFFFFFF30] =	vst v3  }
.Ltmp4:
0x1dd: {  	v42 =	vmul.f32 v56, v44;
	v39 =	vmul.f32 v58, v45;
	v58 =	vimm.s32 $0x3;
	[tilespmem:s30+$0xFFFFFF40] =	vst v33;
	(pc) =	sbr.rel @p4 .LBB2_6-.Ltmp4, $4  }
0x1de: {  	v40 =	vmul.f32 v57, v45;
	v38 =	vmul.f32 v47, v46;
	[tilespmem:s30+$0xFFFFFF50] =	vst v34  }
0x1df: {  	v36 =	vmul.f32 v50, v49;
	v37 =	vmul.f32 v59, v46;
	[tilespmem:s30+$0xFFFFFF60] =	vst v35  }
0x1e0: {  	v34 =	vmul.f32 v52, v51;
	v35 =	vmul.f32 v60, v49;
	[tilespmem:s30+$0xFFFFFF70] =	vst v32  }
0x1e1: {  	s12 =	sadd.s32 $0x10, s12;
	v33 =	vmul.f32 v62, v51;
	v62 =	vimm.s32 $0x2;
	v32 =	vmul.f32 v53, v21;
	[tilespmem:s30+$0xFFFFFF80] =	vst v1  }
0x1e2: {  	[tilespmem:s30+$0xFFFFFF90] =	vst v43  }
0x1e3: {  	[tilespmem:s30+$0xFFFFFFA0] =	vst v41  }
0x1e4: {  	[tilespmem:s30+$0xFFFFFFB0] =	vst v42  }
0x1e5: {  	[tilespmem:s30+$0xFFFFFFC0] =	vst v39  }
0x1e6: {  	[tilespmem:s30+$0xFFFFFFD0] =	vst v40  }
0x1e7: {  	[tilespmem:s30+$0xFFFFFFE0] =	vst v38  }
0x1e8: {  	[tilespmem:s30+$0xFFFFFFF0] =	vst v37  }
0x1e9: {  	[tilespmem:s30+$0x0] =	vst v36  }
0x1ea: {  	[tilespmem:s6+$0x20] =	vst v34  }
0x1eb: {  	[tilespmem:s6+$0x10] =	vst v35  }
0x1ec: {  	v0 =	vmul.f32 v23, v21;
	[tilespmem:s6+$0x30] =	vst v33  }
0x1ed: {  	v1 =	vmul.f32 v27, v20;
	[tilespmem:s6+$0x40] =	vst v32  }
0x1ee: {  	v2 =	vmul.f32 v22, v20;
	[tilespmem:s6+$0x50] =	vst v0  }
0x1ef: {  	v53 =	vmul.f32 v28, v19;
	[tilespmem:s6+$0x60] =	vst v1  }
0x1f0: {  	v54 =	vmul.f32 v24, v19;
	[tilespmem:s6+$0x70] =	vst v2  }
0x1f1: {  	v55 =	vmul.f32 v30, v17;
	[tilespmem:s6+$0x80] =	vst v53  }
0x1f2: {  	v56 =	vmul.f32 v26, v17;
	[tilespmem:s6+$0x90] =	vst v54  }
0x1f3: {  	v57 =	vmul.f32 v31, v18;
	[tilespmem:s6+$0xA0] =	vst v55  }
0x1f4: {  	v59 =	vmul.f32 v29, v18;
	[tilespmem:s6+$0xB0] =	vst v56  }
0x1f5: {  	v60 =	vmul.f32 v25, v16;
	[tilespmem:s6+$0xC0] =	vst v57  }
0x1f6: {  	[tilespmem:s6+$0xD0] =	vst v59  }
0x1f7: {  	[tilespmem:s6+$0xE0] =	vst v60  }
0x1f8: {  	_ =	swait.ge [sflag:s1], $0x80  }
0x1f9: {  	[sflag:s1] =	ssyncset.done $0x0  }
0x1fa: {  	s3 =	simm.s32 $0x1AB00;
	s12 =	smin.u32 s26, $0x18C;
	[sflag:s1] =	ssyncadd.s32 $0xFFFFFF80  }
0x1fb: {  	[spmem:s18] =	stream.indirect.scatter.add.f32 [tilespmem:s3], [sflag:$0x8], $0x20, s2, s9, $0xb8;
	[tilespmem:$0x1EB80] =	vst v63  }
0x1fc: {  	s28 =	sadd.s32 $0x1, s28;
	s3 =	sshll.u32 s12, $0x7  }
0x1fd: {  	p4 =	sne.s32 s28, $0xC8;
	s3 =	sadd.s32 s3, s29  }
.Ltmp5:
0x1fe: {  	s3 =	sshrl.u32 s3, $0x3;
	(pc) =	sbr.rel @p4 .LBB2_3-.Ltmp5, $4  }
0x1ff: {  	s26 =	sadd.s32 s22, s3  }
0x200: {  	[tilespmem:s11], [sflag:$0x2] =	stream.linear.gather [hbm4b:s26+s0], $0x80, $0x38;
	[tilespmem:$0x1EB80] =	vst v63  }
0x201: {  	s30 =	simm.s32 $0x18A80;
	s3 =	sadd.s32 s24, s3  }
0x202: {  	[tilespmem:s30], [sflag:$0x2] =	stream.linear.gather [hbm4b:s3+s0], $0x80, $0x38;
	[tilespmem:$0x1EB80] =	vst v63  }
0x203: {  	_ =	swait.ge [sflag:s16], $0x1000  }
0x204: {  	[sflag:s16] =	ssyncset.done $0x0  }
0x205: {  	[sflag:s16] =	ssyncadd.s32 $0xFFFFF000  }
0x206: {  	_ =	swait.ge [sflag:s25], $0x800  }
0x207: {  	[sflag:s25] =	ssyncset.done $0x0  }
0x208: {  	[sflag:s25] =	ssyncadd.s32 $0xFFFFF800  }
0x209: {  	_ =	swait.ge [sflag:s14], $0x80  }
0x20a: {  	[sflag:s14] =	ssyncset.done $0x0  }
0x20b: {  	[sflag:s14] =	ssyncadd.s32 $0xFFFFFF80  }
0x20c: {  	_ =	swait.ge [sflag:s14], $0x80  }
0x20d: {  	[sflag:s14] =	ssyncset.done $0x0  }
0x20e: {  	[sflag:s14] =	ssyncadd.s32 $0xFFFFFF80  }
0x20f: {  	_ =	swait.ge [sflag:s4], $0x80  }
0x210: {  	[sflag:s4] =	ssyncset.done $0x0  }
0x211: {  	[sflag:s4] =	ssyncadd.s32 $0xFFFFFF80  }
.LBB2_9:
.Ltmp6:
0x212: {  	(pc) =	sbr.rel @!p0 .LBB2_17-.Ltmp6, $2  }
0x213: {  	_ =	sdelay $0x2  }
0x214: {  	s17 =	sld [smem:$0x7ED]  }
0x215: {  	s3 =	sld [smem:$0x7F6];
	_ =	sdelay $0x1  }
0x216: {  	s28 =	simm.s32 $0x0;
	s6 =	sld [smem:$0x7F7]  }
0x217: {  	[tilespmem:s5], [sflag:$0x1] =	stream.linear.gather [hbm4b:s3+s28], $0x80, $0x38;
	[tilespmem:$0x1EB80] =	vst v63  }
0x218: {  	s10 =	sld [smem:$0x7F8]  }
0x219: {  	[tilespmem:s20], [sflag:$0x1] =	stream.linear.gather [hbm4b:s6+s28], $0x80, $0x38;
	[tilespmem:$0x1EB80] =	vst v63  }
0x21a: {  	_ = 	snop  }
0x21b: {  	[tilespmem:s7], [sflag:$0x3] =	stream.linear.gather [hbm4b:s10+s28], $0x80, $0x38;
	[tilespmem:$0x1EB80] =	vst v63  }
0x21c: {  	_ =	swait.ge [sflag:s8], $0x80  }
0x21d: {  	[sflag:s8] =	ssyncset.done $0x0  }
0x21e: {  	[sflag:s8] =	ssyncadd.s32 $0xFFFFFF80  }
0x21f: {  	_ =	swait.ge [sflag:s8], $0x80  }
0x220: {  	[sflag:s8] =	ssyncset.done $0x0;
	s13 =	rddreg [dreg:$0x1e]  }
0x221: {  	s12 =	sld [smem:$0x7F9];
	[sflag:s8] =	ssyncadd.s32 $0xFFFFFF80  }
0x222: {  	[tilespmem:s21], [sflag:$0x5] =	stream.indirect.gather [hbm4b:s13+s9], $0x10, s5, s9, $0xb8;
	[tilespmem:$0x1EB80] =	vst v63  }
0x223: {  	s17 =	sld [smem:$0x7FA]  }
0x224: {  	[tilespmem:s11], [sflag:$0x2] =	stream.linear.gather [hbm4b:s12+s28], $0x80, $0x38;
	[tilespmem:$0x1EB80] =	vst v63  }
0x225: {  	s6 =	simm.s32 $0x18A80;
	s26 =	rddreg [dreg:$0x15]  }
0x226: {  	[tilespmem:s6], [sflag:$0x2] =	stream.linear.gather [hbm4b:s17+s28], $0x80, $0x38;
	[tilespmem:$0x1EB80] =	vst v63  }
0x227: {  	s30 =	simm.s32 $0x1AB00;
	s17 =	sld [smem:$0x7FB]  }
0x228: {  	[tilespmem:s30], [sflag:$0x8] =	stream.linear.gather [hbm4b:s26+s28], $0x1000, $0x38;
	[tilespmem:$0x1EB80] =	vst v63  }
.LBB2_11:
0x229: {  	_ =	swait.ge [sflag:s14], $0x80  }
0x22a: {  	[sflag:s14] =	ssyncset.done $0x0  }
0x22b: {  	[sflag:s14] =	ssyncadd.s32 $0xFFFFFF80  }
0x22c: {  	_ =	swait.ge [sflag:s14], $0x80  }
0x22d: {  	[sflag:s14] =	ssyncset.done $0x0  }
0x22e: {  	s3 =	sshll.u32 s28, $0x8;
	[sflag:s14] =	ssyncadd.s32 $0xFFFFFF80  }
0x22f: {  	s3 =	sadd.s32 s3, s17;
	_ =	swait.ge [sflag:s16], $0x1000  }
0x230: {  	s3 =	sshrl.u32 s3, $0x3;
	[sflag:s16] =	ssyncset.done $0x0  }
0x231: {  	s3 =	sadd.s32 s23, s3;
	[sflag:s16] =	ssyncadd.s32 $0xFFFFF000  }
0x232: {  	[tilespmem:s2], [sflag:$0x4] =	stream.linear.gather [hbm4b:s3+s0], $0x80, $0x38;
	[tilespmem:$0x1EB80] =	vst v63  }
0x233: {  	s30 =	simm.s32 $0x19300  }
0x234: {  	[tilespmem:s30], [sflag:$0x6] =	stream.indirect.gather [hbm4b:s13+s9], $0x10, s11, s9, $0xb8;
	[tilespmem:$0x1EB80] =	vst v63  }
0x235: {  	_ =	swait.ge [sflag:s25], $0x800  }
0x236: {  	[sflag:s25] =	ssyncset.done $0x0  }
0x237: {  	s6 =	simm.s32 $0x18A00;
	[sflag:s25] =	ssyncadd.s32 $0xFFFFF800  }
0x238: {  	s3 =	simm.s32 $0x18B80;
	v0 =	vld [tilespmem:s6+$0x0]  }
0x239: {  	v1 =	vld [tilespmem:s3+$0x70]  }
0x23a: {  	v2 =	vld [tilespmem:s3+$0xFFFFFF80];
	_ =	sdelay $0x1  }
0x23b: {  	v3 =	vld [tilespmem:s3+$0xFFFFFF90]  }
0x23c: {  	v17 =	vld [tilespmem:s3+$0xFFFFFFA0];
	v22 =	vperm.xlane v0, v63;
	v16 =	vperm.xlane v0, v15  }
0x23d: {  	v18 =	vld [tilespmem:s3+$0xFFFFFFB0];
	v24 =	vperm.xlane v0, v61;
	v25 =	vperm.xlane v0, v62  }
0x23e: {  	v23 =	vld [tilespmem:s3+$0xFFFFFFC0];
	v19 =	vunpack.i.u.bf16.f32 v1;
	v26 =	vunpack.i.u.bf16.f32 v2;
	v28 =	vperm.xlane v0, v58  }
0x23f: {  	v27 =	vld [tilespmem:s3+$0xFFFFFFD0];
	v2 =	vunpack.i.l.bf16.f32 v2;
	v30 =	vperm.xlane v0, v4;
	v31 =	vperm.xlane v0, v5  }
0x240: {  	v32 =	vld [tilespmem:s3+$0xFFFFFFE0];
	v33 =	vunpack.i.u.bf16.f32 v3;
	v34 =	vperm.xlane v0, v6;
	v35 =	vperm.xlane v0, v7  }
0x241: {  	v36 =	vld [tilespmem:s3+$0xFFFFFFF0];
	v3 =	vunpack.i.l.bf16.f32 v3;
	v44 =	vperm.xlane v0, v8;
	v45 =	vperm.xlane v0, v9  }
0x242: {  	v41 =	vld [tilespmem:s3+$0x20];
	v38 =	vunpack.i.u.bf16.f32 v17;
	v21 =	vperm.xlane v0, v10;
	v20 =	vperm.xlane v0, v11  }
0x243: {  	v40 =	vunpack.i.l.bf16.f32 v17;
	v17 =	vperm.xlane v0, v13;
	v42 =	vunpack.i.u.bf16.f32 v18  }
0x244: {  	v43 =	vunpack.i.l.bf16.f32 v18;
	v18 =	vperm.xlane v0, v14;
	v46 =	vunpack.i.l.bf16.f32 v23  }
0x245: {  	v37 =	vld [tilespmem:s3+$0x0];
	v48 =	vunpack.i.u.bf16.f32 v27;
	v49 =	vunpack.i.l.bf16.f32 v27;
	v50 =	vunpack.i.u.bf16.f32 v32  }
0x246: {  	v39 =	vld [tilespmem:s3+$0x10];
	v32 =	vunpack.i.l.bf16.f32 v32;
	v51 =	vunpack.i.u.bf16.f32 v36;
	v36 =	vunpack.i.l.bf16.f32 v36  }
0x247: {  	v57 =	vunpack.i.l.bf16.f32 v41;
	v29 =	vmul.f32 v19, v16;
	v19 =	vperm.xlane v0, v12  }
0x248: {  	v0 =	vunpack.i.u.bf16.f32 v23;
	v2 =	vmul.f32 v2, v22;
	v26 =	vmul.f32 v26, v22  }
0x249: {  	s26 =	simm.s32 $0x19C00;
	v47 =	vld [tilespmem:s3+$0x30];
	v23 =	vunpack.i.u.bf16.f32 v41;
	v3 =	vmul.f32 v3, v24;
	v41 =	vmul.f32 v33, v24  }
0x24a: {  	v53 =	vunpack.i.u.bf16.f32 v37;
	v33 =	vmul.f32 v40, v25;
	v25 =	vmul.f32 v38, v25;
	[tilespmem:s26+$0xF0] =	vst v29  }
0x24b: {  	v52 =	vld [tilespmem:s3+$0x40];
	v55 =	vunpack.i.u.bf16.f32 v39;
	v59 =	vmul.f32 v43, v28;
	v46 =	vmul.f32 v46, v30;
	[tilespmem:s26+$0xFFFFFF00] =	vst v2  }
0x24c: {  	v56 =	vunpack.i.l.bf16.f32 v39;
	v39 =	vmul.f32 v32, v34;
	v40 =	vmul.f32 v50, v34;
	[tilespmem:s26+$0xFFFFFF10] =	vst v26  }
0x24d: {  	v60 =	vld [tilespmem:s3+$0x60];
	v54 =	vunpack.i.l.bf16.f32 v37;
	v38 =	vmul.f32 v36, v35;
	v37 =	vmul.f32 v51, v35;
	[tilespmem:s26+$0xFFFFFF20] =	vst v3  }
0x24e: {  	v27 =	vunpack.i.l.bf16.f32 v47;
	v36 =	vmul.f32 v54, v44;
	v35 =	vmul.f32 v53, v44;
	v29 =	vld [tilespmem:s3+$0x50];
	[tilespmem:s26+$0xFFFFFF30] =	vst v41  }
0x24f: {  	v22 =	vunpack.i.u.bf16.f32 v47;
	v34 =	vmul.f32 v56, v45;
	v32 =	vmul.f32 v57, v21;
	[tilespmem:s26+$0xFFFFFF40] =	vst v33  }
0x250: {  	v24 =	vunpack.i.u.bf16.f32 v52;
	v43 =	vmul.f32 v0, v30;
	v3 =	vmul.f32 v42, v28;
	[tilespmem:s26+$0xFFFFFF50] =	vst v25  }
0x251: {  	v28 =	vunpack.i.l.bf16.f32 v52;
	v41 =	vmul.f32 v49, v31;
	v42 =	vmul.f32 v48, v31;
	[tilespmem:s26+$0xFFFFFF60] =	vst v59  }
0x252: {  	v25 =	vunpack.i.l.bf16.f32 v1;
	v31 =	vunpack.i.l.bf16.f32 v60;
	[tilespmem:s26+$0xFFFFFF80] =	vst v46;
	v33 =	vmul.f32 v55, v45  }
0x253: {  	s10 =	simm.s32 $0x0;
	s12 =	simm.s32 $0x18A10;
	s6 =	simm.s32 $0x19C00;
	[tilespmem:s26+$0xFFFFFF70] =	vst v3;
	v26 =	vunpack.i.u.bf16.f32 v29;
	v30 =	vunpack.i.l.bf16.f32 v29;
	v29 =	vunpack.i.u.bf16.f32 v60  }
.LBB2_12:
0x254: {  	v0 =	vld [tilespmem:s12+$0x0];
	v1 =	vmul.f32 v23, v21  }
0x255: {  	s10 =	sadd.s32 $0x10, s10;
	[tilespmem:s26+$0xFFFFFF90] =	vst v43;
	v2 =	vmul.f32 v27, v20;
	s3 =	sadd.s32 $0x100, s3;
	v22 =	vmul.f32 v22, v20  }
0x256: {  	v23 =	vmul.f32 v28, v19;
	v24 =	vmul.f32 v24, v19;
	v3 =	vld [tilespmem:s3+$0x70];
	p4 =	slt.u32 s10, $0x70;
	[tilespmem:s26+$0xFFFFFFA0] =	vst v41  }
0x257: {  	v27 =	vmul.f32 v30, v17;
	v26 =	vmul.f32 v26, v17;
	v20 =	vld [tilespmem:s3+$0xFFFFFF80];
	[tilespmem:s26+$0xFFFFFFB0] =	vst v42  }
0x258: {  	v31 =	vmul.f32 v31, v18;
	v19 =	vld [tilespmem:s3+$0xFFFFFF90];
	[tilespmem:s26+$0xFFFFFFC0] =	vst v39;
	v39 =	vmul.f32 v29, v18  }
0x259: {  	v17 =	vld [tilespmem:s3+$0xFFFFFFA0];
	[tilespmem:s26+$0xFFFFFFD0] =	vst v40;
	v40 =	vmul.f32 v25, v16;
	v41 =	vperm.xlane v0, v63  }
0x25a: {  	v18 =	vld [tilespmem:s3+$0xFFFFFFB0];
	v16 =	vperm.xlane v0, v15;
	[tilespmem:s26+$0xFFFFFFE0] =	vst v38;
	v38 =	vperm.xlane v0, v61  }
0x25b: {  	v42 =	vperm.xlane v0, v62;
	v43 =	vperm.xlane v0, v58;
	v25 =	vld [tilespmem:s3+$0xFFFFFFC0];
	v21 =	vunpack.i.u.bf16.f32 v3;
	[tilespmem:s26+$0xFFFFFFF0] =	vst v37  }
0x25c: {  	v44 =	vperm.xlane v0, v5;
	v37 =	vunpack.i.u.bf16.f32 v20;
	v28 =	vld [tilespmem:s3+$0xFFFFFFD0];
	v21 =	vmul.f32 v21, v16;
	[tilespmem:s26+$0x0] =	vst v36  }
0x25d: {  	v45 =	vperm.xlane v0, v6;
	v29 =	vunpack.i.l.bf16.f32 v20;
	v36 =	vperm.xlane v0, v4;
	s26 =	sadd.s32 $0x200, s26;
	v30 =	vld [tilespmem:s3+$0xFFFFFFE0];
	[tilespmem:s6+$0x10] =	vst v35  }
0x25e: {  	v46 =	vperm.xlane v0, v7;
	v49 =	vperm.xlane v0, v8;
	v35 =	vunpack.i.u.bf16.f32 v19;
	v47 =	vld [tilespmem:s3+$0xFFFFFFF0];
	[tilespmem:s26+$0xF0] =	vst v21  }
0x25f: {  	v51 =	vperm.xlane v0, v9;
	v20 =	vperm.xlane v0, v11;
	v48 =	vunpack.i.l.bf16.f32 v19;
	v50 =	vld [tilespmem:s3+$0x0];
	[tilespmem:s6+$0x20] =	vst v34  }
0x260: {  	v19 =	vperm.xlane v0, v12;
	v21 =	vperm.xlane v0, v10;
	v34 =	vunpack.i.u.bf16.f32 v17;
	v52 =	vld [tilespmem:s3+$0x10];
	[tilespmem:s6+$0x30] =	vst v33  }
0x261: {  	v54 =	vunpack.i.l.bf16.f32 v18;
	v33 =	vunpack.i.l.bf16.f32 v17;
	v17 =	vperm.xlane v0, v13;
	v53 =	vld [tilespmem:s3+$0x20];
	[tilespmem:s6+$0x40] =	vst v32  }
0x262: {  	v32 =	vunpack.i.u.bf16.f32 v18;
	v18 =	vperm.xlane v0, v14;
	v0 =	vunpack.i.u.bf16.f32 v25;
	v55 =	vld [tilespmem:s3+$0x30];
	[tilespmem:s6+$0x50] =	vst v1  }
0x263: {  	v56 =	vunpack.i.u.bf16.f32 v28;
	v1 =	vunpack.i.l.bf16.f32 v25;
	v57 =	vunpack.i.u.bf16.f32 v30;
	v25 =	vld [tilespmem:s3+$0x40];
	[tilespmem:s6+$0x60] =	vst v2  }
0x264: {  	v58 =	vunpack.i.l.bf16.f32 v30;
	v2 =	vunpack.i.l.bf16.f32 v28;
	v59 =	vunpack.i.u.bf16.f32 v47;
	v30 =	vld [tilespmem:s3+$0x50];
	[tilespmem:s6+$0x70] =	vst v22  }
0x265: {  	v47 =	vunpack.i.l.bf16.f32 v47;
	v60 =	vunpack.i.u.bf16.f32 v50;
	v50 =	vunpack.i.l.bf16.f32 v50;
	v61 =	vld [tilespmem:s3+$0x60];
	[tilespmem:s6+$0x80] =	vst v23  }
0x266: {  	v62 =	vunpack.i.u.bf16.f32 v52;
	v52 =	vunpack.i.l.bf16.f32 v52;
	[tilespmem:s6+$0x90] =	vst v24;
	v23 =	vunpack.i.u.bf16.f32 v53  }
0x267: {  	v53 =	vunpack.i.l.bf16.f32 v53;
	v22 =	vunpack.i.u.bf16.f32 v55;
	[tilespmem:s6+$0xA0] =	vst v27;
	v27 =	vunpack.i.l.bf16.f32 v55  }
0x268: {  	v24 =	vunpack.i.u.bf16.f32 v25;
	v28 =	vunpack.i.l.bf16.f32 v25;
	[tilespmem:s6+$0xB0] =	vst v26;
	v25 =	vunpack.i.l.bf16.f32 v3  }
0x269: {  	v3 =	vmul.f32 v29, v41;
	v26 =	vunpack.i.u.bf16.f32 v30;
	v30 =	vunpack.i.l.bf16.f32 v30;
	[tilespmem:s6+$0xC0] =	vst v31  }
0x26a: {  	v29 =	vunpack.i.u.bf16.f32 v61;
	v31 =	vunpack.i.l.bf16.f32 v61;
	v61 =	vimm.s32 $0x1;
	[tilespmem:s6+$0xD0] =	vst v39  }
0x26b: {  	v37 =	vmul.f32 v37, v41;
	v39 =	vmul.f32 v48, v38;
	[tilespmem:s6+$0xE0] =	vst v40;
	s6 =	smov.u32 s26  }
0x26c: {  	v33 =	vmul.f32 v33, v42;
	[tilespmem:s26+$0xFFFFFF00] =	vst v3;
	v3 =	vmul.f32 v35, v38  }
0x26d: {  	v34 =	vmul.f32 v34, v42;
	v35 =	vmul.f32 v54, v43;
	[tilespmem:s26+$0xFFFFFF10] =	vst v37  }
0x26e: {  	v32 =	vmul.f32 v32, v43;
	v1 =	vmul.f32 v1, v36;
	[tilespmem:s26+$0xFFFFFF20] =	vst v39  }
0x26f: {  	v41 =	vmul.f32 v2, v44;
	v43 =	vmul.f32 v0, v36;
	[tilespmem:s26+$0xFFFFFF30] =	vst v3  }
.Ltmp7:
0x270: {  	v42 =	vmul.f32 v56, v44;
	v39 =	vmul.f32 v58, v45;
	v58 =	vimm.s32 $0x3;
	[tilespmem:s26+$0xFFFFFF40] =	vst v33;
	(pc) =	sbr.rel @p4 .LBB2_12-.Ltmp7, $4  }
0x271: {  	v40 =	vmul.f32 v57, v45;
	v38 =	vmul.f32 v47, v46;
	[tilespmem:s26+$0xFFFFFF50] =	vst v34  }
0x272: {  	v36 =	vmul.f32 v50, v49;
	v37 =	vmul.f32 v59, v46;
	[tilespmem:s26+$0xFFFFFF60] =	vst v35  }
0x273: {  	v34 =	vmul.f32 v52, v51;
	v35 =	vmul.f32 v60, v49;
	[tilespmem:s26+$0xFFFFFF70] =	vst v32  }
0x274: {  	s12 =	sadd.s32 $0x10, s12;
	v33 =	vmul.f32 v62, v51;
	v62 =	vimm.s32 $0x2;
	v32 =	vmul.f32 v53, v21;
	[tilespmem:s26+$0xFFFFFF80] =	vst v1  }
0x275: {  	[tilespmem:s26+$0xFFFFFF90] =	vst v43  }
0x276: {  	[tilespmem:s26+$0xFFFFFFA0] =	vst v41  }
0x277: {  	[tilespmem:s26+$0xFFFFFFB0] =	vst v42  }
0x278: {  	[tilespmem:s26+$0xFFFFFFC0] =	vst v39  }
0x279: {  	[tilespmem:s26+$0xFFFFFFD0] =	vst v40  }
0x27a: {  	[tilespmem:s26+$0xFFFFFFE0] =	vst v38  }
0x27b: {  	[tilespmem:s26+$0xFFFFFFF0] =	vst v37  }
0x27c: {  	[tilespmem:s26+$0x0] =	vst v36  }
0x27d: {  	[tilespmem:s6+$0x20] =	vst v34  }
0x27e: {  	[tilespmem:s6+$0x10] =	vst v35  }
0x27f: {  	v0 =	vmul.f32 v23, v21;
	[tilespmem:s6+$0x30] =	vst v33  }
0x280: {  	v1 =	vmul.f32 v27, v20;
	[tilespmem:s6+$0x40] =	vst v32  }
0x281: {  	v2 =	vmul.f32 v22, v20;
	[tilespmem:s6+$0x50] =	vst v0  }
0x282: {  	v46 =	vmul.f32 v28, v19;
	[tilespmem:s6+$0x60] =	vst v1  }
0x283: {  	v47 =	vmul.f32 v24, v19;
	[tilespmem:s6+$0x70] =	vst v2  }
0x284: {  	v48 =	vmul.f32 v30, v17;
	[tilespmem:s6+$0x80] =	vst v46  }
0x285: {  	v49 =	vmul.f32 v26, v17;
	[tilespmem:s6+$0x90] =	vst v47  }
0x286: {  	v50 =	vmul.f32 v31, v18;
	[tilespmem:s6+$0xA0] =	vst v48  }
0x287: {  	v51 =	vmul.f32 v29, v18;
	[tilespmem:s6+$0xB0] =	vst v49  }
0x288: {  	v52 =	vmul.f32 v25, v16;
	[tilespmem:s6+$0xC0] =	vst v50  }
0x289: {  	[tilespmem:s6+$0xD0] =	vst v51  }
0x28a: {  	[tilespmem:s6+$0xE0] =	vst v52  }
0x28b: {  	_ =	swait.ge [sflag:s4], $0x80  }
0x28c: {  	s26 =	sshll.u32 s28, $0x1;
	[sflag:s4] =	ssyncset.done $0x0  }
0x28d: {  	s3 =	simm.s32 $0x19B00;
	s10 =	smin.u32 s26, $0x18D;
	[sflag:s4] =	ssyncadd.s32 $0xFFFFFF80  }
0x28e: {  	[spmem:s18] =	stream.indirect.scatter.add.f32 [tilespmem:s3], [sflag:$0x7], $0x20, s7, s9, $0xb8;
	[tilespmem:$0x1EB80] =	vst v63  }
0x28f: {  	s3 =	sshll.u32 s10, $0x7  }
0x290: {  	s3 =	sadd.s32 s3, s19  }
0x291: {  	s3 =	sshrl.u32 s3, $0x3  }
0x292: {  	s12 =	sadd.s32 s22, s3  }
0x293: {  	[tilespmem:s5], [sflag:$0x1] =	stream.linear.gather [hbm4b:s12+s0], $0x80, $0x38;
	[tilespmem:$0x1EB80] =	vst v63  }
0x294: {  	s10 =	sadd.s32 s24, s3  }
0x295: {  	[tilespmem:s20], [sflag:$0x1] =	stream.linear.gather [hbm4b:s10+s0], $0x80, $0x38;
	[tilespmem:$0x1EB80] =	vst v63  }
0x296: {  	_ =	swait.ge [sflag:s8], $0x80  }
0x297: {  	[sflag:s8] =	ssyncset.done $0x0  }
0x298: {  	[sflag:s8] =	ssyncadd.s32 $0xFFFFFF80  }
0x299: {  	_ =	swait.ge [sflag:s8], $0x80  }
0x29a: {  	[sflag:s8] =	ssyncset.done $0x0  }
0x29b: {  	[sflag:s8] =	ssyncadd.s32 $0xFFFFFF80  }
0x29c: {  	_ =	swait.ge [sflag:s31], $0x1000  }
0x29d: {  	[sflag:s31] =	ssyncset.done $0x0  }
0x29e: {  	s3 =	sadd.s32 s23, s3;
	[sflag:s31] =	ssyncadd.s32 $0xFFFFF000  }
0x29f: {  	[tilespmem:s7], [sflag:$0x3] =	stream.linear.gather [hbm4b:s3+s0], $0x80, $0x38;
	[tilespmem:$0x1EB80] =	vst v63  }
0x2a0: {  	_ = 	snop  }
0x2a1: {  	[tilespmem:s21], [sflag:$0x5] =	stream.indirect.gather [hbm4b:s13+s9], $0x10, s5, s9, $0xb8;
	[tilespmem:$0x1EB80] =	vst v63  }
0x2a2: {  	_ =	swait.ge [sflag:s15], $0x800  }
0x2a3: {  	[sflag:s15] =	ssyncset.done $0x0  }
0x2a4: {  	s12 =	simm.s32 $0x18A80;
	[sflag:s15] =	ssyncadd.s32 $0xFFFFF800  }
0x2a5: {  	s3 =	simm.s32 $0x19380;
	v53 =	vld [tilespmem:s12+$0x0]  }
0x2a6: {  	v1 =	vld [tilespmem:s3+$0x70]  }
0x2a7: {  	v54 =	vld [tilespmem:s3+$0xFFFFFF80];
	_ =	sdelay $0x1  }
0x2a8: {  	v3 =	vld [tilespmem:s3+$0xFFFFFF90]  }
0x2a9: {  	v17 =	vld [tilespmem:s3+$0xFFFFFFA0];
	v22 =	vperm.xlane v53, v63;
	v16 =	vperm.xlane v53, v15  }
0x2aa: {  	v18 =	vld [tilespmem:s3+$0xFFFFFFB0];
	v24 =	vperm.xlane v53, v61;
	v25 =	vperm.xlane v53, v62  }
0x2ab: {  	v23 =	vld [tilespmem:s3+$0xFFFFFFC0];
	v19 =	vunpack.i.u.bf16.f32 v1;
	v26 =	vunpack.i.u.bf16.f32 v54;
	v28 =	vperm.xlane v53, v58  }
0x2ac: {  	v55 =	vld [tilespmem:s3+$0xFFFFFFE0];
	v2 =	vunpack.i.l.bf16.f32 v54;
	v30 =	vperm.xlane v53, v4;
	v31 =	vperm.xlane v53, v5  }
0x2ad: {  	v56 =	vld [tilespmem:s3+$0xFFFFFFF0];
	v33 =	vunpack.i.u.bf16.f32 v3;
	v34 =	vperm.xlane v53, v6;
	v35 =	vperm.xlane v53, v7  }
0x2ae: {  	v57 =	vld [tilespmem:s3+$0x0];
	v3 =	vunpack.i.l.bf16.f32 v3;
	v44 =	vperm.xlane v53, v8;
	v45 =	vperm.xlane v53, v9  }
0x2af: {  	v41 =	vld [tilespmem:s3+$0x20];
	v38 =	vunpack.i.u.bf16.f32 v17;
	v21 =	vperm.xlane v53, v10;
	v20 =	vperm.xlane v53, v11  }
0x2b0: {  	v40 =	vunpack.i.l.bf16.f32 v17;
	v17 =	vperm.xlane v53, v13;
	v42 =	vunpack.i.u.bf16.f32 v18  }
0x2b1: {  	v60 =	vunpack.i.l.bf16.f32 v18;
	v18 =	vperm.xlane v53, v14;
	v0 =	vunpack.i.u.bf16.f32 v23  }
0x2b2: {  	v59 =	vld [tilespmem:s3+$0x10];
	v46 =	vunpack.i.l.bf16.f32 v23;
	v50 =	vunpack.i.u.bf16.f32 v55;
	v32 =	vunpack.i.l.bf16.f32 v55  }
0x2b3: {  	v51 =	vunpack.i.u.bf16.f32 v56;
	v36 =	vunpack.i.l.bf16.f32 v56;
	v54 =	vunpack.i.l.bf16.f32 v57  }
0x2b4: {  	v27 =	vld [tilespmem:s3+$0xFFFFFFD0];
	v23 =	vunpack.i.u.bf16.f32 v41;
	v29 =	vmul.f32 v19, v16;
	v19 =	vperm.xlane v53, v12  }
0x2b5: {  	v53 =	vunpack.i.u.bf16.f32 v57;
	v2 =	vmul.f32 v2, v22;
	v26 =	vmul.f32 v26, v22  }
0x2b6: {  	s30 =	simm.s32 $0x1AC00;
	v47 =	vld [tilespmem:s3+$0x30];
	v57 =	vunpack.i.l.bf16.f32 v41;
	v3 =	vmul.f32 v3, v24;
	v41 =	vmul.f32 v33, v24  }
0x2b7: {  	v55 =	vunpack.i.u.bf16.f32 v59;
	v33 =	vmul.f32 v40, v25;
	v25 =	vmul.f32 v38, v25;
	[tilespmem:s30+$0xF0] =	vst v29  }
0x2b8: {  	v52 =	vld [tilespmem:s3+$0x40];
	v56 =	vunpack.i.l.bf16.f32 v59;
	v59 =	vmul.f32 v60, v28;
	v46 =	vmul.f32 v46, v30;
	[tilespmem:s30+$0xFFFFFF00] =	vst v2  }
0x2b9: {  	v48 =	vunpack.i.u.bf16.f32 v27;
	v43 =	vmul.f32 v0, v30;
	v39 =	vmul.f32 v32, v34;
	[tilespmem:s30+$0xFFFFFF10] =	vst v26  }
0x2ba: {  	v49 =	vunpack.i.l.bf16.f32 v27;
	v60 =	vld [tilespmem:s3+$0x60];
	v40 =	vmul.f32 v50, v34;
	v38 =	vmul.f32 v36, v35;
	[tilespmem:s30+$0xFFFFFF20] =	vst v3  }
0x2bb: {  	v27 =	vunpack.i.l.bf16.f32 v47;
	v37 =	vmul.f32 v51, v35;
	v36 =	vmul.f32 v54, v44;
	v29 =	vld [tilespmem:s3+$0x50];
	[tilespmem:s30+$0xFFFFFF30] =	vst v41  }
0x2bc: {  	v22 =	vunpack.i.u.bf16.f32 v47;
	v34 =	vmul.f32 v56, v45;
	v35 =	vmul.f32 v53, v44;
	[tilespmem:s30+$0xFFFFFF40] =	vst v33  }
0x2bd: {  	v24 =	vunpack.i.u.bf16.f32 v52;
	v32 =	vmul.f32 v57, v21;
	v3 =	vmul.f32 v42, v28;
	[tilespmem:s30+$0xFFFFFF50] =	vst v25  }
0x2be: {  	v28 =	vunpack.i.l.bf16.f32 v52;
	v41 =	vmul.f32 v49, v31;
	v42 =	vmul.f32 v48, v31;
	[tilespmem:s30+$0xFFFFFF60] =	vst v59  }
0x2bf: {  	v25 =	vunpack.i.l.bf16.f32 v1;
	[tilespmem:s30+$0xFFFFFF80] =	vst v46;
	v33 =	vmul.f32 v55, v45;
	v31 =	vunpack.i.l.bf16.f32 v60  }
0x2c0: {  	s6 =	simm.s32 $0x1AC00;
	s10 =	simm.s32 $0x0;
	s12 =	simm.s32 $0x18A90;
	[tilespmem:s30+$0xFFFFFF70] =	vst v3;
	v26 =	vunpack.i.u.bf16.f32 v29;
	v30 =	vunpack.i.l.bf16.f32 v29;
	v29 =	vunpack.i.u.bf16.f32 v60  }
.LBB2_14:
0x2c1: {  	v0 =	vld [tilespmem:s12+$0x0];
	v1 =	vmul.f32 v23, v21  }
0x2c2: {  	s10 =	sadd.s32 $0x10, s10;
	[tilespmem:s30+$0xFFFFFF90] =	vst v43;
	v2 =	vmul.f32 v27, v20;
	s3 =	sadd.s32 $0x100, s3;
	v22 =	vmul.f32 v22, v20  }
0x2c3: {  	v23 =	vmul.f32 v28, v19;
	v24 =	vmul.f32 v24, v19;
	v3 =	vld [tilespmem:s3+$0x70];
	p4 =	slt.u32 s10, $0x70;
	[tilespmem:s30+$0xFFFFFFA0] =	vst v41  }
0x2c4: {  	v27 =	vmul.f32 v30, v17;
	v26 =	vmul.f32 v26, v17;
	v20 =	vld [tilespmem:s3+$0xFFFFFF80];
	[tilespmem:s30+$0xFFFFFFB0] =	vst v42  }
0x2c5: {  	v31 =	vmul.f32 v31, v18;
	v19 =	vld [tilespmem:s3+$0xFFFFFF90];
	[tilespmem:s30+$0xFFFFFFC0] =	vst v39;
	v39 =	vmul.f32 v29, v18  }
0x2c6: {  	v17 =	vld [tilespmem:s3+$0xFFFFFFA0];
	[tilespmem:s30+$0xFFFFFFD0] =	vst v40;
	v40 =	vmul.f32 v25, v16;
	v41 =	vperm.xlane v0, v63  }
0x2c7: {  	v18 =	vld [tilespmem:s3+$0xFFFFFFB0];
	v16 =	vperm.xlane v0, v15;
	[tilespmem:s30+$0xFFFFFFE0] =	vst v38;
	v38 =	vperm.xlane v0, v61  }
0x2c8: {  	v42 =	vperm.xlane v0, v62;
	v43 =	vperm.xlane v0, v58;
	v25 =	vld [tilespmem:s3+$0xFFFFFFC0];
	v21 =	vunpack.i.u.bf16.f32 v3;
	[tilespmem:s30+$0xFFFFFFF0] =	vst v37  }
0x2c9: {  	v44 =	vperm.xlane v0, v5;
	v37 =	vunpack.i.u.bf16.f32 v20;
	v28 =	vld [tilespmem:s3+$0xFFFFFFD0];
	v21 =	vmul.f32 v21, v16;
	[tilespmem:s30+$0x0] =	vst v36  }
0x2ca: {  	v45 =	vperm.xlane v0, v6;
	v29 =	vunpack.i.l.bf16.f32 v20;
	v36 =	vperm.xlane v0, v4;
	s30 =	sadd.s32 $0x200, s30;
	v30 =	vld [tilespmem:s3+$0xFFFFFFE0];
	[tilespmem:s6+$0x10] =	vst v35  }
0x2cb: {  	v46 =	vperm.xlane v0, v7;
	v49 =	vperm.xlane v0, v8;
	v35 =	vunpack.i.u.bf16.f32 v19;
	v47 =	vld [tilespmem:s3+$0xFFFFFFF0];
	[tilespmem:s30+$0xF0] =	vst v21  }
0x2cc: {  	v51 =	vperm.xlane v0, v9;
	v20 =	vperm.xlane v0, v11;
	v48 =	vunpack.i.l.bf16.f32 v19;
	v50 =	vld [tilespmem:s3+$0x0];
	[tilespmem:s6+$0x20] =	vst v34  }
0x2cd: {  	v19 =	vperm.xlane v0, v12;
	v21 =	vperm.xlane v0, v10;
	v34 =	vunpack.i.u.bf16.f32 v17;
	v52 =	vld [tilespmem:s3+$0x10];
	[tilespmem:s6+$0x30] =	vst v33  }
0x2ce: {  	v54 =	vunpack.i.l.bf16.f32 v18;
	v33 =	vunpack.i.l.bf16.f32 v17;
	v17 =	vperm.xlane v0, v13;
	v53 =	vld [tilespmem:s3+$0x20];
	[tilespmem:s6+$0x40] =	vst v32  }
0x2cf: {  	v32 =	vunpack.i.u.bf16.f32 v18;
	v18 =	vperm.xlane v0, v14;
	v0 =	vunpack.i.u.bf16.f32 v25;
	v55 =	vld [tilespmem:s3+$0x30];
	[tilespmem:s6+$0x50] =	vst v1  }
0x2d0: {  	v56 =	vunpack.i.u.bf16.f32 v28;
	v1 =	vunpack.i.l.bf16.f32 v25;
	v57 =	vunpack.i.u.bf16.f32 v30;
	v25 =	vld [tilespmem:s3+$0x40];
	[tilespmem:s6+$0x60] =	vst v2  }
0x2d1: {  	v58 =	vunpack.i.l.bf16.f32 v30;
	v2 =	vunpack.i.l.bf16.f32 v28;
	v59 =	vunpack.i.u.bf16.f32 v47;
	v30 =	vld [tilespmem:s3+$0x50];
	[tilespmem:s6+$0x70] =	vst v22  }
0x2d2: {  	v47 =	vunpack.i.l.bf16.f32 v47;
	v60 =	vunpack.i.u.bf16.f32 v50;
	v50 =	vunpack.i.l.bf16.f32 v50;
	v61 =	vld [tilespmem:s3+$0x60];
	[tilespmem:s6+$0x80] =	vst v23  }
0x2d3: {  	v62 =	vunpack.i.u.bf16.f32 v52;
	v52 =	vunpack.i.l.bf16.f32 v52;
	[tilespmem:s6+$0x90] =	vst v24;
	v23 =	vunpack.i.u.bf16.f32 v53  }
0x2d4: {  	v53 =	vunpack.i.l.bf16.f32 v53;
	v22 =	vunpack.i.u.bf16.f32 v55;
	[tilespmem:s6+$0xA0] =	vst v27;
	v27 =	vunpack.i.l.bf16.f32 v55  }
0x2d5: {  	v24 =	vunpack.i.u.bf16.f32 v25;
	v28 =	vunpack.i.l.bf16.f32 v25;
	[tilespmem:s6+$0xB0] =	vst v26;
	v25 =	vunpack.i.l.bf16.f32 v3  }
0x2d6: {  	v3 =	vmul.f32 v29, v41;
	v26 =	vunpack.i.u.bf16.f32 v30;
	v30 =	vunpack.i.l.bf16.f32 v30;
	[tilespmem:s6+$0xC0] =	vst v31  }
0x2d7: {  	v29 =	vunpack.i.u.bf16.f32 v61;
	v31 =	vunpack.i.l.bf16.f32 v61;
	v61 =	vimm.s32 $0x1;
	[tilespmem:s6+$0xD0] =	vst v39  }
0x2d8: {  	v37 =	vmul.f32 v37, v41;
	v39 =	vmul.f32 v48, v38;
	[tilespmem:s6+$0xE0] =	vst v40;
	s6 =	smov.u32 s30  }
0x2d9: {  	v33 =	vmul.f32 v33, v42;
	[tilespmem:s30+$0xFFFFFF00] =	vst v3;
	v3 =	vmul.f32 v35, v38  }
0x2da: {  	v34 =	vmul.f32 v34, v42;
	v35 =	vmul.f32 v54, v43;
	[tilespmem:s30+$0xFFFFFF10] =	vst v37  }
0x2db: {  	v32 =	vmul.f32 v32, v43;
	v1 =	vmul.f32 v1, v36;
	[tilespmem:s30+$0xFFFFFF20] =	vst v39  }
0x2dc: {  	v41 =	vmul.f32 v2, v44;
	v43 =	vmul.f32 v0, v36;
	[tilespmem:s30+$0xFFFFFF30] =	vst v3  }
.Ltmp8:
0x2dd: {  	v42 =	vmul.f32 v56, v44;
	v39 =	vmul.f32 v58, v45;
	v58 =	vimm.s32 $0x3;
	[tilespmem:s30+$0xFFFFFF40] =	vst v33;
	(pc) =	sbr.rel @p4 .LBB2_14-.Ltmp8, $4  }
0x2de: {  	v40 =	vmul.f32 v57, v45;
	v38 =	vmul.f32 v47, v46;
	[tilespmem:s30+$0xFFFFFF50] =	vst v34  }
0x2df: {  	v36 =	vmul.f32 v50, v49;
	v37 =	vmul.f32 v59, v46;
	[tilespmem:s30+$0xFFFFFF60] =	vst v35  }
0x2e0: {  	v34 =	vmul.f32 v52, v51;
	v35 =	vmul.f32 v60, v49;
	[tilespmem:s30+$0xFFFFFF70] =	vst v32  }
0x2e1: {  	s12 =	sadd.s32 $0x10, s12;
	v33 =	vmul.f32 v62, v51;
	v62 =	vimm.s32 $0x2;
	v32 =	vmul.f32 v53, v21;
	[tilespmem:s30+$0xFFFFFF80] =	vst v1  }
0x2e2: {  	[tilespmem:s30+$0xFFFFFF90] =	vst v43  }
0x2e3: {  	[tilespmem:s30+$0xFFFFFFA0] =	vst v41  }
0x2e4: {  	[tilespmem:s30+$0xFFFFFFB0] =	vst v42  }
0x2e5: {  	[tilespmem:s30+$0xFFFFFFC0] =	vst v39  }
0x2e6: {  	[tilespmem:s30+$0xFFFFFFD0] =	vst v40  }
0x2e7: {  	[tilespmem:s30+$0xFFFFFFE0] =	vst v38  }
0x2e8: {  	[tilespmem:s30+$0xFFFFFFF0] =	vst v37  }
0x2e9: {  	[tilespmem:s30+$0x0] =	vst v36  }
0x2ea: {  	[tilespmem:s6+$0x20] =	vst v34  }
0x2eb: {  	[tilespmem:s6+$0x10] =	vst v35  }
0x2ec: {  	v0 =	vmul.f32 v23, v21;
	[tilespmem:s6+$0x30] =	vst v33  }
0x2ed: {  	v1 =	vmul.f32 v27, v20;
	[tilespmem:s6+$0x40] =	vst v32  }
0x2ee: {  	v2 =	vmul.f32 v22, v20;
	[tilespmem:s6+$0x50] =	vst v0  }
0x2ef: {  	v53 =	vmul.f32 v28, v19;
	[tilespmem:s6+$0x60] =	vst v1  }
0x2f0: {  	v54 =	vmul.f32 v24, v19;
	[tilespmem:s6+$0x70] =	vst v2  }
0x2f1: {  	v55 =	vmul.f32 v30, v17;
	[tilespmem:s6+$0x80] =	vst v53  }
0x2f2: {  	v56 =	vmul.f32 v26, v17;
	[tilespmem:s6+$0x90] =	vst v54  }
0x2f3: {  	v57 =	vmul.f32 v31, v18;
	[tilespmem:s6+$0xA0] =	vst v55  }
0x2f4: {  	v59 =	vmul.f32 v29, v18;
	[tilespmem:s6+$0xB0] =	vst v56  }
0x2f5: {  	v60 =	vmul.f32 v25, v16;
	[tilespmem:s6+$0xC0] =	vst v57  }
0x2f6: {  	[tilespmem:s6+$0xD0] =	vst v59  }
0x2f7: {  	[tilespmem:s6+$0xE0] =	vst v60  }
0x2f8: {  	_ =	swait.ge [sflag:s1], $0x80  }
0x2f9: {  	[sflag:s1] =	ssyncset.done $0x0  }
0x2fa: {  	s3 =	simm.s32 $0x1AB00;
	s12 =	smin.u32 s26, $0x18C;
	[sflag:s1] =	ssyncadd.s32 $0xFFFFFF80  }
0x2fb: {  	[spmem:s18] =	stream.indirect.scatter.add.f32 [tilespmem:s3], [sflag:$0x8], $0x20, s2, s9, $0xb8;
	[tilespmem:$0x1EB80] =	vst v63  }
0x2fc: {  	s28 =	sadd.s32 $0x1, s28;
	s3 =	sshll.u32 s12, $0x7  }
0x2fd: {  	p4 =	sne.s32 s28, $0xC8;
	s3 =	sadd.s32 s3, s29  }
.Ltmp9:
0x2fe: {  	s3 =	sshrl.u32 s3, $0x3;
	(pc) =	sbr.rel @p4 .LBB2_11-.Ltmp9, $4  }
0x2ff: {  	s26 =	sadd.s32 s22, s3  }
0x300: {  	[tilespmem:s11], [sflag:$0x2] =	stream.linear.gather [hbm4b:s26+s0], $0x80, $0x38;
	[tilespmem:$0x1EB80] =	vst v63  }
0x301: {  	s30 =	simm.s32 $0x18A80;
	s3 =	sadd.s32 s24, s3  }
0x302: {  	[tilespmem:s30], [sflag:$0x2] =	stream.linear.gather [hbm4b:s3+s0], $0x80, $0x38;
	[tilespmem:$0x1EB80] =	vst v63  }
0x303: {  	_ =	swait.ge [sflag:s16], $0x1000  }
0x304: {  	[sflag:s16] =	ssyncset.done $0x0  }
0x305: {  	[sflag:s16] =	ssyncadd.s32 $0xFFFFF000  }
0x306: {  	_ =	swait.ge [sflag:s25], $0x800  }
0x307: {  	[sflag:s25] =	ssyncset.done $0x0  }
0x308: {  	[sflag:s25] =	ssyncadd.s32 $0xFFFFF800  }
0x309: {  	_ =	swait.ge [sflag:s14], $0x80  }
0x30a: {  	[sflag:s14] =	ssyncset.done $0x0  }
0x30b: {  	[sflag:s14] =	ssyncadd.s32 $0xFFFFFF80  }
0x30c: {  	_ =	swait.ge [sflag:s14], $0x80  }
.Ltmp10:
0x30d: {  	[sflag:s14] =	ssyncset.done $0x0;
	(pc) =	sbr.rel .LBB2_17-.Ltmp10, $4  }
0x30e: {  	[sflag:s14] =	ssyncadd.s32 $0xFFFFFF80  }
0x30f: {  	_ =	swait.ge [sflag:s4], $0x80  }
0x310: {  	[sflag:s4] =	ssyncset.done $0x0  }
0x311: {  	s17 =	sld [smem:$0x7ED];
	[sflag:s4] =	ssyncadd.s32 $0xFFFFFF80  }
.LBB2_18:
0x312: {  	_ =	sfence.sel $0x180000  }
0x313: {  	[bflag:$0x0] =	sbarrier.arrive $0xFFFF  }
0x314: {  	_ =	strace $0x90000047  }
0x315: {  	s0 =	stileid.u32;
	[bflag:$0x2] =	sbarrier.arrive $0xFFFF  }
0x316: {  	p0 =	sne.s32 s0, $0x0;
	s0 =	rddreg [dreg:$0x4]  }
0x317: {  	s0 =	sadd.s32 @!p0 $0x100000, s0  }
0x318: {  	[sflag:s0] =	ssyncadd.tile.s32 @!p0 $0x1;
	_ =	shalt  }
.Lfunc_end2:
_tile_overlayer_lowered:
.L_overlay_start_2:
0x319: {  	(tag) =	ssettag $0x2  }
0x31a: {  	s0 =	rddreg [dreg:$0x0];
	s2 =	stileid.u32  }
0x31b: {  	s1 =	rddreg [dreg:$0x1];
	p0 =	sne.s32 s2, $0x0  }
0x31c: {  	s3 =	rddreg [dreg:$0x2];
	[bflag:$0x3] =	sbarrier.arrive $0xFFFF;
	s2 =	simm.s32 @!p0 $0x1C0A  }
0x31d: {  	[timem:s3], [sflag:s2] =	dma.local @!p0 [hbm:s0], s1  }
0x31e: {  	s0 =	simm.s32 @!p0 $0xA  }
0x31f: {  	_ =	swait.ge @!p0 [sflag:s0], s1  }
0x320: {  	s1 =	ssub.s32 @!p0 $0x0, s1;
	[sflag:s0] =	ssyncset.done @!p0 $0x0  }
0x321: {  	[sflag:s0] =	ssyncadd.s32 @!p0 s1  }
0x322: {  	[bflag:$0x3] =	sbarrier.arrive $0xFFFF  }
0x323: {  	_ =	shalt  }

</sc_bundles>
